<compile_context>
chip_gen: v7x
topology: tpu7x:2x2x1
jax: 0.10.2.dev20260603
libtpu: 0.0.44.dev20260713+nightly
codegen_flags: <defaults>
</compile_context>

<pallas_src>
import functools

import jax
import jax.numpy as jnp
from jax import lax
from jax.experimental import pallas as pl
from jax.experimental.pallas import tpu as pltpu
from jax.experimental.pallas import tpu_sc as plsc

N = 10000
E = 320000
E2 = E + N
D_IN = 128
HID = 16
D_OUT = 16

NC = 2
NS = 16
NW = NC * NS
NPT = 320
NPAD = NW * NPT
KD = 128
SSTAGE = 136
E2P = E2 + 256



def _mm1_body(x_ref, w_ref, o_ref):
    o_ref[...] = jnp.dot(x_ref[...], w_ref[...],
                         preferred_element_type=jnp.float32)


def _mm2_body(x_ref, b_ref, w_ref, o_ref):
    h = jnp.maximum(x_ref[...] + b_ref[...], 0.0)
    o_ref[...] = jnp.dot(h, w_ref[...], preferred_element_type=jnp.float32)


def _mm1(x, w):
    return pl.pallas_call(
        _mm1_body,
        out_shape=jax.ShapeDtypeStruct((x.shape[0], w.shape[1]), jnp.float32),
    )(x, w)


def _mm2(x, b, w):
    return pl.pallas_call(
        _mm2_body,
        out_shape=jax.ShapeDtypeStruct((x.shape[0], w.shape[1]), jnp.float32),
    )(x, b.reshape(1, -1), w)



def _it():
    return lax.iota(jnp.int32, 16)


def _splat(v):
    return jnp.full((16,), v, jnp.int32)


def _node_off(offbuf, i):
    ip = jnp.minimum(i, NPT - 1)
    return jnp.max(plsc.load_gather(offbuf, [_splat(ip)]))


def _stage_start(srcs_ref, offbuf, i, base_chunk, sstage, ssem):
    off = _node_off(offbuf, i) + base_chunk
    base8 = pl.multiple_of((off >> 3) << 3, 8)
    pltpu.make_async_copy(srcs_ref.at[pl.ds(base8, SSTAGE)], sstage,
                          ssem).start()


def _stage_wait(srcs_ref, sstage, ssem):
    pltpu.make_async_copy(srcs_ref.at[pl.ds(0, SSTAGE)], sstage, ssem).wait()


def _build_idx(offbuf, i, base_chunk, sstage, sbuf):
    off = _node_off(offbuf, i) + base_chunk
    base8 = (off >> 3) << 3
    r = off - base8
    it = _it()
    for q in range(KD // 16):
        sbuf[pl.ds(16 * q, 16)] = plsc.load_gather(
            sstage, [_splat(r + 16 * q) + it])


def _gather_start(h_ref, offbuf, i, sstage, sbuf, buf, gsem):
    _build_idx(offbuf, i, 0, sstage, sbuf)
    pltpu.make_async_copy(h_ref.at[sbuf], buf, gsem).start()


def _gather_wait(h_ref, sbuf, buf, gsem):
    pltpu.make_async_copy(h_ref.at[sbuf], buf, gsem).wait()


def _fill_sync(srcs_ref, h_ref, offbuf, i, base_chunk, xstage, xsbuf, buf,
               xsem):
    _stage_start(srcs_ref, offbuf, i, base_chunk, xstage, xsem)
    _stage_wait(srcs_ref, xstage, xsem)
    _build_idx(offbuf, i, base_chunk, xstage, xsbuf)
    cp = pltpu.make_async_copy(h_ref.at[xsbuf], buf, xsem)
    cp.start()
    cp.wait()


def _row(buf, j):
    return plsc.load_gather(buf, [_splat(j), _it()])


def _count_lt(buf, vi, n):
    zero = jnp.zeros((16,), jnp.int32)

    def body4(q, c):
        j = q << 2
        c = c + (_row(buf, j) < vi).astype(jnp.int32)
        c = c + (_row(buf, j + 1) < vi).astype(jnp.int32)
        c = c + (_row(buf, j + 2) < vi).astype(jnp.int32)
        c = c + (_row(buf, j + 3) < vi).astype(jnp.int32)
        return c

    c = lax.fori_loop(0, n >> 2, body4, zero)
    base = (n >> 2) << 2

    def bodyt(j, c):
        return c + (_row(buf, base + j) < vi).astype(jnp.int32)

    return lax.fori_loop(0, n & 3, bodyt, c)


def _sc_body(h_ref, srcs_ref, offs_ref, deg_ref, out_ref,
             offbuf, degbuf,
             sstage0, sstage1, sstage2, sstage3,
             sbuf0, sbuf1, sbuf2, sbuf3,
             buf0, buf1, buf2, buf3,
             xstage, xsbuf, xbuf, cbuf, medbuf,
             ssem0, ssem1, ssem2, ssem3,
             gsem0, gsem1, gsem2, gsem3, xsem):
    wid = lax.axis_index("s") * NC + lax.axis_index("c")
    n0 = wid * NPT
    pltpu.sync_copy(offs_ref.at[pl.ds(n0, NPT)], offbuf)
    pltpu.sync_copy(deg_ref.at[pl.ds(n0, NPT)], degbuf)
    it = _it()
    neg_inf = jnp.full((16,), -jnp.inf, jnp.float32)

    sstages = [sstage0, sstage1, sstage2, sstage3]
    sbufs = [sbuf0, sbuf1, sbuf2, sbuf3]
    bufs = [buf0, buf1, buf2, buf3]
    ssems = [ssem0, ssem1, ssem2, ssem3]
    gsems = [gsem0, gsem1, gsem2, gsem3]

    def compute(i_node, sbuf, buf, gsem):
        _gather_wait(h_ref, sbuf, buf, gsem)
        d_vec = plsc.load_gather(degbuf, [_splat(i_node)])
        d = jnp.max(d_vec)
        kvec = (d_vec - 1) >> 1

        @pl.when(d <= KD)
        def _fast():
            def cand_i(i, m):
                vi = _row(buf, i)
                c = _count_lt(buf, vi, d)
                return jnp.maximum(m, jnp.where(c <= kvec, vi, -jnp.inf))

            m = lax.fori_loop(0, d, cand_i, neg_inf)
            plsc.store_scatter(medbuf, [_splat(i_node), it], m)

        @pl.when(d > KD)
        def _general():
            num_chunks = (d + (KD - 1)) >> 7
            plsc.store_scatter(medbuf, [_splat(i_node), it], neg_inf)

            def chunk_a(ca, _):
                n_a = jnp.minimum(d - ca * KD, KD)
                _fill_sync(srcs_ref, h_ref, offbuf, i_node, ca * KD,
                           xstage, xsbuf, buf, xsem)

                def zero_i(i, c):
                    plsc.store_scatter(cbuf, [_splat(i), it],
                                       jnp.zeros((16,), jnp.int32))
                    return c
                lax.fori_loop(0, n_a, zero_i, 0)

                def chunk_b(cb, _):
                    n_b = jnp.minimum(d - cb * KD, KD)
                    _fill_sync(srcs_ref, h_ref, offbuf, i_node, cb * KD,
                               xstage, xsbuf, xbuf, xsem)

                    def cand_i(i, c0):
                        vi = _row(buf, i)
                        c = _count_lt(xbuf, vi, n_b)
                        cold = plsc.load_gather(cbuf, [_splat(i), it])
                        plsc.store_scatter(cbuf, [_splat(i), it], cold + c)
                        return c0
                    lax.fori_loop(0, n_a, cand_i, 0)
                    return 0
                lax.fori_loop(0, num_chunks, chunk_b, 0)

                def sel_i(i, m):
                    vi = _row(buf, i)
                    ci = plsc.load_gather(cbuf, [_splat(i), it])
                    return jnp.maximum(
                        m, jnp.where(ci <= kvec, vi, -jnp.inf))
                m = lax.fori_loop(0, n_a, sel_i, neg_inf)

                mold = plsc.load_gather(medbuf, [_splat(i_node), it])
                plsc.store_scatter(medbuf, [_splat(i_node), it],
                                   jnp.maximum(mold, m))
                return 0
            lax.fori_loop(0, num_chunks, chunk_a, 0)

    del sstages, sbufs, bufs, ssems, gsems

    def node_body(i, _):
        _stage_start(srcs_ref, offbuf, i, 0, sstage0, ssem0)
        _stage_wait(srcs_ref, sstage0, ssem0)
        _gather_start(h_ref, offbuf, i, sstage0, sbuf0, buf0, gsem0)
        compute(i, sbuf0, buf0, gsem0)
        return 0

    lax.fori_loop(0, NPT, node_body, 0)

    pltpu.sync_copy(medbuf, out_ref.at[pl.ds(n0, NPT)])


@functools.partial(jax.jit, static_argnames=())
def _sc_median(h, srcs_pad, offs_pad, deg_pad):
    mesh = plsc.VectorSubcoreMesh(core_axis_name="c", subcore_axis_name="s",
                                  num_cores=NC, num_subcores=NS)
    f = pl.kernel(
        _sc_body,
        out_type=jax.ShapeDtypeStruct((NPAD, HID), jnp.float32),
        mesh=mesh,
        scratch_types=[
            pltpu.VMEM((NPT,), jnp.int32),
            pltpu.VMEM((NPT,), jnp.int32),
            pltpu.VMEM((SSTAGE,), jnp.int32),
            pltpu.VMEM((SSTAGE,), jnp.int32),
            pltpu.VMEM((SSTAGE,), jnp.int32),
            pltpu.VMEM((SSTAGE,), jnp.int32),
            pltpu.VMEM((KD,), jnp.int32),
            pltpu.VMEM((KD,), jnp.int32),
            pltpu.VMEM((KD,), jnp.int32),
            pltpu.VMEM((KD,), jnp.int32),
            pltpu.VMEM((KD, HID), jnp.float32),
            pltpu.VMEM((KD, HID), jnp.float32),
            pltpu.VMEM((KD, HID), jnp.float32),
            pltpu.VMEM((KD, HID), jnp.float32),
            pltpu.VMEM((SSTAGE,), jnp.int32),
            pltpu.VMEM((KD,), jnp.int32),
            pltpu.VMEM((KD, HID), jnp.float32),
            pltpu.VMEM((KD, HID), jnp.int32),
            pltpu.VMEM((NPT, HID), jnp.float32),
            pltpu.SemaphoreType.DMA,
            pltpu.SemaphoreType.DMA,
            pltpu.SemaphoreType.DMA,
            pltpu.SemaphoreType.DMA,
            pltpu.SemaphoreType.DMA,
            pltpu.SemaphoreType.DMA,
            pltpu.SemaphoreType.DMA,
            pltpu.SemaphoreType.DMA,
            pltpu.SemaphoreType.DMA,
        ],
        compiler_params=pltpu.CompilerParams(needs_layout_passes=False,
                                             use_tc_tiling_on_sc=False),
    )
    return f(h, srcs_pad, offs_pad, deg_pad)


def kernel(x, edge_index, W1, b1, W2, b2):
    loops = jnp.arange(N, dtype=jnp.int32)
    src = jnp.concatenate([edge_index[0].astype(jnp.int32), loops])
    dst = jnp.concatenate([edge_index[1].astype(jnp.int32), loops])
    perm = jnp.argsort(dst)
    srcs_sorted = jnp.take(src, perm)
    deg = jnp.bincount(dst, length=N).astype(jnp.int32)
    offsets = jnp.concatenate(
        [jnp.zeros((1,), jnp.int32), jnp.cumsum(deg)[:-1].astype(jnp.int32)])
    srcs_pad = jnp.zeros((E2P,), jnp.int32).at[:E2].set(srcs_sorted)
    offs_pad = jnp.full((NPAD,), E2, jnp.int32).at[:N].set(offsets)
    deg_pad = jnp.zeros((NPAD,), jnp.int32).at[:N].set(deg)

    h1 = _mm1(x, W1)
    med1 = _sc_median(h1, srcs_pad, offs_pad, deg_pad)[:N]
    h2 = _mm2(med1, b1, W2)
    med2 = _sc_median(h2, srcs_pad, offs_pad, deg_pad)[:N]
    return med2 + b2

# --- scband reference (transcript-rebuilt; emitter-appended) ---
"""Pipeline reference for scband-median-gcn-5858335392246 (READ-ONLY COPY).

The authoritative reference and input builder live on the scoring server;
editing this copy changes nothing except your own understanding.
"""

import jax, jax.numpy as jnp
import numpy as np

N = 10000
E = 320000
D_IN = 128
HID = 16
D_OUT = 16


def median_aggregate(msgs, dst, num_nodes):
    # msgs: [E, d]; per-dst-node elementwise median (lower median, matching torch)
    deg = jnp.bincount(dst, length=num_nodes)
    offsets = jnp.concatenate([jnp.zeros((1,), deg.dtype), jnp.cumsum(deg)[:-1]])

    def col_sorted(v):
        order = jnp.lexsort((v, dst))
        return jnp.take(v, order)

    sorted_vals = jax.vmap(col_sorted, in_axes=1, out_axes=1)(msgs)
    med_idx = jnp.maximum((deg - 1) // 2, 0)
    gather_idx = jnp.clip(offsets + med_idx, 0, dst.shape[0] - 1)
    out = jnp.take(sorted_vals, gather_idx, axis=0)
    out = jnp.where((deg > 0)[:, None], out, 0.0)
    return out


def median_conv(x, src, dst, W, b, num_nodes):
    h = x @ W
    msgs = jnp.take(h, src, axis=0)
    out = median_aggregate(msgs, dst, num_nodes)
    return out + b


def setup_inputs(seed: int = 0):
    key = jax.random.key(seed)
    ks = jax.random.split(key, 6)
    x = jax.random.normal(ks[0], (N, D_IN), dtype=jnp.float32)
    edge_index = jax.random.randint(ks[1], (2, E), 0, N, dtype=jnp.int32)
    W1 = jax.random.normal(ks[2], (D_IN, HID), dtype=jnp.float32) * (1.0 / np.sqrt(D_IN))
    b1 = jnp.zeros((HID,), jnp.float32)
    W2 = jax.random.normal(ks[3], (HID, D_OUT), dtype=jnp.float32) * (1.0 / np.sqrt(HID))
    b2 = jnp.zeros((D_OUT,), jnp.float32)
    return {"x": x, "edge_index": edge_index, "W1": W1, "b1": b1, "W2": W2, "b2": b2}


def reference(x, edge_index, W1, b1, W2, b2):
    # MedianConv adds self-loops by default (add_self_loops=True)
    loops = jnp.arange(N, dtype=edge_index.dtype)
    src = jnp.concatenate([edge_index[0], loops])
    dst = jnp.concatenate([edge_index[1], loops])
    # layer 1: MedianConv(128 -> 16) + relu (dropout is identity in eval mode)
    h = median_conv(x, src, dst, W1, b1, N)
    h = jax.nn.relu(h)
    # layer 2: MedianConv(16 -> 16)
    out = median_conv(h, src, dst, W2, b2, N)
    return out

if __name__ == "__main__":
    import jax
    _d = setup_inputs()
    print(jax.jit(kernel)(*tuple(_d.values())))

</pallas_src>

<mosaic_0001>
#map = affine_map<(d0, d1) -> (0, 0)>
#map1 = affine_map<(d0, d1) -> (0)>
module attributes {stable_mosaic.version = 14 : i64} {
  func.func @_sc_body(%arg0: i32, %arg1: i32, %arg2: memref<10000x16xf32, #tpu.memory_space<hbm>>, %arg3: memref<330256xi32, #tpu.memory_space<hbm>>, %arg4: memref<10240xi32, #tpu.memory_space<hbm>>, %arg5: memref<10240xi32, #tpu.memory_space<hbm>>, %arg6: memref<10240x16xf32, #tpu.memory_space<hbm>>, %arg7: memref<320xi32, #tpu.memory_space<vmem>>, %arg8: memref<320xi32, #tpu.memory_space<vmem>>, %arg9: memref<136xi32, #tpu.memory_space<vmem>>, %arg10: memref<136xi32, #tpu.memory_space<vmem>>, %arg11: memref<136xi32, #tpu.memory_space<vmem>>, %arg12: memref<136xi32, #tpu.memory_space<vmem>>, %arg13: memref<128xi32, #tpu.memory_space<vmem>>, %arg14: memref<128xi32, #tpu.memory_space<vmem>>, %arg15: memref<128xi32, #tpu.memory_space<vmem>>, %arg16: memref<128xi32, #tpu.memory_space<vmem>>, %arg17: memref<128x16xf32, #tpu.memory_space<vmem>>, %arg18: memref<128x16xf32, #tpu.memory_space<vmem>>, %arg19: memref<128x16xf32, #tpu.memory_space<vmem>>, %arg20: memref<128x16xf32, #tpu.memory_space<vmem>>, %arg21: memref<136xi32, #tpu.memory_space<vmem>>, %arg22: memref<128xi32, #tpu.memory_space<vmem>>, %arg23: memref<128x16xf32, #tpu.memory_space<vmem>>, %arg24: memref<128x16xi32, #tpu.memory_space<vmem>>, %arg25: memref<320x16xf32, #tpu.memory_space<vmem>>, %arg26: memref<!tpu.dma_semaphore, #tpu.memory_space<semaphore_mem>>, %arg27: memref<!tpu.dma_semaphore, #tpu.memory_space<semaphore_mem>>, %arg28: memref<!tpu.dma_semaphore, #tpu.memory_space<semaphore_mem>>, %arg29: memref<!tpu.dma_semaphore, #tpu.memory_space<semaphore_mem>>, %arg30: memref<!tpu.dma_semaphore, #tpu.memory_space<semaphore_mem>>, %arg31: memref<!tpu.dma_semaphore, #tpu.memory_space<semaphore_mem>>, %arg32: memref<!tpu.dma_semaphore, #tpu.memory_space<semaphore_mem>>, %arg33: memref<!tpu.dma_semaphore, #tpu.memory_space<semaphore_mem>>, %arg34: memref<!tpu.dma_semaphore, #tpu.memory_space<semaphore_mem>>) attributes {dimension_semantics = [#tpu.dimension_semantics<core_parallel>, #tpu.dimension_semantics<subcore_parallel>], iteration_bounds = array<i64: 2, 16>, scalar_prefetch = 0 : i64, scratch_operands = 28 : i64, tpu.core_type = #tpu.core_type<sc_vector_subcore>, window_params = [{transform_indices = #map}, {transform_indices = #map1}, {transform_indices = #map1}, {transform_indices = #map1}, {transform_indices = #map}]} {
    %mul3A = arith.constant 2 : i32
    %mul3A_0 = arith.muli %arg1, %mul3A : i32
    %add3A = arith.addi %mul3A_0, %arg0 : i32
    %mul3A_1 = arith.constant 320 : i32
    %mul3A_2 = arith.muli %add3A, %mul3A_1 : i32
    "tpu.region"() ({
      %run_scoped3A = tpu.sem_alloc : memref<!tpu.dma_semaphore, #tpu.memory_space<semaphore_mem>>
      %dma_start3A = tpu.memref_slice %arg4[%mul3A_2] : memref<10240xi32, #tpu.memory_space<hbm>> -> memref<320xi32, #tpu.memory_space<hbm>>
      %dma_start3A_10 = tpu.memref_slice %arg4[%mul3A_2] : memref<10240xi32, #tpu.memory_space<hbm>> -> memref<320xi32, #tpu.memory_space<hbm>>
      tpu.enqueue_dma source(%dma_start3A_10 : memref<320xi32, #tpu.memory_space<hbm>>) target(%arg7 : memref<320xi32, #tpu.memory_space<vmem>>) target_semaphore(%run_scoped3A : memref<!tpu.dma_semaphore, #tpu.memory_space<semaphore_mem>>)
      %dma_wait3A = tpu.memref_slice %arg4[%mul3A_2] : memref<10240xi32, #tpu.memory_space<hbm>> -> memref<320xi32, #tpu.memory_space<hbm>>
      %dma_wait3A_11 = tpu.memref_slice %arg4[%mul3A_2] : memref<10240xi32, #tpu.memory_space<hbm>> -> memref<320xi32, #tpu.memory_space<hbm>>
      tpu.wait_dma2 semaphore(%run_scoped3A : memref<!tpu.dma_semaphore, #tpu.memory_space<semaphore_mem>>) src(%dma_wait3A_11 : memref<320xi32, #tpu.memory_space<hbm>>) dst(%arg7 : memref<320xi32, #tpu.memory_space<vmem>>)
      tpu.yield
    }) : () -> ()
    "tpu.region"() ({
      %run_scoped3A = tpu.sem_alloc : memref<!tpu.dma_semaphore, #tpu.memory_space<semaphore_mem>>
      %dma_start3A = tpu.memref_slice %arg5[%mul3A_2] : memref<10240xi32, #tpu.memory_space<hbm>> -> memref<320xi32, #tpu.memory_space<hbm>>
      %dma_start3A_10 = tpu.memref_slice %arg5[%mul3A_2] : memref<10240xi32, #tpu.memory_space<hbm>> -> memref<320xi32, #tpu.memory_space<hbm>>
      tpu.enqueue_dma source(%dma_start3A_10 : memref<320xi32, #tpu.memory_space<hbm>>) target(%arg8 : memref<320xi32, #tpu.memory_space<vmem>>) target_semaphore(%run_scoped3A : memref<!tpu.dma_semaphore, #tpu.memory_space<semaphore_mem>>)
      %dma_wait3A = tpu.memref_slice %arg5[%mul3A_2] : memref<10240xi32, #tpu.memory_space<hbm>> -> memref<320xi32, #tpu.memory_space<hbm>>
      %dma_wait3A_11 = tpu.memref_slice %arg5[%mul3A_2] : memref<10240xi32, #tpu.memory_space<hbm>> -> memref<320xi32, #tpu.memory_space<hbm>>
      tpu.wait_dma2 semaphore(%run_scoped3A : memref<!tpu.dma_semaphore, #tpu.memory_space<semaphore_mem>>) src(%dma_wait3A_11 : memref<320xi32, #tpu.memory_space<hbm>>) dst(%arg8 : memref<320xi32, #tpu.memory_space<vmem>>)
      tpu.yield
    }) : () -> ()
    %iota3A = tpu.iota {dimensions = array<i32: 0>} : vector<16xi32>
    %broadcast_in_dim3A = arith.constant 0xFF800000 : f32
    %broadcast_in_dim3A_3 = vector.broadcast %broadcast_in_dim3A : f32 to vector<16xf32>
    %scan3A = arith.constant 0 : i32
    %scan3A_4 = arith.constant 0 : i32
    %scan3A_5 = arith.constant 320 : i32
    %scan3A_6 = arith.addi %scan3A_4, %scan3A_5 : i32
    %scan3A_7 = arith.constant 1 : i32
    %scan3A_8 = scf.for %scan3A_10 = %scan3A_4 to %scan3A_6 step %scan3A_7 iter_args(%scan3A_11 = %scan3A) -> (i32)  : i32 {
      %min3A = arith.constant 319 : i32
      %min3A_12 = arith.minsi %scan3A_10, %min3A : i32
      %broadcast_in_dim3A_13 = vector.broadcast %min3A_12 : i32 to vector<16xi32>
      %gather3A = tpu.vector_load_idx %arg7[%broadcast_in_dim3A_13] : memref<320xi32, #tpu.memory_space<vmem>>[vector<16xi32>], vector<16xi32>,
      %reduce_max3A = arith.constant true
      %reduce_max3A_14 = vector.broadcast %reduce_max3A : i1 to vector<16xi1>
      %reduce_max3A_15 = arith.constant -2147483648 : i32
      %reduce_max3A_16 = vector.broadcast %reduce_max3A_15 : i32 to vector<16xi32>
      %reduce_max3A_17 = arith.xori %gather3A, %reduce_max3A_16 : vector<16xi32>
      %reduce_max3A_18 = tpu.scan <max>, %reduce_max3A_17 masked %reduce_max3A_14 : vector<16xi32>, vector<16xi1> -> vector<16xi32>
      %reduce_max3A_19 = arith.xori %reduce_max3A_18, %reduce_max3A_16 : vector<16xi32>
      %reduce_max3A_20 = vector.extract %reduce_max3A_19[15] : i32 from vector<16xi32>
      %add3A_21 = arith.constant 0 : i32
      %add3A_22 = arith.addi %reduce_max3A_20, %add3A_21 : i32
      %shift_right_arithmetic3A = arith.constant 3 : i32
      %shift_right_arithmetic3A_23 = arith.shrsi %add3A_22, %shift_right_arithmetic3A : i32
      %shift_left3A = arith.constant 3 : i32
      %shift_left3A_24 = arith.shli %shift_right_arithmetic3A_23, %shift_left3A : i32
      %multiple_of3A = tpu.assume_multiple %shift_left3A_24, 8 : i32
      %dma_start3A = tpu.memref_slice %arg3[%multiple_of3A] : memref<330256xi32, #tpu.memory_space<hbm>> -> memref<136xi32, #tpu.memory_space<hbm>>
      %dma_start3A_25 = tpu.memref_slice %arg3[%multiple_of3A] : memref<330256xi32, #tpu.memory_space<hbm>> -> memref<136xi32, #tpu.memory_space<hbm>>
      tpu.enqueue_dma source(%dma_start3A_25 : memref<136xi32, #tpu.memory_space<hbm>>) target(%arg9 : memref<136xi32, #tpu.memory_space<vmem>>) target_semaphore(%arg26 : memref<!tpu.dma_semaphore, #tpu.memory_space<semaphore_mem>>)
      %dma_wait3A = arith.constant 0 : i32
      %dma_wait3A_26 = tpu.memref_slice %arg3[%dma_wait3A] : memref<330256xi32, #tpu.memory_space<hbm>> -> memref<136xi32, #tpu.memory_space<hbm>>
      %dma_wait3A_27 = arith.constant 0 : i32
      %dma_wait3A_28 = tpu.memref_slice %arg3[%dma_wait3A_27] : memref<330256xi32, #tpu.memory_space<hbm>> -> memref<136xi32, #tpu.memory_space<hbm>>
      tpu.wait_dma2 semaphore(%arg26 : memref<!tpu.dma_semaphore, #tpu.memory_space<semaphore_mem>>) src(%dma_wait3A_28 : memref<136xi32, #tpu.memory_space<hbm>>) dst(%arg9 : memref<136xi32, #tpu.memory_space<vmem>>)
      %min3A_29 = arith.constant 319 : i32
      %min3A_30 = arith.minsi %scan3A_10, %min3A_29 : i32
      %broadcast_in_dim3A_31 = vector.broadcast %min3A_30 : i32 to vector<16xi32>
      %gather3A_32 = tpu.vector_load_idx %arg7[%broadcast_in_dim3A_31] : memref<320xi32, #tpu.memory_space<vmem>>[vector<16xi32>], vector<16xi32>,
      %reduce_max3A_33 = arith.constant true
      %reduce_max3A_34 = vector.broadcast %reduce_max3A_33 : i1 to vector<16xi1>
      %reduce_max3A_35 = arith.constant -2147483648 : i32
      %reduce_max3A_36 = vector.broadcast %reduce_max3A_35 : i32 to vector<16xi32>
      %reduce_max3A_37 = arith.xori %gather3A_32, %reduce_max3A_36 : vector<16xi32>
      %reduce_max3A_38 = tpu.scan <max>, %reduce_max3A_37 masked %reduce_max3A_34 : vector<16xi32>, vector<16xi1> -> vector<16xi32>
      %reduce_max3A_39 = arith.xori %reduce_max3A_38, %reduce_max3A_36 : vector<16xi32>
      %reduce_max3A_40 = vector.extract %reduce_max3A_39[15] : i32 from vector<16xi32>
      %add3A_41 = arith.constant 0 : i32
      %add3A_42 = arith.addi %reduce_max3A_40, %add3A_41 : i32
      %shift_right_arithmetic3A_43 = arith.constant 3 : i32
      %shift_right_arithmetic3A_44 = arith.shrsi %add3A_42, %shift_right_arithmetic3A_43 : i32
      %shift_left3A_45 = arith.constant 3 : i32
      %shift_left3A_46 = arith.shli %shift_right_arithmetic3A_44, %shift_left3A_45 : i32
      %sub3A = arith.subi %add3A_42, %shift_left3A_46 : i32
      %iota3A_47 = tpu.iota {dimensions = array<i32: 0>} : vector<16xi32>
      %add3A_48 = arith.constant 0 : i32
      %add3A_49 = arith.addi %sub3A, %add3A_48 : i32
      %broadcast_in_dim3A_50 = vector.broadcast %add3A_49 : i32 to vector<16xi32>
      %add3A_51 = arith.addi %broadcast_in_dim3A_50, %iota3A_47 : vector<16xi32>
      %gather3A_52 = tpu.vector_load_idx %arg9[%add3A_51] : memref<136xi32, #tpu.memory_space<vmem>>[vector<16xi32>], vector<16xi32>,
      %swap3A = arith.constant 0 : index
      %swap3A_53 = tpu.vector_load %arg13[%swap3A] {strides = array<i32>} : memref<128xi32, #tpu.memory_space<vmem>>, vector<16xi32>,
      tpu.vector_store %arg13[%swap3A], %gather3A_52 {strides = array<i32>} : memref<128xi32, #tpu.memory_space<vmem>>, vector<16xi32>,
      %add3A_54 = arith.constant 16 : i32
      %add3A_55 = arith.addi %sub3A, %add3A_54 : i32
      %broadcast_in_dim3A_56 = vector.broadcast %add3A_55 : i32 to vector<16xi32>
      %add3A_57 = arith.addi %broadcast_in_dim3A_56, %iota3A_47 : vector<16xi32>
      %gather3A_58 = tpu.vector_load_idx %arg9[%add3A_57] : memref<136xi32, #tpu.memory_space<vmem>>[vector<16xi32>], vector<16xi32>,
      %swap3A_59 = arith.constant 16 : index
      %swap3A_60 = tpu.vector_load %arg13[%swap3A_59] {strides = array<i32>} : memref<128xi32, #tpu.memory_space<vmem>>, vector<16xi32>,
      tpu.vector_store %arg13[%swap3A_59], %gather3A_58 {strides = array<i32>} : memref<128xi32, #tpu.memory_space<vmem>>, vector<16xi32>,
      %add3A_61 = arith.constant 32 : i32
      %add3A_62 = arith.addi %sub3A, %add3A_61 : i32
      %broadcast_in_dim3A_63 = vector.broadcast %add3A_62 : i32 to vector<16xi32>
      %add3A_64 = arith.addi %broadcast_in_dim3A_63, %iota3A_47 : vector<16xi32>
      %gather3A_65 = tpu.vector_load_idx %arg9[%add3A_64] : memref<136xi32, #tpu.memory_space<vmem>>[vector<16xi32>], vector<16xi32>,
      %swap3A_66 = arith.constant 32 : index
      %swap3A_67 = tpu.vector_load %arg13[%swap3A_66] {strides = array<i32>} : memref<128xi32, #tpu.memory_space<vmem>>, vector<16xi32>,
      tpu.vector_store %arg13[%swap3A_66], %gather3A_65 {strides = array<i32>} : memref<128xi32, #tpu.memory_space<vmem>>, vector<16xi32>,
      %add3A_68 = arith.constant 48 : i32
      %add3A_69 = arith.addi %sub3A, %add3A_68 : i32
      %broadcast_in_dim3A_70 = vector.broadcast %add3A_69 : i32 to vector<16xi32>
      %add3A_71 = arith.addi %broadcast_in_dim3A_70, %iota3A_47 : vector<16xi32>
      %gather3A_72 = tpu.vector_load_idx %arg9[%add3A_71] : memref<136xi32, #tpu.memory_space<vmem>>[vector<16xi32>], vector<16xi32>,
      %swap3A_73 = arith.constant 48 : index
      %swap3A_74 = tpu.vector_load %arg13[%swap3A_73] {strides = array<i32>} : memref<128xi32, #tpu.memory_space<vmem>>, vector<16xi32>,
      tpu.vector_store %arg13[%swap3A_73], %gather3A_72 {strides = array<i32>} : memref<128xi32, #tpu.memory_space<vmem>>, vector<16xi32>,
      %add3A_75 = arith.constant 64 : i32
      %add3A_76 = arith.addi %sub3A, %add3A_75 : i32
      %broadcast_in_dim3A_77 = vector.broadcast %add3A_76 : i32 to vector<16xi32>
      %add3A_78 = arith.addi %broadcast_in_dim3A_77, %iota3A_47 : vector<16xi32>
      %gather3A_79 = tpu.vector_load_idx %arg9[%add3A_78] : memref<136xi32, #tpu.memory_space<vmem>>[vector<16xi32>], vector<16xi32>,
      %swap3A_80 = arith.constant 64 : index
      %swap3A_81 = tpu.vector_load %arg13[%swap3A_80] {strides = array<i32>} : memref<128xi32, #tpu.memory_space<vmem>>, vector<16xi32>,
      tpu.vector_store %arg13[%swap3A_80], %gather3A_79 {strides = array<i32>} : memref<128xi32, #tpu.memory_space<vmem>>, vector<16xi32>,
      %add3A_82 = arith.constant 80 : i32
      %add3A_83 = arith.addi %sub3A, %add3A_82 : i32
      %broadcast_in_dim3A_84 = vector.broadcast %add3A_83 : i32 to vector<16xi32>
      %add3A_85 = arith.addi %broadcast_in_dim3A_84, %iota3A_47 : vector<16xi32>
      %gather3A_86 = tpu.vector_load_idx %arg9[%add3A_85] : memref<136xi32, #tpu.memory_space<vmem>>[vector<16xi32>], vector<16xi32>,
      %swap3A_87 = arith.constant 80 : index
      %swap3A_88 = tpu.vector_load %arg13[%swap3A_87] {strides = array<i32>} : memref<128xi32, #tpu.memory_space<vmem>>, vector<16xi32>,
      tpu.vector_store %arg13[%swap3A_87], %gather3A_86 {strides = array<i32>} : memref<128xi32, #tpu.memory_space<vmem>>, vector<16xi32>,
      %add3A_89 = arith.constant 96 : i32
      %add3A_90 = arith.addi %sub3A, %add3A_89 : i32
      %broadcast_in_dim3A_91 = vector.broadcast %add3A_90 : i32 to vector<16xi32>
      %add3A_92 = arith.addi %broadcast_in_dim3A_91, %iota3A_47 : vector<16xi32>
      %gather3A_93 = tpu.vector_load_idx %arg9[%add3A_92] : memref<136xi32, #tpu.memory_space<vmem>>[vector<16xi32>], vector<16xi32>,
      %swap3A_94 = arith.constant 96 : index
      %swap3A_95 = tpu.vector_load %arg13[%swap3A_94] {strides = array<i32>} : memref<128xi32, #tpu.memory_space<vmem>>, vector<16xi32>,
      tpu.vector_store %arg13[%swap3A_94], %gather3A_93 {strides = array<i32>} : memref<128xi32, #tpu.memory_space<vmem>>, vector<16xi32>,
      %add3A_96 = arith.constant 112 : i32
      %add3A_97 = arith.addi %sub3A, %add3A_96 : i32
      %broadcast_in_dim3A_98 = vector.broadcast %add3A_97 : i32 to vector<16xi32>
      %add3A_99 = arith.addi %broadcast_in_dim3A_98, %iota3A_47 : vector<16xi32>
      %gather3A_100 = tpu.vector_load_idx %arg9[%add3A_99] : memref<136xi32, #tpu.memory_space<vmem>>[vector<16xi32>], vector<16xi32>,
      %swap3A_101 = arith.constant 112 : index
      %swap3A_102 = tpu.vector_load %arg13[%swap3A_101] {strides = array<i32>} : memref<128xi32, #tpu.memory_space<vmem>>, vector<16xi32>,
      tpu.vector_store %arg13[%swap3A_101], %gather3A_100 {strides = array<i32>} : memref<128xi32, #tpu.memory_space<vmem>>, vector<16xi32>,
      %dma_start3A_103 = arith.constant 0 : i32
      %dma_start3A_104 = arith.constant 0 : i32
      %dma_start3A_105 = tpu.memref_slice %arg2[%dma_start3A_103, %dma_start3A_104] : memref<10000x16xf32, #tpu.memory_space<hbm>> -> memref<10000x16xf32, #tpu.memory_space<hbm>>
      tpu.enqueue_indirect_dma source(%dma_start3A_105 : memref<10000x16xf32, #tpu.memory_space<hbm>>) target(%arg17 : memref<128x16xf32, #tpu.memory_space<vmem>>) offsets(%arg13 : memref<128xi32, #tpu.memory_space<vmem>>) semaphore(%arg30 : memref<!tpu.dma_semaphore, #tpu.memory_space<semaphore_mem>>)
      %dma_wait3A_106 = arith.constant 0 : i32
      %dma_wait3A_107 = arith.constant 0 : i32
      %dma_wait3A_108 = tpu.memref_slice %arg2[%dma_wait3A_106, %dma_wait3A_107] : memref<10000x16xf32, #tpu.memory_space<hbm>> -> memref<10000x16xf32, #tpu.memory_space<hbm>>
      tpu.wait_indirect_dma semaphore(%arg30 : memref<!tpu.dma_semaphore, #tpu.memory_space<semaphore_mem>>) src(%dma_wait3A_108 : memref<10000x16xf32, #tpu.memory_space<hbm>>) dst(%arg17 : memref<128x16xf32, #tpu.memory_space<vmem>>)
      %broadcast_in_dim3A_109 = vector.broadcast %scan3A_10 : i32 to vector<16xi32>
      %gather3A_110 = tpu.vector_load_idx %arg8[%broadcast_in_dim3A_109] : memref<320xi32, #tpu.memory_space<vmem>>[vector<16xi32>], vector<16xi32>,
      %reduce_max3A_111 = arith.constant true
      %reduce_max3A_112 = vector.broadcast %reduce_max3A_111 : i1 to vector<16xi1>
      %reduce_max3A_113 = arith.constant -2147483648 : i32
      %reduce_max3A_114 = vector.broadcast %reduce_max3A_113 : i32 to vector<16xi32>
      %reduce_max3A_115 = arith.xori %gather3A_110, %reduce_max3A_114 : vector<16xi32>
      %reduce_max3A_116 = tpu.scan <max>, %reduce_max3A_115 masked %reduce_max3A_112 : vector<16xi32>, vector<16xi1> -> vector<16xi32>
      %reduce_max3A_117 = arith.xori %reduce_max3A_116, %reduce_max3A_114 : vector<16xi32>
      %reduce_max3A_118 = vector.extract %reduce_max3A_117[15] : i32 from vector<16xi32>
      %sub3A_119 = arith.constant 1 : i32
      %sub3A_120 = vector.broadcast %sub3A_119 : i32 to vector<16xi32>
      %sub3A_121 = arith.subi %gather3A_110, %sub3A_120 : vector<16xi32>
      %shift_right_arithmetic3A_122 = arith.constant 1 : i32
      %shift_right_arithmetic3A_123 = vector.broadcast %shift_right_arithmetic3A_122 : i32 to vector<16xi32>
      %shift_right_arithmetic3A_124 = arith.shrsi %sub3A_121, %shift_right_arithmetic3A_123 : vector<16xi32>
      %le3A = arith.constant 128 : i32
      %le3A_125 = arith.cmpi sle, %reduce_max3A_118, %le3A : i32
      %convert_element_type3A = arith.extui %le3A_125 : i1 to i32
      %cond3A = arith.constant 0 : i32
      %cond3A_126 = arith.cmpi ne, %convert_element_type3A, %cond3A : i32
      scf.if %cond3A_126 {
        %while3A = arith.constant 0 : i32
        %while3A_132 = arith.subi %reduce_max3A_118, %while3A : i32
        %while3A_133 = arith.addi %while3A, %while3A_132 : i32
        %while3A_134 = arith.constant 1 : i32
        %while3A_135 = arith.divsi %while3A_132, %while3A_134 : i32
        %while3A_136 = arith.muli %while3A_135, %while3A_134 : i32
        %while3A_137 = arith.addi %while3A, %while3A_136 : i32
        %while3A_138 = arith.constant 1 : i32
        %while3A_139 = scf.for %while3A_143 = %while3A to %while3A_137 step %while3A_138 iter_args(%while3A_144 = %broadcast_in_dim3A_3) -> (vector<16xf32>)  : i32 {
          %broadcast_in_dim3A_145 = vector.broadcast %while3A_143 : i32 to vector<16xi32>
          %iota3A_146 = tpu.iota {dimensions = array<i32: 0>} : vector<16xi32>
          %gather3A_147 = tpu.vector_load_idx %arg17[%broadcast_in_dim3A_145, %iota3A_146] : memref<128x16xf32, #tpu.memory_space<vmem>>[vector<16xi32>, vector<16xi32>], vector<16xf32>,
          %broadcast_in_dim3A_148 = arith.constant 0 : i32
          %broadcast_in_dim3A_149 = vector.broadcast %broadcast_in_dim3A_148 : i32 to vector<16xi32>
          %shift_right_arithmetic3A_150 = arith.constant 2 : i32
          %shift_right_arithmetic3A_151 = arith.shrsi %reduce_max3A_118, %shift_right_arithmetic3A_150 : i32
          %while3A_152 = arith.constant 0 : i32
          %while3A_153 = arith.subi %shift_right_arithmetic3A_151, %while3A_152 : i32
          %while3A_154 = arith.addi %while3A_152, %while3A_153 : i32
          %while3A_155 = arith.constant 1 : i32
          %while3A_156 = arith.divsi %while3A_153, %while3A_155 : i32
          %while3A_157 = arith.muli %while3A_156, %while3A_155 : i32
          %while3A_158 = arith.addi %while3A_152, %while3A_157 : i32
          %while3A_159 = arith.constant 1 : i32
          %while3A_160 = scf.for %while3A_181 = %while3A_152 to %while3A_158 step %while3A_159 iter_args(%while3A_182 = %broadcast_in_dim3A_149) -> (vector<16xi32>)  : i32 {
            %shift_left3A_183 = arith.constant 2 : i32
            %shift_left3A_184 = arith.shli %while3A_181, %shift_left3A_183 : i32
            %broadcast_in_dim3A_185 = vector.broadcast %shift_left3A_184 : i32 to vector<16xi32>
            %iota3A_186 = tpu.iota {dimensions = array<i32: 0>} : vector<16xi32>
            %gather3A_187 = tpu.vector_load_idx %arg17[%broadcast_in_dim3A_185, %iota3A_186] : memref<128x16xf32, #tpu.memory_space<vmem>>[vector<16xi32>, vector<16xi32>], vector<16xf32>,
            %lt3A = arith.cmpf olt, %gather3A_187, %gather3A_147 : vector<16xf32>
            %convert_element_type3A_188 = arith.extui %lt3A : vector<16xi1> to vector<16xi32>
            %add3A_189 = arith.addi %while3A_182, %convert_element_type3A_188 : vector<16xi32>
            %add3A_190 = arith.constant 1 : i32
            %add3A_191 = arith.addi %shift_left3A_184, %add3A_190 : i32
            %broadcast_in_dim3A_192 = vector.broadcast %add3A_191 : i32 to vector<16xi32>
            %iota3A_193 = tpu.iota {dimensions = array<i32: 0>} : vector<16xi32>
            %gather3A_194 = tpu.vector_load_idx %arg17[%broadcast_in_dim3A_192, %iota3A_193] : memref<128x16xf32, #tpu.memory_space<vmem>>[vector<16xi32>, vector<16xi32>], vector<16xf32>,
            %lt3A_195 = arith.cmpf olt, %gather3A_194, %gather3A_147 : vector<16xf32>
            %convert_element_type3A_196 = arith.extui %lt3A_195 : vector<16xi1> to vector<16xi32>
            %add3A_197 = arith.addi %add3A_189, %convert_element_type3A_196 : vector<16xi32>
            %add3A_198 = arith.constant 2 : i32
            %add3A_199 = arith.addi %shift_left3A_184, %add3A_198 : i32
            %broadcast_in_dim3A_200 = vector.broadcast %add3A_199 : i32 to vector<16xi32>
            %iota3A_201 = tpu.iota {dimensions = array<i32: 0>} : vector<16xi32>
            %gather3A_202 = tpu.vector_load_idx %arg17[%broadcast_in_dim3A_200, %iota3A_201] : memref<128x16xf32, #tpu.memory_space<vmem>>[vector<16xi32>, vector<16xi32>], vector<16xf32>,
            %lt3A_203 = arith.cmpf olt, %gather3A_202, %gather3A_147 : vector<16xf32>
            %convert_element_type3A_204 = arith.extui %lt3A_203 : vector<16xi1> to vector<16xi32>
            %add3A_205 = arith.addi %add3A_197, %convert_element_type3A_204 : vector<16xi32>
            %add3A_206 = arith.constant 3 : i32
            %add3A_207 = arith.addi %shift_left3A_184, %add3A_206 : i32
            %broadcast_in_dim3A_208 = vector.broadcast %add3A_207 : i32 to vector<16xi32>
            %iota3A_209 = tpu.iota {dimensions = array<i32: 0>} : vector<16xi32>
            %gather3A_210 = tpu.vector_load_idx %arg17[%broadcast_in_dim3A_208, %iota3A_209] : memref<128x16xf32, #tpu.memory_space<vmem>>[vector<16xi32>, vector<16xi32>], vector<16xf32>,
            %lt3A_211 = arith.cmpf olt, %gather3A_210, %gather3A_147 : vector<16xf32>
            %convert_element_type3A_212 = arith.extui %lt3A_211 : vector<16xi1> to vector<16xi32>
            %add3A_213 = arith.addi %add3A_205, %convert_element_type3A_212 : vector<16xi32>
            scf.yield %add3A_213 : vector<16xi32>
          }
          %while3A_161 = arith.constant 1 : i32
          %while3A_162 = scf.for %while3A_181 = %while3A_158 to %while3A_154 step %while3A_161 iter_args(%while3A_182 = %while3A_160) -> (vector<16xi32>)  : i32 {
            %shift_left3A_183 = arith.constant 2 : i32
            %shift_left3A_184 = arith.shli %while3A_181, %shift_left3A_183 : i32
            %broadcast_in_dim3A_185 = vector.broadcast %shift_left3A_184 : i32 to vector<16xi32>
            %iota3A_186 = tpu.iota {dimensions = array<i32: 0>} : vector<16xi32>
            %gather3A_187 = tpu.vector_load_idx %arg17[%broadcast_in_dim3A_185, %iota3A_186] : memref<128x16xf32, #tpu.memory_space<vmem>>[vector<16xi32>, vector<16xi32>], vector<16xf32>,
            %lt3A = arith.cmpf olt, %gather3A_187, %gather3A_147 : vector<16xf32>
            %convert_element_type3A_188 = arith.extui %lt3A : vector<16xi1> to vector<16xi32>
            %add3A_189 = arith.addi %while3A_182, %convert_element_type3A_188 : vector<16xi32>
            %add3A_190 = arith.constant 1 : i32
            %add3A_191 = arith.addi %shift_left3A_184, %add3A_190 : i32
            %broadcast_in_dim3A_192 = vector.broadcast %add3A_191 : i32 to vector<16xi32>
            %iota3A_193 = tpu.iota {dimensions = array<i32: 0>} : vector<16xi32>
            %gather3A_194 = tpu.vector_load_idx %arg17[%broadcast_in_dim3A_192, %iota3A_193] : memref<128x16xf32, #tpu.memory_space<vmem>>[vector<16xi32>, vector<16xi32>], vector<16xf32>,
            %lt3A_195 = arith.cmpf olt, %gather3A_194, %gather3A_147 : vector<16xf32>
            %convert_element_type3A_196 = arith.extui %lt3A_195 : vector<16xi1> to vector<16xi32>
            %add3A_197 = arith.addi %add3A_189, %convert_element_type3A_196 : vector<16xi32>
            %add3A_198 = arith.constant 2 : i32
            %add3A_199 = arith.addi %shift_left3A_184, %add3A_198 : i32
            %broadcast_in_dim3A_200 = vector.broadcast %add3A_199 : i32 to vector<16xi32>
            %iota3A_201 = tpu.iota {dimensions = array<i32: 0>} : vector<16xi32>
            %gather3A_202 = tpu.vector_load_idx %arg17[%broadcast_in_dim3A_200, %iota3A_201] : memref<128x16xf32, #tpu.memory_space<vmem>>[vector<16xi32>, vector<16xi32>], vector<16xf32>,
            %lt3A_203 = arith.cmpf olt, %gather3A_202, %gather3A_147 : vector<16xf32>
            %convert_element_type3A_204 = arith.extui %lt3A_203 : vector<16xi1> to vector<16xi32>
            %add3A_205 = arith.addi %add3A_197, %convert_element_type3A_204 : vector<16xi32>
            %add3A_206 = arith.constant 3 : i32
            %add3A_207 = arith.addi %shift_left3A_184, %add3A_206 : i32
            %broadcast_in_dim3A_208 = vector.broadcast %add3A_207 : i32 to vector<16xi32>
            %iota3A_209 = tpu.iota {dimensions = array<i32: 0>} : vector<16xi32>
            %gather3A_210 = tpu.vector_load_idx %arg17[%broadcast_in_dim3A_208, %iota3A_209] : memref<128x16xf32, #tpu.memory_space<vmem>>[vector<16xi32>, vector<16xi32>], vector<16xf32>,
            %lt3A_211 = arith.cmpf olt, %gather3A_210, %gather3A_147 : vector<16xf32>
            %convert_element_type3A_212 = arith.extui %lt3A_211 : vector<16xi1> to vector<16xi32>
            %add3A_213 = arith.addi %add3A_205, %convert_element_type3A_212 : vector<16xi32>
            scf.yield %add3A_213 : vector<16xi32>
          }
          %shift_right_arithmetic3A_163 = arith.constant 2 : i32
          %shift_right_arithmetic3A_164 = arith.shrsi %reduce_max3A_118, %shift_right_arithmetic3A_163 : i32
          %shift_left3A_165 = arith.constant 2 : i32
          %shift_left3A_166 = arith.shli %shift_right_arithmetic3A_164, %shift_left3A_165 : i32
          %and3A = arith.constant 3 : i32
          %and3A_167 = arith.andi %reduce_max3A_118, %and3A : i32
          %while3A_168 = arith.constant 0 : i32
          %while3A_169 = arith.subi %and3A_167, %while3A_168 : i32
          %while3A_170 = arith.addi %while3A_168, %while3A_169 : i32
          %while3A_171 = arith.constant 1 : i32
          %while3A_172 = arith.divsi %while3A_169, %while3A_171 : i32
          %while3A_173 = arith.muli %while3A_172, %while3A_171 : i32
          %while3A_174 = arith.addi %while3A_168, %while3A_173 : i32
          %while3A_175 = arith.constant 1 : i32
          %while3A_176 = scf.for %while3A_181 = %while3A_168 to %while3A_174 step %while3A_175 iter_args(%while3A_182 = %while3A_162) -> (vector<16xi32>)  : i32 {
            %add3A_183 = arith.addi %shift_left3A_166, %while3A_181 : i32
            %broadcast_in_dim3A_184 = vector.broadcast %add3A_183 : i32 to vector<16xi32>
            %iota3A_185 = tpu.iota {dimensions = array<i32: 0>} : vector<16xi32>
            %gather3A_186 = tpu.vector_load_idx %arg17[%broadcast_in_dim3A_184, %iota3A_185] : memref<128x16xf32, #tpu.memory_space<vmem>>[vector<16xi32>, vector<16xi32>], vector<16xf32>,
            %lt3A = arith.cmpf olt, %gather3A_186, %gather3A_147 : vector<16xf32>
            %convert_element_type3A_187 = arith.extui %lt3A : vector<16xi1> to vector<16xi32>
            %add3A_188 = arith.addi %while3A_182, %convert_element_type3A_187 : vector<16xi32>
            scf.yield %add3A_188 : vector<16xi32>
          }
          %while3A_177 = arith.constant 1 : i32
          %while3A_178 = scf.for %while3A_181 = %while3A_174 to %while3A_170 step %while3A_177 iter_args(%while3A_182 = %while3A_176) -> (vector<16xi32>)  : i32 {
            %add3A_183 = arith.addi %shift_left3A_166, %while3A_181 : i32
            %broadcast_in_dim3A_184 = vector.broadcast %add3A_183 : i32 to vector<16xi32>
            %iota3A_185 = tpu.iota {dimensions = array<i32: 0>} : vector<16xi32>
            %gather3A_186 = tpu.vector_load_idx %arg17[%broadcast_in_dim3A_184, %iota3A_185] : memref<128x16xf32, #tpu.memory_space<vmem>>[vector<16xi32>, vector<16xi32>], vector<16xf32>,
            %lt3A = arith.cmpf olt, %gather3A_186, %gather3A_147 : vector<16xf32>
            %convert_element_type3A_187 = arith.extui %lt3A : vector<16xi1> to vector<16xi32>
            %add3A_188 = arith.addi %while3A_182, %convert_element_type3A_187 : vector<16xi32>
            scf.yield %add3A_188 : vector<16xi32>
          }
          %le3A_179 = arith.cmpi sle, %while3A_178, %shift_right_arithmetic3A_124 : vector<16xi32>
          %jit3A = arith.constant 0xFF800000 : f32
          %broadcast_in_dim3A_180 = vector.broadcast %jit3A : f32 to vector<16xf32>
          %select_n3A = arith.select %le3A_179, %gather3A_147, %broadcast_in_dim3A_180 : vector<16xi1>, vector<16xf32>
          %max3A = arith.maximumf %while3A_144, %select_n3A : vector<16xf32>
          scf.yield %max3A : vector<16xf32>
        }
        %while3A_140 = arith.constant 1 : i32
        %while3A_141 = scf.for %while3A_143 = %while3A_137 to %while3A_133 step %while3A_140 iter_args(%while3A_144 = %while3A_139) -> (vector<16xf32>)  : i32 {
          %broadcast_in_dim3A_145 = vector.broadcast %while3A_143 : i32 to vector<16xi32>
          %iota3A_146 = tpu.iota {dimensions = array<i32: 0>} : vector<16xi32>
          %gather3A_147 = tpu.vector_load_idx %arg17[%broadcast_in_dim3A_145, %iota3A_146] : memref<128x16xf32, #tpu.memory_space<vmem>>[vector<16xi32>, vector<16xi32>], vector<16xf32>,
          %broadcast_in_dim3A_148 = arith.constant 0 : i32
          %broadcast_in_dim3A_149 = vector.broadcast %broadcast_in_dim3A_148 : i32 to vector<16xi32>
          %shift_right_arithmetic3A_150 = arith.constant 2 : i32
          %shift_right_arithmetic3A_151 = arith.shrsi %reduce_max3A_118, %shift_right_arithmetic3A_150 : i32
          %while3A_152 = arith.constant 0 : i32
          %while3A_153 = arith.subi %shift_right_arithmetic3A_151, %while3A_152 : i32
          %while3A_154 = arith.addi %while3A_152, %while3A_153 : i32
          %while3A_155 = arith.constant 1 : i32
          %while3A_156 = arith.divsi %while3A_153, %while3A_155 : i32
          %while3A_157 = arith.muli %while3A_156, %while3A_155 : i32
          %while3A_158 = arith.addi %while3A_152, %while3A_157 : i32
          %while3A_159 = arith.constant 1 : i32
          %while3A_160 = scf.for %while3A_181 = %while3A_152 to %while3A_158 step %while3A_159 iter_args(%while3A_182 = %broadcast_in_dim3A_149) -> (vector<16xi32>)  : i32 {
            %shift_left3A_183 = arith.constant 2 : i32
            %shift_left3A_184 = arith.shli %while3A_181, %shift_left3A_183 : i32
            %broadcast_in_dim3A_185 = vector.broadcast %shift_left3A_184 : i32 to vector<16xi32>
            %iota3A_186 = tpu.iota {dimensions = array<i32: 0>} : vector<16xi32>
            %gather3A_187 = tpu.vector_load_idx %arg17[%broadcast_in_dim3A_185, %iota3A_186] : memref<128x16xf32, #tpu.memory_space<vmem>>[vector<16xi32>, vector<16xi32>], vector<16xf32>,
            %lt3A = arith.cmpf olt, %gather3A_187, %gather3A_147 : vector<16xf32>
            %convert_element_type3A_188 = arith.extui %lt3A : vector<16xi1> to vector<16xi32>
            %add3A_189 = arith.addi %while3A_182, %convert_element_type3A_188 : vector<16xi32>
            %add3A_190 = arith.constant 1 : i32
            %add3A_191 = arith.addi %shift_left3A_184, %add3A_190 : i32
            %broadcast_in_dim3A_192 = vector.broadcast %add3A_191 : i32 to vector<16xi32>
            %iota3A_193 = tpu.iota {dimensions = array<i32: 0>} : vector<16xi32>
            %gather3A_194 = tpu.vector_load_idx %arg17[%broadcast_in_dim3A_192, %iota3A_193] : memref<128x16xf32, #tpu.memory_space<vmem>>[vector<16xi32>, vector<16xi32>], vector<16xf32>,
            %lt3A_195 = arith.cmpf olt, %gather3A_194, %gather3A_147 : vector<16xf32>
            %convert_element_type3A_196 = arith.extui %lt3A_195 : vector<16xi1> to vector<16xi32>
            %add3A_197 = arith.addi %add3A_189, %convert_element_type3A_196 : vector<16xi32>
            %add3A_198 = arith.constant 2 : i32
            %add3A_199 = arith.addi %shift_left3A_184, %add3A_198 : i32
            %broadcast_in_dim3A_200 = vector.broadcast %add3A_199 : i32 to vector<16xi32>
            %iota3A_201 = tpu.iota {dimensions = array<i32: 0>} : vector<16xi32>
            %gather3A_202 = tpu.vector_load_idx %arg17[%broadcast_in_dim3A_200, %iota3A_201] : memref<128x16xf32, #tpu.memory_space<vmem>>[vector<16xi32>, vector<16xi32>], vector<16xf32>,
            %lt3A_203 = arith.cmpf olt, %gather3A_202, %gather3A_147 : vector<16xf32>
            %convert_element_type3A_204 = arith.extui %lt3A_203 : vector<16xi1> to vector<16xi32>
            %add3A_205 = arith.addi %add3A_197, %convert_element_type3A_204 : vector<16xi32>
            %add3A_206 = arith.constant 3 : i32
            %add3A_207 = arith.addi %shift_left3A_184, %add3A_206 : i32
            %broadcast_in_dim3A_208 = vector.broadcast %add3A_207 : i32 to vector<16xi32>
            %iota3A_209 = tpu.iota {dimensions = array<i32: 0>} : vector<16xi32>
            %gather3A_210 = tpu.vector_load_idx %arg17[%broadcast_in_dim3A_208, %iota3A_209] : memref<128x16xf32, #tpu.memory_space<vmem>>[vector<16xi32>, vector<16xi32>], vector<16xf32>,
            %lt3A_211 = arith.cmpf olt, %gather3A_210, %gather3A_147 : vector<16xf32>
            %convert_element_type3A_212 = arith.extui %lt3A_211 : vector<16xi1> to vector<16xi32>
            %add3A_213 = arith.addi %add3A_205, %convert_element_type3A_212 : vector<16xi32>
            scf.yield %add3A_213 : vector<16xi32>
          }
          %while3A_161 = arith.constant 1 : i32
          %while3A_162 = scf.for %while3A_181 = %while3A_158 to %while3A_154 step %while3A_161 iter_args(%while3A_182 = %while3A_160) -> (vector<16xi32>)  : i32 {
            %shift_left3A_183 = arith.constant 2 : i32
            %shift_left3A_184 = arith.shli %while3A_181, %shift_left3A_183 : i32
            %broadcast_in_dim3A_185 = vector.broadcast %shift_left3A_184 : i32 to vector<16xi32>
            %iota3A_186 = tpu.iota {dimensions = array<i32: 0>} : vector<16xi32>
            %gather3A_187 = tpu.vector_load_idx %arg17[%broadcast_in_dim3A_185, %iota3A_186] : memref<128x16xf32, #tpu.memory_space<vmem>>[vector<16xi32>, vector<16xi32>], vector<16xf32>,
            %lt3A = arith.cmpf olt, %gather3A_187, %gather3A_147 : vector<16xf32>
            %convert_element_type3A_188 = arith.extui %lt3A : vector<16xi1> to vector<16xi32>
            %add3A_189 = arith.addi %while3A_182, %convert_element_type3A_188 : vector<16xi32>
            %add3A_190 = arith.constant 1 : i32
            %add3A_191 = arith.addi %shift_left3A_184, %add3A_190 : i32
            %broadcast_in_dim3A_192 = vector.broadcast %add3A_191 : i32 to vector<16xi32>
            %iota3A_193 = tpu.iota {dimensions = array<i32: 0>} : vector<16xi32>
            %gather3A_194 = tpu.vector_load_idx %arg17[%broadcast_in_dim3A_192, %iota3A_193] : memref<128x16xf32, #tpu.memory_space<vmem>>[vector<16xi32>, vector<16xi32>], vector<16xf32>,
            %lt3A_195 = arith.cmpf olt, %gather3A_194, %gather3A_147 : vector<16xf32>
            %convert_element_type3A_196 = arith.extui %lt3A_195 : vector<16xi1> to vector<16xi32>
            %add3A_197 = arith.addi %add3A_189, %convert_element_type3A_196 : vector<16xi32>
            %add3A_198 = arith.constant 2 : i32
            %add3A_199 = arith.addi %shift_left3A_184, %add3A_198 : i32
            %broadcast_in_dim3A_200 = vector.broadcast %add3A_199 : i32 to vector<16xi32>
            %iota3A_201 = tpu.iota {dimensions = array<i32: 0>} : vector<16xi32>
            %gather3A_202 = tpu.vector_load_idx %arg17[%broadcast_in_dim3A_200, %iota3A_201] : memref<128x16xf32, #tpu.memory_space<vmem>>[vector<16xi32>, vector<16xi32>], vector<16xf32>,
            %lt3A_203 = arith.cmpf olt, %gather3A_202, %gather3A_147 : vector<16xf32>
            %convert_element_type3A_204 = arith.extui %lt3A_203 : vector<16xi1> to vector<16xi32>
            %add3A_205 = arith.addi %add3A_197, %convert_element_type3A_204 : vector<16xi32>
            %add3A_206 = arith.constant 3 : i32
            %add3A_207 = arith.addi %shift_left3A_184, %add3A_206 : i32
            %broadcast_in_dim3A_208 = vector.broadcast %add3A_207 : i32 to vector<16xi32>
            %iota3A_209 = tpu.iota {dimensions = array<i32: 0>} : vector<16xi32>
            %gather3A_210 = tpu.vector_load_idx %arg17[%broadcast_in_dim3A_208, %iota3A_209] : memref<128x16xf32, #tpu.memory_space<vmem>>[vector<16xi32>, vector<16xi32>], vector<16xf32>,
            %lt3A_211 = arith.cmpf olt, %gather3A_210, %gather3A_147 : vector<16xf32>
            %convert_element_type3A_212 = arith.extui %lt3A_211 : vector<16xi1> to vector<16xi32>
            %add3A_213 = arith.addi %add3A_205, %convert_element_type3A_212 : vector<16xi32>
            scf.yield %add3A_213 : vector<16xi32>
          }
          %shift_right_arithmetic3A_163 = arith.constant 2 : i32
          %shift_right_arithmetic3A_164 = arith.shrsi %reduce_max3A_118, %shift_right_arithmetic3A_163 : i32
          %shift_left3A_165 = arith.constant 2 : i32
          %shift_left3A_166 = arith.shli %shift_right_arithmetic3A_164, %shift_left3A_165 : i32
          %and3A = arith.constant 3 : i32
          %and3A_167 = arith.andi %reduce_max3A_118, %and3A : i32
          %while3A_168 = arith.constant 0 : i32
          %while3A_169 = arith.subi %and3A_167, %while3A_168 : i32
          %while3A_170 = arith.addi %while3A_168, %while3A_169 : i32
          %while3A_171 = arith.constant 1 : i32
          %while3A_172 = arith.divsi %while3A_169, %while3A_171 : i32
          %while3A_173 = arith.muli %while3A_172, %while3A_171 : i32
          %while3A_174 = arith.addi %while3A_168, %while3A_173 : i32
          %while3A_175 = arith.constant 1 : i32
          %while3A_176 = scf.for %while3A_181 = %while3A_168 to %while3A_174 step %while3A_175 iter_args(%while3A_182 = %while3A_162) -> (vector<16xi32>)  : i32 {
            %add3A_183 = arith.addi %shift_left3A_166, %while3A_181 : i32
            %broadcast_in_dim3A_184 = vector.broadcast %add3A_183 : i32 to vector<16xi32>
            %iota3A_185 = tpu.iota {dimensions = array<i32: 0>} : vector<16xi32>
            %gather3A_186 = tpu.vector_load_idx %arg17[%broadcast_in_dim3A_184, %iota3A_185] : memref<128x16xf32, #tpu.memory_space<vmem>>[vector<16xi32>, vector<16xi32>], vector<16xf32>,
            %lt3A = arith.cmpf olt, %gather3A_186, %gather3A_147 : vector<16xf32>
            %convert_element_type3A_187 = arith.extui %lt3A : vector<16xi1> to vector<16xi32>
            %add3A_188 = arith.addi %while3A_182, %convert_element_type3A_187 : vector<16xi32>
            scf.yield %add3A_188 : vector<16xi32>
          }
          %while3A_177 = arith.constant 1 : i32
          %while3A_178 = scf.for %while3A_181 = %while3A_174 to %while3A_170 step %while3A_177 iter_args(%while3A_182 = %while3A_176) -> (vector<16xi32>)  : i32 {
            %add3A_183 = arith.addi %shift_left3A_166, %while3A_181 : i32
            %broadcast_in_dim3A_184 = vector.broadcast %add3A_183 : i32 to vector<16xi32>
            %iota3A_185 = tpu.iota {dimensions = array<i32: 0>} : vector<16xi32>
            %gather3A_186 = tpu.vector_load_idx %arg17[%broadcast_in_dim3A_184, %iota3A_185] : memref<128x16xf32, #tpu.memory_space<vmem>>[vector<16xi32>, vector<16xi32>], vector<16xf32>,
            %lt3A = arith.cmpf olt, %gather3A_186, %gather3A_147 : vector<16xf32>
            %convert_element_type3A_187 = arith.extui %lt3A : vector<16xi1> to vector<16xi32>
            %add3A_188 = arith.addi %while3A_182, %convert_element_type3A_187 : vector<16xi32>
            scf.yield %add3A_188 : vector<16xi32>
          }
          %le3A_179 = arith.cmpi sle, %while3A_178, %shift_right_arithmetic3A_124 : vector<16xi32>
          %jit3A = arith.constant 0xFF800000 : f32
          %broadcast_in_dim3A_180 = vector.broadcast %jit3A : f32 to vector<16xf32>
          %select_n3A = arith.select %le3A_179, %gather3A_147, %broadcast_in_dim3A_180 : vector<16xi1>, vector<16xf32>
          %max3A = arith.maximumf %while3A_144, %select_n3A : vector<16xf32>
          scf.yield %max3A : vector<16xf32>
        }
        %broadcast_in_dim3A_142 = vector.broadcast %scan3A_10 : i32 to vector<16xi32>
        tpu.vector_store_idx %arg25[%broadcast_in_dim3A_142, %iota3A], %while3A_141 : memref<320x16xf32, #tpu.memory_space<vmem>>[vector<16xi32>, vector<16xi32>], vector<16xf32>,
      } else {
      }
      %gt3A = arith.constant 128 : i32
      %gt3A_127 = arith.cmpi sgt, %reduce_max3A_118, %gt3A : i32
      %convert_element_type3A_128 = arith.extui %gt3A_127 : i1 to i32
      %cond3A_129 = arith.constant 0 : i32
      %cond3A_130 = arith.cmpi ne, %convert_element_type3A_128, %cond3A_129 : i32
      scf.if %cond3A_130 {
        %add3A_132 = arith.constant 127 : i32
        %add3A_133 = arith.addi %reduce_max3A_118, %add3A_132 : i32
        %shift_right_arithmetic3A_134 = arith.constant 7 : i32
        %shift_right_arithmetic3A_135 = arith.shrsi %add3A_133, %shift_right_arithmetic3A_134 : i32
        %broadcast_in_dim3A_136 = vector.broadcast %scan3A_10 : i32 to vector<16xi32>
        tpu.vector_store_idx %arg25[%broadcast_in_dim3A_136, %iota3A], %broadcast_in_dim3A_3 : memref<320x16xf32, #tpu.memory_space<vmem>>[vector<16xi32>, vector<16xi32>], vector<16xf32>,
        %while3A = arith.constant 0 : i32
        %while3A_137 = arith.constant 0 : i32
        %while3A_138 = arith.subi %shift_right_arithmetic3A_135, %while3A : i32
        %while3A_139 = arith.addi %while3A, %while3A_138 : i32
        %while3A_140 = arith.constant 1 : i32
        %while3A_141 = arith.divsi %while3A_138, %while3A_140 : i32
        %while3A_142 = arith.muli %while3A_141, %while3A_140 : i32
        %while3A_143 = arith.addi %while3A, %while3A_142 : i32
        %while3A_144 = arith.constant 1 : i32
        %while3A_145 = scf.for %while3A_148 = %while3A to %while3A_143 step %while3A_144 iter_args(%while3A_149 = %while3A_137) -> (i32)  : i32 {
          %mul3A_150 = arith.constant 128 : i32
          %mul3A_151 = arith.muli %while3A_148, %mul3A_150 : i32
          %sub3A_152 = arith.subi %reduce_max3A_118, %mul3A_151 : i32
          %min3A_153 = arith.constant 128 : i32
          %min3A_154 = arith.minsi %sub3A_152, %min3A_153 : i32
          %mul3A_155 = arith.constant 128 : i32
          %mul3A_156 = arith.muli %while3A_148, %mul3A_155 : i32
          %min3A_157 = arith.constant 319 : i32
          %min3A_158 = arith.minsi %scan3A_10, %min3A_157 : i32
          %broadcast_in_dim3A_159 = vector.broadcast %min3A_158 : i32 to vector<16xi32>
          %gather3A_160 = tpu.vector_load_idx %arg7[%broadcast_in_dim3A_159] : memref<320xi32, #tpu.memory_space<vmem>>[vector<16xi32>], vector<16xi32>,
          %reduce_max3A_161 = arith.constant true
          %reduce_max3A_162 = vector.broadcast %reduce_max3A_161 : i1 to vector<16xi1>
          %reduce_max3A_163 = arith.constant -2147483648 : i32
          %reduce_max3A_164 = vector.broadcast %reduce_max3A_163 : i32 to vector<16xi32>
          %reduce_max3A_165 = arith.xori %gather3A_160, %reduce_max3A_164 : vector<16xi32>
          %reduce_max3A_166 = tpu.scan <max>, %reduce_max3A_165 masked %reduce_max3A_162 : vector<16xi32>, vector<16xi1> -> vector<16xi32>
          %reduce_max3A_167 = arith.xori %reduce_max3A_166, %reduce_max3A_164 : vector<16xi32>
          %reduce_max3A_168 = vector.extract %reduce_max3A_167[15] : i32 from vector<16xi32>
          %add3A_169 = arith.addi %reduce_max3A_168, %mul3A_156 : i32
          %shift_right_arithmetic3A_170 = arith.constant 3 : i32
          %shift_right_arithmetic3A_171 = arith.shrsi %add3A_169, %shift_right_arithmetic3A_170 : i32
          %shift_left3A_172 = arith.constant 3 : i32
          %shift_left3A_173 = arith.shli %shift_right_arithmetic3A_171, %shift_left3A_172 : i32
          %multiple_of3A_174 = tpu.assume_multiple %shift_left3A_173, 8 : i32
          %dma_start3A_175 = tpu.memref_slice %arg3[%multiple_of3A_174] : memref<330256xi32, #tpu.memory_space<hbm>> -> memref<136xi32, #tpu.memory_space<hbm>>
          %dma_start3A_176 = tpu.memref_slice %arg3[%multiple_of3A_174] : memref<330256xi32, #tpu.memory_space<hbm>> -> memref<136xi32, #tpu.memory_space<hbm>>
          tpu.enqueue_dma source(%dma_start3A_176 : memref<136xi32, #tpu.memory_space<hbm>>) target(%arg21 : memref<136xi32, #tpu.memory_space<vmem>>) target_semaphore(%arg34 : memref<!tpu.dma_semaphore, #tpu.memory_space<semaphore_mem>>)
          %dma_wait3A_177 = arith.constant 0 : i32
          %dma_wait3A_178 = tpu.memref_slice %arg3[%dma_wait3A_177] : memref<330256xi32, #tpu.memory_space<hbm>> -> memref<136xi32, #tpu.memory_space<hbm>>
          %dma_wait3A_179 = arith.constant 0 : i32
          %dma_wait3A_180 = tpu.memref_slice %arg3[%dma_wait3A_179] : memref<330256xi32, #tpu.memory_space<hbm>> -> memref<136xi32, #tpu.memory_space<hbm>>
          tpu.wait_dma2 semaphore(%arg34 : memref<!tpu.dma_semaphore, #tpu.memory_space<semaphore_mem>>) src(%dma_wait3A_180 : memref<136xi32, #tpu.memory_space<hbm>>) dst(%arg21 : memref<136xi32, #tpu.memory_space<vmem>>)
          %min3A_181 = arith.constant 319 : i32
          %min3A_182 = arith.minsi %scan3A_10, %min3A_181 : i32
          %broadcast_in_dim3A_183 = vector.broadcast %min3A_182 : i32 to vector<16xi32>
          %gather3A_184 = tpu.vector_load_idx %arg7[%broadcast_in_dim3A_183] : memref<320xi32, #tpu.memory_space<vmem>>[vector<16xi32>], vector<16xi32>,
          %reduce_max3A_185 = arith.constant true
          %reduce_max3A_186 = vector.broadcast %reduce_max3A_185 : i1 to vector<16xi1>
          %reduce_max3A_187 = arith.constant -2147483648 : i32
          %reduce_max3A_188 = vector.broadcast %reduce_max3A_187 : i32 to vector<16xi32>
          %reduce_max3A_189 = arith.xori %gather3A_184, %reduce_max3A_188 : vector<16xi32>
          %reduce_max3A_190 = tpu.scan <max>, %reduce_max3A_189 masked %reduce_max3A_186 : vector<16xi32>, vector<16xi1> -> vector<16xi32>
          %reduce_max3A_191 = arith.xori %reduce_max3A_190, %reduce_max3A_188 : vector<16xi32>
          %reduce_max3A_192 = vector.extract %reduce_max3A_191[15] : i32 from vector<16xi32>
          %add3A_193 = arith.addi %reduce_max3A_192, %mul3A_156 : i32
          %shift_right_arithmetic3A_194 = arith.constant 3 : i32
          %shift_right_arithmetic3A_195 = arith.shrsi %add3A_193, %shift_right_arithmetic3A_194 : i32
          %shift_left3A_196 = arith.constant 3 : i32
          %shift_left3A_197 = arith.shli %shift_right_arithmetic3A_195, %shift_left3A_196 : i32
          %sub3A_198 = arith.subi %add3A_193, %shift_left3A_197 : i32
          %iota3A_199 = tpu.iota {dimensions = array<i32: 0>} : vector<16xi32>
          %add3A_200 = arith.constant 0 : i32
          %add3A_201 = arith.addi %sub3A_198, %add3A_200 : i32
          %broadcast_in_dim3A_202 = vector.broadcast %add3A_201 : i32 to vector<16xi32>
          %add3A_203 = arith.addi %broadcast_in_dim3A_202, %iota3A_199 : vector<16xi32>
          %gather3A_204 = tpu.vector_load_idx %arg21[%add3A_203] : memref<136xi32, #tpu.memory_space<vmem>>[vector<16xi32>], vector<16xi32>,
          %swap3A_205 = arith.constant 0 : index
          %swap3A_206 = tpu.vector_load %arg22[%swap3A_205] {strides = array<i32>} : memref<128xi32, #tpu.memory_space<vmem>>, vector<16xi32>,
          tpu.vector_store %arg22[%swap3A_205], %gather3A_204 {strides = array<i32>} : memref<128xi32, #tpu.memory_space<vmem>>, vector<16xi32>,
          %add3A_207 = arith.constant 16 : i32
          %add3A_208 = arith.addi %sub3A_198, %add3A_207 : i32
          %broadcast_in_dim3A_209 = vector.broadcast %add3A_208 : i32 to vector<16xi32>
          %add3A_210 = arith.addi %broadcast_in_dim3A_209, %iota3A_199 : vector<16xi32>
          %gather3A_211 = tpu.vector_load_idx %arg21[%add3A_210] : memref<136xi32, #tpu.memory_space<vmem>>[vector<16xi32>], vector<16xi32>,
          %swap3A_212 = arith.constant 16 : index
          %swap3A_213 = tpu.vector_load %arg22[%swap3A_212] {strides = array<i32>} : memref<128xi32, #tpu.memory_space<vmem>>, vector<16xi32>,
          tpu.vector_store %arg22[%swap3A_212], %gather3A_211 {strides = array<i32>} : memref<128xi32, #tpu.memory_space<vmem>>, vector<16xi32>,
          %add3A_214 = arith.constant 32 : i32
          %add3A_215 = arith.addi %sub3A_198, %add3A_214 : i32
          %broadcast_in_dim3A_216 = vector.broadcast %add3A_215 : i32 to vector<16xi32>
          %add3A_217 = arith.addi %broadcast_in_dim3A_216, %iota3A_199 : vector<16xi32>
          %gather3A_218 = tpu.vector_load_idx %arg21[%add3A_217] : memref<136xi32, #tpu.memory_space<vmem>>[vector<16xi32>], vector<16xi32>,
          %swap3A_219 = arith.constant 32 : index
          %swap3A_220 = tpu.vector_load %arg22[%swap3A_219] {strides = array<i32>} : memref<128xi32, #tpu.memory_space<vmem>>, vector<16xi32>,
          tpu.vector_store %arg22[%swap3A_219], %gather3A_218 {strides = array<i32>} : memref<128xi32, #tpu.memory_space<vmem>>, vector<16xi32>,
          %add3A_221 = arith.constant 48 : i32
          %add3A_222 = arith.addi %sub3A_198, %add3A_221 : i32
          %broadcast_in_dim3A_223 = vector.broadcast %add3A_222 : i32 to vector<16xi32>
          %add3A_224 = arith.addi %broadcast_in_dim3A_223, %iota3A_199 : vector<16xi32>
          %gather3A_225 = tpu.vector_load_idx %arg21[%add3A_224] : memref<136xi32, #tpu.memory_space<vmem>>[vector<16xi32>], vector<16xi32>,
          %swap3A_226 = arith.constant 48 : index
          %swap3A_227 = tpu.vector_load %arg22[%swap3A_226] {strides = array<i32>} : memref<128xi32, #tpu.memory_space<vmem>>, vector<16xi32>,
          tpu.vector_store %arg22[%swap3A_226], %gather3A_225 {strides = array<i32>} : memref<128xi32, #tpu.memory_space<vmem>>, vector<16xi32>,
          %add3A_228 = arith.constant 64 : i32
          %add3A_229 = arith.addi %sub3A_198, %add3A_228 : i32
          %broadcast_in_dim3A_230 = vector.broadcast %add3A_229 : i32 to vector<16xi32>
          %add3A_231 = arith.addi %broadcast_in_dim3A_230, %iota3A_199 : vector<16xi32>
          %gather3A_232 = tpu.vector_load_idx %arg21[%add3A_231] : memref<136xi32, #tpu.memory_space<vmem>>[vector<16xi32>], vector<16xi32>,
          %swap3A_233 = arith.constant 64 : index
          %swap3A_234 = tpu.vector_load %arg22[%swap3A_233] {strides = array<i32>} : memref<128xi32, #tpu.memory_space<vmem>>, vector<16xi32>,
          tpu.vector_store %arg22[%swap3A_233], %gather3A_232 {strides = array<i32>} : memref<128xi32, #tpu.memory_space<vmem>>, vector<16xi32>,
          %add3A_235 = arith.constant 80 : i32
          %add3A_236 = arith.addi %sub3A_198, %add3A_235 : i32
          %broadcast_in_dim3A_237 = vector.broadcast %add3A_236 : i32 to vector<16xi32>
          %add3A_238 = arith.addi %broadcast_in_dim3A_237, %iota3A_199 : vector<16xi32>
          %gather3A_239 = tpu.vector_load_idx %arg21[%add3A_238] : memref<136xi32, #tpu.memory_space<vmem>>[vector<16xi32>], vector<16xi32>,
          %swap3A_240 = arith.constant 80 : index
          %swap3A_241 = tpu.vector_load %arg22[%swap3A_240] {strides = array<i32>} : memref<128xi32, #tpu.memory_space<vmem>>, vector<16xi32>,
          tpu.vector_store %arg22[%swap3A_240], %gather3A_239 {strides = array<i32>} : memref<128xi32, #tpu.memory_space<vmem>>, vector<16xi32>,
          %add3A_242 = arith.constant 96 : i32
          %add3A_243 = arith.addi %sub3A_198, %add3A_242 : i32
          %broadcast_in_dim3A_244 = vector.broadcast %add3A_243 : i32 to vector<16xi32>
          %add3A_245 = arith.addi %broadcast_in_dim3A_244, %iota3A_199 : vector<16xi32>
          %gather3A_246 = tpu.vector_load_idx %arg21[%add3A_245] : memref<136xi32, #tpu.memory_space<vmem>>[vector<16xi32>], vector<16xi32>,
          %swap3A_247 = arith.constant 96 : index
          %swap3A_248 = tpu.vector_load %arg22[%swap3A_247] {strides = array<i32>} : memref<128xi32, #tpu.memory_space<vmem>>, vector<16xi32>,
          tpu.vector_store %arg22[%swap3A_247], %gather3A_246 {strides = array<i32>} : memref<128xi32, #tpu.memory_space<vmem>>, vector<16xi32>,
          %add3A_249 = arith.constant 112 : i32
          %add3A_250 = arith.addi %sub3A_198, %add3A_249 : i32
          %broadcast_in_dim3A_251 = vector.broadcast %add3A_250 : i32 to vector<16xi32>
          %add3A_252 = arith.addi %broadcast_in_dim3A_251, %iota3A_199 : vector<16xi32>
          %gather3A_253 = tpu.vector_load_idx %arg21[%add3A_252] : memref<136xi32, #tpu.memory_space<vmem>>[vector<16xi32>], vector<16xi32>,
          %swap3A_254 = arith.constant 112 : index
          %swap3A_255 = tpu.vector_load %arg22[%swap3A_254] {strides = array<i32>} : memref<128xi32, #tpu.memory_space<vmem>>, vector<16xi32>,
          tpu.vector_store %arg22[%swap3A_254], %gather3A_253 {strides = array<i32>} : memref<128xi32, #tpu.memory_space<vmem>>, vector<16xi32>,
          %dma_start3A_256 = arith.constant 0 : i32
          %dma_start3A_257 = arith.constant 0 : i32
          %dma_start3A_258 = tpu.memref_slice %arg2[%dma_start3A_256, %dma_start3A_257] : memref<10000x16xf32, #tpu.memory_space<hbm>> -> memref<10000x16xf32, #tpu.memory_space<hbm>>
          tpu.enqueue_indirect_dma source(%dma_start3A_258 : memref<10000x16xf32, #tpu.memory_space<hbm>>) target(%arg17 : memref<128x16xf32, #tpu.memory_space<vmem>>) offsets(%arg22 : memref<128xi32, #tpu.memory_space<vmem>>) semaphore(%arg34 : memref<!tpu.dma_semaphore, #tpu.memory_space<semaphore_mem>>)
          %dma_wait3A_259 = arith.constant 0 : i32
          %dma_wait3A_260 = arith.constant 0 : i32
          %dma_wait3A_261 = tpu.memref_slice %arg2[%dma_wait3A_259, %dma_wait3A_260] : memref<10000x16xf32, #tpu.memory_space<hbm>> -> memref<10000x16xf32, #tpu.memory_space<hbm>>
          tpu.wait_indirect_dma semaphore(%arg34 : memref<!tpu.dma_semaphore, #tpu.memory_space<semaphore_mem>>) src(%dma_wait3A_261 : memref<10000x16xf32, #tpu.memory_space<hbm>>) dst(%arg17 : memref<128x16xf32, #tpu.memory_space<vmem>>)
          %while3A_262 = arith.constant 0 : i32
          %while3A_263 = arith.constant 0 : i32
          %while3A_264 = arith.subi %min3A_154, %while3A_263 : i32
          %while3A_265 = arith.addi %while3A_263, %while3A_264 : i32
          %while3A_266 = arith.constant 1 : i32
          %while3A_267 = arith.divsi %while3A_264, %while3A_266 : i32
          %while3A_268 = arith.muli %while3A_267, %while3A_266 : i32
          %while3A_269 = arith.addi %while3A_263, %while3A_268 : i32
          %while3A_270 = arith.constant 1 : i32
          scf.for %while3A_299 = %while3A_263 to %while3A_269 step %while3A_270  : i32 {
            %broadcast_in_dim3A_300 = vector.broadcast %while3A_299 : i32 to vector<16xi32>
            %broadcast_in_dim3A_301 = arith.constant 0 : i32
            %broadcast_in_dim3A_302 = vector.broadcast %broadcast_in_dim3A_301 : i32 to vector<16xi32>
            tpu.vector_store_idx %arg24[%broadcast_in_dim3A_300, %iota3A], %broadcast_in_dim3A_302 : memref<128x16xi32, #tpu.memory_space<vmem>>[vector<16xi32>, vector<16xi32>], vector<16xi32>,
          }
          %while3A_271 = arith.constant 1 : i32
          scf.for %while3A_299 = %while3A_269 to %while3A_265 step %while3A_271  : i32 {
            %broadcast_in_dim3A_300 = vector.broadcast %while3A_299 : i32 to vector<16xi32>
            %broadcast_in_dim3A_301 = arith.constant 0 : i32
            %broadcast_in_dim3A_302 = vector.broadcast %broadcast_in_dim3A_301 : i32 to vector<16xi32>
            tpu.vector_store_idx %arg24[%broadcast_in_dim3A_300, %iota3A], %broadcast_in_dim3A_302 : memref<128x16xi32, #tpu.memory_space<vmem>>[vector<16xi32>, vector<16xi32>], vector<16xi32>,
          }
          %while3A_272 = arith.constant 0 : i32
          %while3A_273 = arith.constant 0 : i32
          %while3A_274 = arith.subi %shift_right_arithmetic3A_135, %while3A_272 : i32
          %while3A_275 = arith.addi %while3A_272, %while3A_274 : i32
          %while3A_276 = arith.constant 1 : i32
          %while3A_277 = arith.divsi %while3A_274, %while3A_276 : i32
          %while3A_278 = arith.muli %while3A_277, %while3A_276 : i32
          %while3A_279 = arith.addi %while3A_272, %while3A_278 : i32
          %while3A_280 = arith.constant 1 : i32
          %while3A_281 = scf.for %while3A_299 = %while3A_272 to %while3A_279 step %while3A_280 iter_args(%while3A_300 = %while3A_273) -> (i32)  : i32 {
            %mul3A_301 = arith.constant 128 : i32
            %mul3A_302 = arith.muli %while3A_299, %mul3A_301 : i32
            %sub3A_303 = arith.subi %reduce_max3A_118, %mul3A_302 : i32
            %min3A_304 = arith.constant 128 : i32
            %min3A_305 = arith.minsi %sub3A_303, %min3A_304 : i32
            %mul3A_306 = arith.constant 128 : i32
            %mul3A_307 = arith.muli %while3A_299, %mul3A_306 : i32
            %min3A_308 = arith.constant 319 : i32
            %min3A_309 = arith.minsi %scan3A_10, %min3A_308 : i32
            %broadcast_in_dim3A_310 = vector.broadcast %min3A_309 : i32 to vector<16xi32>
            %gather3A_311 = tpu.vector_load_idx %arg7[%broadcast_in_dim3A_310] : memref<320xi32, #tpu.memory_space<vmem>>[vector<16xi32>], vector<16xi32>,
            %reduce_max3A_312 = arith.constant true
            %reduce_max3A_313 = vector.broadcast %reduce_max3A_312 : i1 to vector<16xi1>
            %reduce_max3A_314 = arith.constant -2147483648 : i32
            %reduce_max3A_315 = vector.broadcast %reduce_max3A_314 : i32 to vector<16xi32>
            %reduce_max3A_316 = arith.xori %gather3A_311, %reduce_max3A_315 : vector<16xi32>
            %reduce_max3A_317 = tpu.scan <max>, %reduce_max3A_316 masked %reduce_max3A_313 : vector<16xi32>, vector<16xi1> -> vector<16xi32>
            %reduce_max3A_318 = arith.xori %reduce_max3A_317, %reduce_max3A_315 : vector<16xi32>
            %reduce_max3A_319 = vector.extract %reduce_max3A_318[15] : i32 from vector<16xi32>
            %add3A_320 = arith.addi %reduce_max3A_319, %mul3A_307 : i32
            %shift_right_arithmetic3A_321 = arith.constant 3 : i32
            %shift_right_arithmetic3A_322 = arith.shrsi %add3A_320, %shift_right_arithmetic3A_321 : i32
            %shift_left3A_323 = arith.constant 3 : i32
            %shift_left3A_324 = arith.shli %shift_right_arithmetic3A_322, %shift_left3A_323 : i32
            %multiple_of3A_325 = tpu.assume_multiple %shift_left3A_324, 8 : i32
            %dma_start3A_326 = tpu.memref_slice %arg3[%multiple_of3A_325] : memref<330256xi32, #tpu.memory_space<hbm>> -> memref<136xi32, #tpu.memory_space<hbm>>
            %dma_start3A_327 = tpu.memref_slice %arg3[%multiple_of3A_325] : memref<330256xi32, #tpu.memory_space<hbm>> -> memref<136xi32, #tpu.memory_space<hbm>>
            tpu.enqueue_dma source(%dma_start3A_327 : memref<136xi32, #tpu.memory_space<hbm>>) target(%arg21 : memref<136xi32, #tpu.memory_space<vmem>>) target_semaphore(%arg34 : memref<!tpu.dma_semaphore, #tpu.memory_space<semaphore_mem>>)
            %dma_wait3A_328 = arith.constant 0 : i32
            %dma_wait3A_329 = tpu.memref_slice %arg3[%dma_wait3A_328] : memref<330256xi32, #tpu.memory_space<hbm>> -> memref<136xi32, #tpu.memory_space<hbm>>
            %dma_wait3A_330 = arith.constant 0 : i32
            %dma_wait3A_331 = tpu.memref_slice %arg3[%dma_wait3A_330] : memref<330256xi32, #tpu.memory_space<hbm>> -> memref<136xi32, #tpu.memory_space<hbm>>
            tpu.wait_dma2 semaphore(%arg34 : memref<!tpu.dma_semaphore, #tpu.memory_space<semaphore_mem>>) src(%dma_wait3A_331 : memref<136xi32, #tpu.memory_space<hbm>>) dst(%arg21 : memref<136xi32, #tpu.memory_space<vmem>>)
            %min3A_332 = arith.constant 319 : i32
            %min3A_333 = arith.minsi %scan3A_10, %min3A_332 : i32
            %broadcast_in_dim3A_334 = vector.broadcast %min3A_333 : i32 to vector<16xi32>
            %gather3A_335 = tpu.vector_load_idx %arg7[%broadcast_in_dim3A_334] : memref<320xi32, #tpu.memory_space<vmem>>[vector<16xi32>], vector<16xi32>,
            %reduce_max3A_336 = arith.constant true
            %reduce_max3A_337 = vector.broadcast %reduce_max3A_336 : i1 to vector<16xi1>
            %reduce_max3A_338 = arith.constant -2147483648 : i32
            %reduce_max3A_339 = vector.broadcast %reduce_max3A_338 : i32 to vector<16xi32>
            %reduce_max3A_340 = arith.xori %gather3A_335, %reduce_max3A_339 : vector<16xi32>
            %reduce_max3A_341 = tpu.scan <max>, %reduce_max3A_340 masked %reduce_max3A_337 : vector<16xi32>, vector<16xi1> -> vector<16xi32>
            %reduce_max3A_342 = arith.xori %reduce_max3A_341, %reduce_max3A_339 : vector<16xi32>
            %reduce_max3A_343 = vector.extract %reduce_max3A_342[15] : i32 from vector<16xi32>
            %add3A_344 = arith.addi %reduce_max3A_343, %mul3A_307 : i32
            %shift_right_arithmetic3A_345 = arith.constant 3 : i32
            %shift_right_arithmetic3A_346 = arith.shrsi %add3A_344, %shift_right_arithmetic3A_345 : i32
            %shift_left3A_347 = arith.constant 3 : i32
            %shift_left3A_348 = arith.shli %shift_right_arithmetic3A_346, %shift_left3A_347 : i32
            %sub3A_349 = arith.subi %add3A_344, %shift_left3A_348 : i32
            %iota3A_350 = tpu.iota {dimensions = array<i32: 0>} : vector<16xi32>
            %add3A_351 = arith.constant 0 : i32
            %add3A_352 = arith.addi %sub3A_349, %add3A_351 : i32
            %broadcast_in_dim3A_353 = vector.broadcast %add3A_352 : i32 to vector<16xi32>
            %add3A_354 = arith.addi %broadcast_in_dim3A_353, %iota3A_350 : vector<16xi32>
            %gather3A_355 = tpu.vector_load_idx %arg21[%add3A_354] : memref<136xi32, #tpu.memory_space<vmem>>[vector<16xi32>], vector<16xi32>,
            %swap3A_356 = arith.constant 0 : index
            %swap3A_357 = tpu.vector_load %arg22[%swap3A_356] {strides = array<i32>} : memref<128xi32, #tpu.memory_space<vmem>>, vector<16xi32>,
            tpu.vector_store %arg22[%swap3A_356], %gather3A_355 {strides = array<i32>} : memref<128xi32, #tpu.memory_space<vmem>>, vector<16xi32>,
            %add3A_358 = arith.constant 16 : i32
            %add3A_359 = arith.addi %sub3A_349, %add3A_358 : i32
            %broadcast_in_dim3A_360 = vector.broadcast %add3A_359 : i32 to vector<16xi32>
            %add3A_361 = arith.addi %broadcast_in_dim3A_360, %iota3A_350 : vector<16xi32>
            %gather3A_362 = tpu.vector_load_idx %arg21[%add3A_361] : memref<136xi32, #tpu.memory_space<vmem>>[vector<16xi32>], vector<16xi32>,
            %swap3A_363 = arith.constant 16 : index
            %swap3A_364 = tpu.vector_load %arg22[%swap3A_363] {strides = array<i32>} : memref<128xi32, #tpu.memory_space<vmem>>, vector<16xi32>,
            tpu.vector_store %arg22[%swap3A_363], %gather3A_362 {strides = array<i32>} : memref<128xi32, #tpu.memory_space<vmem>>, vector<16xi32>,
            %add3A_365 = arith.constant 32 : i32
            %add3A_366 = arith.addi %sub3A_349, %add3A_365 : i32
            %broadcast_in_dim3A_367 = vector.broadcast %add3A_366 : i32 to vector<16xi32>
            %add3A_368 = arith.addi %broadcast_in_dim3A_367, %iota3A_350 : vector<16xi32>
            %gather3A_369 = tpu.vector_load_idx %arg21[%add3A_368] : memref<136xi32, #tpu.memory_space<vmem>>[vector<16xi32>], vector<16xi32>,
            %swap3A_370 = arith.constant 32 : index
            %swap3A_371 = tpu.vector_load %arg22[%swap3A_370] {strides = array<i32>} : memref<128xi32, #tpu.memory_space<vmem>>, vector<16xi32>,
            tpu.vector_store %arg22[%swap3A_370], %gather3A_369 {strides = array<i32>} : memref<128xi32, #tpu.memory_space<vmem>>, vector<16xi32>,
            %add3A_372 = arith.constant 48 : i32
            %add3A_373 = arith.addi %sub3A_349, %add3A_372 : i32
            %broadcast_in_dim3A_374 = vector.broadcast %add3A_373 : i32 to vector<16xi32>
            %add3A_375 = arith.addi %broadcast_in_dim3A_374, %iota3A_350 : vector<16xi32>
            %gather3A_376 = tpu.vector_load_idx %arg21[%add3A_375] : memref<136xi32, #tpu.memory_space<vmem>>[vector<16xi32>], vector<16xi32>,
            %swap3A_377 = arith.constant 48 : index
            %swap3A_378 = tpu.vector_load %arg22[%swap3A_377] {strides = array<i32>} : memref<128xi32, #tpu.memory_space<vmem>>, vector<16xi32>,
            tpu.vector_store %arg22[%swap3A_377], %gather3A_376 {strides = array<i32>} : memref<128xi32, #tpu.memory_space<vmem>>, vector<16xi32>,
            %add3A_379 = arith.constant 64 : i32
            %add3A_380 = arith.addi %sub3A_349, %add3A_379 : i32
            %broadcast_in_dim3A_381 = vector.broadcast %add3A_380 : i32 to vector<16xi32>
            %add3A_382 = arith.addi %broadcast_in_dim3A_381, %iota3A_350 : vector<16xi32>
            %gather3A_383 = tpu.vector_load_idx %arg21[%add3A_382] : memref<136xi32, #tpu.memory_space<vmem>>[vector<16xi32>], vector<16xi32>,
            %swap3A_384 = arith.constant 64 : index
            %swap3A_385 = tpu.vector_load %arg22[%swap3A_384] {strides = array<i32>} : memref<128xi32, #tpu.memory_space<vmem>>, vector<16xi32>,
            tpu.vector_store %arg22[%swap3A_384], %gather3A_383 {strides = array<i32>} : memref<128xi32, #tpu.memory_space<vmem>>, vector<16xi32>,
            %add3A_386 = arith.constant 80 : i32
            %add3A_387 = arith.addi %sub3A_349, %add3A_386 : i32
            %broadcast_in_dim3A_388 = vector.broadcast %add3A_387 : i32 to vector<16xi32>
            %add3A_389 = arith.addi %broadcast_in_dim3A_388, %iota3A_350 : vector<16xi32>
            %gather3A_390 = tpu.vector_load_idx %arg21[%add3A_389] : memref<136xi32, #tpu.memory_space<vmem>>[vector<16xi32>], vector<16xi32>,
            %swap3A_391 = arith.constant 80 : index
            %swap3A_392 = tpu.vector_load %arg22[%swap3A_391] {strides = array<i32>} : memref<128xi32, #tpu.memory_space<vmem>>, vector<16xi32>,
            tpu.vector_store %arg22[%swap3A_391], %gather3A_390 {strides = array<i32>} : memref<128xi32, #tpu.memory_space<vmem>>, vector<16xi32>,
            %add3A_393 = arith.constant 96 : i32
            %add3A_394 = arith.addi %sub3A_349, %add3A_393 : i32
            %broadcast_in_dim3A_395 = vector.broadcast %add3A_394 : i32 to vector<16xi32>
            %add3A_396 = arith.addi %broadcast_in_dim3A_395, %iota3A_350 : vector<16xi32>
            %gather3A_397 = tpu.vector_load_idx %arg21[%add3A_396] : memref<136xi32, #tpu.memory_space<vmem>>[vector<16xi32>], vector<16xi32>,
            %swap3A_398 = arith.constant 96 : index
            %swap3A_399 = tpu.vector_load %arg22[%swap3A_398] {strides = array<i32>} : memref<128xi32, #tpu.memory_space<vmem>>, vector<16xi32>,
            tpu.vector_store %arg22[%swap3A_398], %gather3A_397 {strides = array<i32>} : memref<128xi32, #tpu.memory_space<vmem>>, vector<16xi32>,
            %add3A_400 = arith.constant 112 : i32
            %add3A_401 = arith.addi %sub3A_349, %add3A_400 : i32
            %broadcast_in_dim3A_402 = vector.broadcast %add3A_401 : i32 to vector<16xi32>
            %add3A_403 = arith.addi %broadcast_in_dim3A_402, %iota3A_350 : vector<16xi32>
            %gather3A_404 = tpu.vector_load_idx %arg21[%add3A_403] : memref<136xi32, #tpu.memory_space<vmem>>[vector<16xi32>], vector<16xi32>,
            %swap3A_405 = arith.constant 112 : index
            %swap3A_406 = tpu.vector_load %arg22[%swap3A_405] {strides = array<i32>} : memref<128xi32, #tpu.memory_space<vmem>>, vector<16xi32>,
            tpu.vector_store %arg22[%swap3A_405], %gather3A_404 {strides = array<i32>} : memref<128xi32, #tpu.memory_space<vmem>>, vector<16xi32>,
            %dma_start3A_407 = arith.constant 0 : i32
            %dma_start3A_408 = arith.constant 0 : i32
            %dma_start3A_409 = tpu.memref_slice %arg2[%dma_start3A_407, %dma_start3A_408] : memref<10000x16xf32, #tpu.memory_space<hbm>> -> memref<10000x16xf32, #tpu.memory_space<hbm>>
            tpu.enqueue_indirect_dma source(%dma_start3A_409 : memref<10000x16xf32, #tpu.memory_space<hbm>>) target(%arg23 : memref<128x16xf32, #tpu.memory_space<vmem>>) offsets(%arg22 : memref<128xi32, #tpu.memory_space<vmem>>) semaphore(%arg34 : memref<!tpu.dma_semaphore, #tpu.memory_space<semaphore_mem>>)
            %dma_wait3A_410 = arith.constant 0 : i32
            %dma_wait3A_411 = arith.constant 0 : i32
            %dma_wait3A_412 = tpu.memref_slice %arg2[%dma_wait3A_410, %dma_wait3A_411] : memref<10000x16xf32, #tpu.memory_space<hbm>> -> memref<10000x16xf32, #tpu.memory_space<hbm>>
            tpu.wait_indirect_dma semaphore(%arg34 : memref<!tpu.dma_semaphore, #tpu.memory_space<semaphore_mem>>) src(%dma_wait3A_412 : memref<10000x16xf32, #tpu.memory_space<hbm>>) dst(%arg23 : memref<128x16xf32, #tpu.memory_space<vmem>>)
            %while3A_413 = arith.constant 0 : i32
            %while3A_414 = arith.constant 0 : i32
            %while3A_415 = arith.subi %min3A_154, %while3A_414 : i32
            %while3A_416 = arith.addi %while3A_414, %while3A_415 : i32
            %while3A_417 = arith.constant 1 : i32
            %while3A_418 = arith.divsi %while3A_415, %while3A_417 : i32
            %while3A_419 = arith.muli %while3A_418, %while3A_417 : i32
            %while3A_420 = arith.addi %while3A_414, %while3A_419 : i32
            %while3A_421 = arith.constant 1 : i32
            scf.for %while3A_424 = %while3A_414 to %while3A_420 step %while3A_421  : i32 {
              %broadcast_in_dim3A_425 = vector.broadcast %while3A_424 : i32 to vector<16xi32>
              %iota3A_426 = tpu.iota {dimensions = array<i32: 0>} : vector<16xi32>
              %gather3A_427 = tpu.vector_load_idx %arg17[%broadcast_in_dim3A_425, %iota3A_426] : memref<128x16xf32, #tpu.memory_space<vmem>>[vector<16xi32>, vector<16xi32>], vector<16xf32>,
              %broadcast_in_dim3A_428 = arith.constant 0 : i32
              %broadcast_in_dim3A_429 = vector.broadcast %broadcast_in_dim3A_428 : i32 to vector<16xi32>
              %shift_right_arithmetic3A_430 = arith.constant 2 : i32
              %shift_right_arithmetic3A_431 = arith.shrsi %min3A_305, %shift_right_arithmetic3A_430 : i32
              %while3A_432 = arith.constant 0 : i32
              %while3A_433 = arith.subi %shift_right_arithmetic3A_431, %while3A_432 : i32
              %while3A_434 = arith.addi %while3A_432, %while3A_433 : i32
              %while3A_435 = arith.constant 1 : i32
              %while3A_436 = arith.divsi %while3A_433, %while3A_435 : i32
              %while3A_437 = arith.muli %while3A_436, %while3A_435 : i32
              %while3A_438 = arith.addi %while3A_432, %while3A_437 : i32
              %while3A_439 = arith.constant 1 : i32
              %while3A_440 = scf.for %while3A_463 = %while3A_432 to %while3A_438 step %while3A_439 iter_args(%while3A_464 = %broadcast_in_dim3A_429) -> (vector<16xi32>)  : i32 {
                %shift_left3A_465 = arith.constant 2 : i32
                %shift_left3A_466 = arith.shli %while3A_463, %shift_left3A_465 : i32
                %broadcast_in_dim3A_467 = vector.broadcast %shift_left3A_466 : i32 to vector<16xi32>
                %iota3A_468 = tpu.iota {dimensions = array<i32: 0>} : vector<16xi32>
                %gather3A_469 = tpu.vector_load_idx %arg23[%broadcast_in_dim3A_467, %iota3A_468] : memref<128x16xf32, #tpu.memory_space<vmem>>[vector<16xi32>, vector<16xi32>], vector<16xf32>,
                %lt3A = arith.cmpf olt, %gather3A_469, %gather3A_427 : vector<16xf32>
                %convert_element_type3A_470 = arith.extui %lt3A : vector<16xi1> to vector<16xi32>
                %add3A_471 = arith.addi %while3A_464, %convert_element_type3A_470 : vector<16xi32>
                %add3A_472 = arith.constant 1 : i32
                %add3A_473 = arith.addi %shift_left3A_466, %add3A_472 : i32
                %broadcast_in_dim3A_474 = vector.broadcast %add3A_473 : i32 to vector<16xi32>
                %iota3A_475 = tpu.iota {dimensions = array<i32: 0>} : vector<16xi32>
                %gather3A_476 = tpu.vector_load_idx %arg23[%broadcast_in_dim3A_474, %iota3A_475] : memref<128x16xf32, #tpu.memory_space<vmem>>[vector<16xi32>, vector<16xi32>], vector<16xf32>,
                %lt3A_477 = arith.cmpf olt, %gather3A_476, %gather3A_427 : vector<16xf32>
                %convert_element_type3A_478 = arith.extui %lt3A_477 : vector<16xi1> to vector<16xi32>
                %add3A_479 = arith.addi %add3A_471, %convert_element_type3A_478 : vector<16xi32>
                %add3A_480 = arith.constant 2 : i32
                %add3A_481 = arith.addi %shift_left3A_466, %add3A_480 : i32
                %broadcast_in_dim3A_482 = vector.broadcast %add3A_481 : i32 to vector<16xi32>
                %iota3A_483 = tpu.iota {dimensions = array<i32: 0>} : vector<16xi32>
                %gather3A_484 = tpu.vector_load_idx %arg23[%broadcast_in_dim3A_482, %iota3A_483] : memref<128x16xf32, #tpu.memory_space<vmem>>[vector<16xi32>, vector<16xi32>], vector<16xf32>,
                %lt3A_485 = arith.cmpf olt, %gather3A_484, %gather3A_427 : vector<16xf32>
                %convert_element_type3A_486 = arith.extui %lt3A_485 : vector<16xi1> to vector<16xi32>
                %add3A_487 = arith.addi %add3A_479, %convert_element_type3A_486 : vector<16xi32>
                %add3A_488 = arith.constant 3 : i32
                %add3A_489 = arith.addi %shift_left3A_466, %add3A_488 : i32
                %broadcast_in_dim3A_490 = vector.broadcast %add3A_489 : i32 to vector<16xi32>
                %iota3A_491 = tpu.iota {dimensions = array<i32: 0>} : vector<16xi32>
                %gather3A_492 = tpu.vector_load_idx %arg23[%broadcast_in_dim3A_490, %iota3A_491] : memref<128x16xf32, #tpu.memory_space<vmem>>[vector<16xi32>, vector<16xi32>], vector<16xf32>,
                %lt3A_493 = arith.cmpf olt, %gather3A_492, %gather3A_427 : vector<16xf32>
                %convert_element_type3A_494 = arith.extui %lt3A_493 : vector<16xi1> to vector<16xi32>
                %add3A_495 = arith.addi %add3A_487, %convert_element_type3A_494 : vector<16xi32>
                scf.yield %add3A_495 : vector<16xi32>
              }
              %while3A_441 = arith.constant 1 : i32
              %while3A_442 = scf.for %while3A_463 = %while3A_438 to %while3A_434 step %while3A_441 iter_args(%while3A_464 = %while3A_440) -> (vector<16xi32>)  : i32 {
                %shift_left3A_465 = arith.constant 2 : i32
                %shift_left3A_466 = arith.shli %while3A_463, %shift_left3A_465 : i32
                %broadcast_in_dim3A_467 = vector.broadcast %shift_left3A_466 : i32 to vector<16xi32>
                %iota3A_468 = tpu.iota {dimensions = array<i32: 0>} : vector<16xi32>
                %gather3A_469 = tpu.vector_load_idx %arg23[%broadcast_in_dim3A_467, %iota3A_468] : memref<128x16xf32, #tpu.memory_space<vmem>>[vector<16xi32>, vector<16xi32>], vector<16xf32>,
                %lt3A = arith.cmpf olt, %gather3A_469, %gather3A_427 : vector<16xf32>
                %convert_element_type3A_470 = arith.extui %lt3A : vector<16xi1> to vector<16xi32>
                %add3A_471 = arith.addi %while3A_464, %convert_element_type3A_470 : vector<16xi32>
                %add3A_472 = arith.constant 1 : i32
                %add3A_473 = arith.addi %shift_left3A_466, %add3A_472 : i32
                %broadcast_in_dim3A_474 = vector.broadcast %add3A_473 : i32 to vector<16xi32>
                %iota3A_475 = tpu.iota {dimensions = array<i32: 0>} : vector<16xi32>
                %gather3A_476 = tpu.vector_load_idx %arg23[%broadcast_in_dim3A_474, %iota3A_475] : memref<128x16xf32, #tpu.memory_space<vmem>>[vector<16xi32>, vector<16xi32>], vector<16xf32>,
                %lt3A_477 = arith.cmpf olt, %gather3A_476, %gather3A_427 : vector<16xf32>
                %convert_element_type3A_478 = arith.extui %lt3A_477 : vector<16xi1> to vector<16xi32>
                %add3A_479 = arith.addi %add3A_471, %convert_element_type3A_478 : vector<16xi32>
                %add3A_480 = arith.constant 2 : i32
                %add3A_481 = arith.addi %shift_left3A_466, %add3A_480 : i32
                %broadcast_in_dim3A_482 = vector.broadcast %add3A_481 : i32 to vector<16xi32>
                %iota3A_483 = tpu.iota {dimensions = array<i32: 0>} : vector<16xi32>
                %gather3A_484 = tpu.vector_load_idx %arg23[%broadcast_in_dim3A_482, %iota3A_483] : memref<128x16xf32, #tpu.memory_space<vmem>>[vector<16xi32>, vector<16xi32>], vector<16xf32>,
                %lt3A_485 = arith.cmpf olt, %gather3A_484, %gather3A_427 : vector<16xf32>
                %convert_element_type3A_486 = arith.extui %lt3A_485 : vector<16xi1> to vector<16xi32>
                %add3A_487 = arith.addi %add3A_479, %convert_element_type3A_486 : vector<16xi32>
                %add3A_488 = arith.constant 3 : i32
                %add3A_489 = arith.addi %shift_left3A_466, %add3A_488 : i32
                %broadcast_in_dim3A_490 = vector.broadcast %add3A_489 : i32 to vector<16xi32>
                %iota3A_491 = tpu.iota {dimensions = array<i32: 0>} : vector<16xi32>
                %gather3A_492 = tpu.vector_load_idx %arg23[%broadcast_in_dim3A_490, %iota3A_491] : memref<128x16xf32, #tpu.memory_space<vmem>>[vector<16xi32>, vector<16xi32>], vector<16xf32>,
                %lt3A_493 = arith.cmpf olt, %gather3A_492, %gather3A_427 : vector<16xf32>
                %convert_element_type3A_494 = arith.extui %lt3A_493 : vector<16xi1> to vector<16xi32>
                %add3A_495 = arith.addi %add3A_487, %convert_element_type3A_494 : vector<16xi32>
                scf.yield %add3A_495 : vector<16xi32>
              }
              %shift_right_arithmetic3A_443 = arith.constant 2 : i32
              %shift_right_arithmetic3A_444 = arith.shrsi %min3A_305, %shift_right_arithmetic3A_443 : i32
              %shift_left3A_445 = arith.constant 2 : i32
              %shift_left3A_446 = arith.shli %shift_right_arithmetic3A_444, %shift_left3A_445 : i32
              %and3A = arith.constant 3 : i32
              %and3A_447 = arith.andi %min3A_305, %and3A : i32
              %while3A_448 = arith.constant 0 : i32
              %while3A_449 = arith.subi %and3A_447, %while3A_448 : i32
              %while3A_450 = arith.addi %while3A_448, %while3A_449 : i32
              %while3A_451 = arith.constant 1 : i32
              %while3A_452 = arith.divsi %while3A_449, %while3A_451 : i32
              %while3A_453 = arith.muli %while3A_452, %while3A_451 : i32
              %while3A_454 = arith.addi %while3A_448, %while3A_453 : i32
              %while3A_455 = arith.constant 1 : i32
              %while3A_456 = scf.for %while3A_463 = %while3A_448 to %while3A_454 step %while3A_455 iter_args(%while3A_464 = %while3A_442) -> (vector<16xi32>)  : i32 {
                %add3A_465 = arith.addi %shift_left3A_446, %while3A_463 : i32
                %broadcast_in_dim3A_466 = vector.broadcast %add3A_465 : i32 to vector<16xi32>
                %iota3A_467 = tpu.iota {dimensions = array<i32: 0>} : vector<16xi32>
                %gather3A_468 = tpu.vector_load_idx %arg23[%broadcast_in_dim3A_466, %iota3A_467] : memref<128x16xf32, #tpu.memory_space<vmem>>[vector<16xi32>, vector<16xi32>], vector<16xf32>,
                %lt3A = arith.cmpf olt, %gather3A_468, %gather3A_427 : vector<16xf32>
                %convert_element_type3A_469 = arith.extui %lt3A : vector<16xi1> to vector<16xi32>
                %add3A_470 = arith.addi %while3A_464, %convert_element_type3A_469 : vector<16xi32>
                scf.yield %add3A_470 : vector<16xi32>
              }
              %while3A_457 = arith.constant 1 : i32
              %while3A_458 = scf.for %while3A_463 = %while3A_454 to %while3A_450 step %while3A_457 iter_args(%while3A_464 = %while3A_456) -> (vector<16xi32>)  : i32 {
                %add3A_465 = arith.addi %shift_left3A_446, %while3A_463 : i32
                %broadcast_in_dim3A_466 = vector.broadcast %add3A_465 : i32 to vector<16xi32>
                %iota3A_467 = tpu.iota {dimensions = array<i32: 0>} : vector<16xi32>
                %gather3A_468 = tpu.vector_load_idx %arg23[%broadcast_in_dim3A_466, %iota3A_467] : memref<128x16xf32, #tpu.memory_space<vmem>>[vector<16xi32>, vector<16xi32>], vector<16xf32>,
                %lt3A = arith.cmpf olt, %gather3A_468, %gather3A_427 : vector<16xf32>
                %convert_element_type3A_469 = arith.extui %lt3A : vector<16xi1> to vector<16xi32>
                %add3A_470 = arith.addi %while3A_464, %convert_element_type3A_469 : vector<16xi32>
                scf.yield %add3A_470 : vector<16xi32>
              }
              %broadcast_in_dim3A_459 = vector.broadcast %while3A_424 : i32 to vector<16xi32>
              %gather3A_460 = tpu.vector_load_idx %arg24[%broadcast_in_dim3A_459, %iota3A] : memref<128x16xi32, #tpu.memory_space<vmem>>[vector<16xi32>, vector<16xi32>], vector<16xi32>,
              %broadcast_in_dim3A_461 = vector.broadcast %while3A_424 : i32 to vector<16xi32>
              %add3A_462 = arith.addi %gather3A_460, %while3A_458 : vector<16xi32>
              tpu.vector_store_idx %arg24[%broadcast_in_dim3A_461, %iota3A], %add3A_462 : memref<128x16xi32, #tpu.memory_space<vmem>>[vector<16xi32>, vector<16xi32>], vector<16xi32>,
            }
            %while3A_422 = arith.constant 1 : i32
            scf.for %while3A_424 = %while3A_420 to %while3A_416 step %while3A_422  : i32 {
              %broadcast_in_dim3A_425 = vector.broadcast %while3A_424 : i32 to vector<16xi32>
              %iota3A_426 = tpu.iota {dimensions = array<i32: 0>} : vector<16xi32>
              %gather3A_427 = tpu.vector_load_idx %arg17[%broadcast_in_dim3A_425, %iota3A_426] : memref<128x16xf32, #tpu.memory_space<vmem>>[vector<16xi32>, vector<16xi32>], vector<16xf32>,
              %broadcast_in_dim3A_428 = arith.constant 0 : i32
              %broadcast_in_dim3A_429 = vector.broadcast %broadcast_in_dim3A_428 : i32 to vector<16xi32>
              %shift_right_arithmetic3A_430 = arith.constant 2 : i32
              %shift_right_arithmetic3A_431 = arith.shrsi %min3A_305, %shift_right_arithmetic3A_430 : i32
              %while3A_432 = arith.constant 0 : i32
              %while3A_433 = arith.subi %shift_right_arithmetic3A_431, %while3A_432 : i32
              %while3A_434 = arith.addi %while3A_432, %while3A_433 : i32
              %while3A_435 = arith.constant 1 : i32
              %while3A_436 = arith.divsi %while3A_433, %while3A_435 : i32
              %while3A_437 = arith.muli %while3A_436, %while3A_435 : i32
              %while3A_438 = arith.addi %while3A_432, %while3A_437 : i32
              %while3A_439 = arith.constant 1 : i32
              %while3A_440 = scf.for %while3A_463 = %while3A_432 to %while3A_438 step %while3A_439 iter_args(%while3A_464 = %broadcast_in_dim3A_429) -> (vector<16xi32>)  : i32 {
                %shift_left3A_465 = arith.constant 2 : i32
                %shift_left3A_466 = arith.shli %while3A_463, %shift_left3A_465 : i32
                %broadcast_in_dim3A_467 = vector.broadcast %shift_left3A_466 : i32 to vector<16xi32>
                %iota3A_468 = tpu.iota {dimensions = array<i32: 0>} : vector<16xi32>
                %gather3A_469 = tpu.vector_load_idx %arg23[%broadcast_in_dim3A_467, %iota3A_468] : memref<128x16xf32, #tpu.memory_space<vmem>>[vector<16xi32>, vector<16xi32>], vector<16xf32>,
                %lt3A = arith.cmpf olt, %gather3A_469, %gather3A_427 : vector<16xf32>
                %convert_element_type3A_470 = arith.extui %lt3A : vector<16xi1> to vector<16xi32>
                %add3A_471 = arith.addi %while3A_464, %convert_element_type3A_470 : vector<16xi32>
                %add3A_472 = arith.constant 1 : i32
                %add3A_473 = arith.addi %shift_left3A_466, %add3A_472 : i32
                %broadcast_in_dim3A_474 = vector.broadcast %add3A_473 : i32 to vector<16xi32>
                %iota3A_475 = tpu.iota {dimensions = array<i32: 0>} : vector<16xi32>
                %gather3A_476 = tpu.vector_load_idx %arg23[%broadcast_in_dim3A_474, %iota3A_475] : memref<128x16xf32, #tpu.memory_space<vmem>>[vector<16xi32>, vector<16xi32>], vector<16xf32>,
                %lt3A_477 = arith.cmpf olt, %gather3A_476, %gather3A_427 : vector<16xf32>
                %convert_element_type3A_478 = arith.extui %lt3A_477 : vector<16xi1> to vector<16xi32>
                %add3A_479 = arith.addi %add3A_471, %convert_element_type3A_478 : vector<16xi32>
                %add3A_480 = arith.constant 2 : i32
                %add3A_481 = arith.addi %shift_left3A_466, %add3A_480 : i32
                %broadcast_in_dim3A_482 = vector.broadcast %add3A_481 : i32 to vector<16xi32>
                %iota3A_483 = tpu.iota {dimensions = array<i32: 0>} : vector<16xi32>
                %gather3A_484 = tpu.vector_load_idx %arg23[%broadcast_in_dim3A_482, %iota3A_483] : memref<128x16xf32, #tpu.memory_space<vmem>>[vector<16xi32>, vector<16xi32>], vector<16xf32>,
                %lt3A_485 = arith.cmpf olt, %gather3A_484, %gather3A_427 : vector<16xf32>
                %convert_element_type3A_486 = arith.extui %lt3A_485 : vector<16xi1> to vector<16xi32>
                %add3A_487 = arith.addi %add3A_479, %convert_element_type3A_486 : vector<16xi32>
                %add3A_488 = arith.constant 3 : i32
                %add3A_489 = arith.addi %shift_left3A_466, %add3A_488 : i32
                %broadcast_in_dim3A_490 = vector.broadcast %add3A_489 : i32 to vector<16xi32>
                %iota3A_491 = tpu.iota {dimensions = array<i32: 0>} : vector<16xi32>
                %gather3A_492 = tpu.vector_load_idx %arg23[%broadcast_in_dim3A_490, %iota3A_491] : memref<128x16xf32, #tpu.memory_space<vmem>>[vector<16xi32>, vector<16xi32>], vector<16xf32>,
                %lt3A_493 = arith.cmpf olt, %gather3A_492, %gather3A_427 : vector<16xf32>
                %convert_element_type3A_494 = arith.extui %lt3A_493 : vector<16xi1> to vector<16xi32>
                %add3A_495 = arith.addi %add3A_487, %convert_element_type3A_494 : vector<16xi32>
                scf.yield %add3A_495 : vector<16xi32>
              }
              %while3A_441 = arith.constant 1 : i32
              %while3A_442 = scf.for %while3A_463 = %while3A_438 to %while3A_434 step %while3A_441 iter_args(%while3A_464 = %while3A_440) -> (vector<16xi32>)  : i32 {
                %shift_left3A_465 = arith.constant 2 : i32
                %shift_left3A_466 = arith.shli %while3A_463, %shift_left3A_465 : i32
                %broadcast_in_dim3A_467 = vector.broadcast %shift_left3A_466 : i32 to vector<16xi32>
                %iota3A_468 = tpu.iota {dimensions = array<i32: 0>} : vector<16xi32>
                %gather3A_469 = tpu.vector_load_idx %arg23[%broadcast_in_dim3A_467, %iota3A_468] : memref<128x16xf32, #tpu.memory_space<vmem>>[vector<16xi32>, vector<16xi32>], vector<16xf32>,
                %lt3A = arith.cmpf olt, %gather3A_469, %gather3A_427 : vector<16xf32>
                %convert_element_type3A_470 = arith.extui %lt3A : vector<16xi1> to vector<16xi32>
                %add3A_471 = arith.addi %while3A_464, %convert_element_type3A_470 : vector<16xi32>
                %add3A_472 = arith.constant 1 : i32
                %add3A_473 = arith.addi %shift_left3A_466, %add3A_472 : i32
                %broadcast_in_dim3A_474 = vector.broadcast %add3A_473 : i32 to vector<16xi32>
                %iota3A_475 = tpu.iota {dimensions = array<i32: 0>} : vector<16xi32>
                %gather3A_476 = tpu.vector_load_idx %arg23[%broadcast_in_dim3A_474, %iota3A_475] : memref<128x16xf32, #tpu.memory_space<vmem>>[vector<16xi32>, vector<16xi32>], vector<16xf32>,
                %lt3A_477 = arith.cmpf olt, %gather3A_476, %gather3A_427 : vector<16xf32>
                %convert_element_type3A_478 = arith.extui %lt3A_477 : vector<16xi1> to vector<16xi32>
                %add3A_479 = arith.addi %add3A_471, %convert_element_type3A_478 : vector<16xi32>
                %add3A_480 = arith.constant 2 : i32
                %add3A_481 = arith.addi %shift_left3A_466, %add3A_480 : i32
                %broadcast_in_dim3A_482 = vector.broadcast %add3A_481 : i32 to vector<16xi32>
                %iota3A_483 = tpu.iota {dimensions = array<i32: 0>} : vector<16xi32>
                %gather3A_484 = tpu.vector_load_idx %arg23[%broadcast_in_dim3A_482, %iota3A_483] : memref<128x16xf32, #tpu.memory_space<vmem>>[vector<16xi32>, vector<16xi32>], vector<16xf32>,
                %lt3A_485 = arith.cmpf olt, %gather3A_484, %gather3A_427 : vector<16xf32>
                %convert_element_type3A_486 = arith.extui %lt3A_485 : vector<16xi1> to vector<16xi32>
                %add3A_487 = arith.addi %add3A_479, %convert_element_type3A_486 : vector<16xi32>
                %add3A_488 = arith.constant 3 : i32
                %add3A_489 = arith.addi %shift_left3A_466, %add3A_488 : i32
                %broadcast_in_dim3A_490 = vector.broadcast %add3A_489 : i32 to vector<16xi32>
                %iota3A_491 = tpu.iota {dimensions = array<i32: 0>} : vector<16xi32>
                %gather3A_492 = tpu.vector_load_idx %arg23[%broadcast_in_dim3A_490, %iota3A_491] : memref<128x16xf32, #tpu.memory_space<vmem>>[vector<16xi32>, vector<16xi32>], vector<16xf32>,
                %lt3A_493 = arith.cmpf olt, %gather3A_492, %gather3A_427 : vector<16xf32>
                %convert_element_type3A_494 = arith.extui %lt3A_493 : vector<16xi1> to vector<16xi32>
                %add3A_495 = arith.addi %add3A_487, %convert_element_type3A_494 : vector<16xi32>
                scf.yield %add3A_495 : vector<16xi32>
              }
              %shift_right_arithmetic3A_443 = arith.constant 2 : i32
              %shift_right_arithmetic3A_444 = arith.shrsi %min3A_305, %shift_right_arithmetic3A_443 : i32
              %shift_left3A_445 = arith.constant 2 : i32
              %shift_left3A_446 = arith.shli %shift_right_arithmetic3A_444, %shift_left3A_445 : i32
              %and3A = arith.constant 3 : i32
              %and3A_447 = arith.andi %min3A_305, %and3A : i32
              %while3A_448 = arith.constant 0 : i32
              %while3A_449 = arith.subi %and3A_447, %while3A_448 : i32
              %while3A_450 = arith.addi %while3A_448, %while3A_449 : i32
              %while3A_451 = arith.constant 1 : i32
              %while3A_452 = arith.divsi %while3A_449, %while3A_451 : i32
              %while3A_453 = arith.muli %while3A_452, %while3A_451 : i32
              %while3A_454 = arith.addi %while3A_448, %while3A_453 : i32
              %while3A_455 = arith.constant 1 : i32
              %while3A_456 = scf.for %while3A_463 = %while3A_448 to %while3A_454 step %while3A_455 iter_args(%while3A_464 = %while3A_442) -> (vector<16xi32>)  : i32 {
                %add3A_465 = arith.addi %shift_left3A_446, %while3A_463 : i32
                %broadcast_in_dim3A_466 = vector.broadcast %add3A_465 : i32 to vector<16xi32>
                %iota3A_467 = tpu.iota {dimensions = array<i32: 0>} : vector<16xi32>
                %gather3A_468 = tpu.vector_load_idx %arg23[%broadcast_in_dim3A_466, %iota3A_467] : memref<128x16xf32, #tpu.memory_space<vmem>>[vector<16xi32>, vector<16xi32>], vector<16xf32>,
                %lt3A = arith.cmpf olt, %gather3A_468, %gather3A_427 : vector<16xf32>
                %convert_element_type3A_469 = arith.extui %lt3A : vector<16xi1> to vector<16xi32>
                %add3A_470 = arith.addi %while3A_464, %convert_element_type3A_469 : vector<16xi32>
                scf.yield %add3A_470 : vector<16xi32>
              }
              %while3A_457 = arith.constant 1 : i32
              %while3A_458 = scf.for %while3A_463 = %while3A_454 to %while3A_450 step %while3A_457 iter_args(%while3A_464 = %while3A_456) -> (vector<16xi32>)  : i32 {
                %add3A_465 = arith.addi %shift_left3A_446, %while3A_463 : i32
                %broadcast_in_dim3A_466 = vector.broadcast %add3A_465 : i32 to vector<16xi32>
                %iota3A_467 = tpu.iota {dimensions = array<i32: 0>} : vector<16xi32>
                %gather3A_468 = tpu.vector_load_idx %arg23[%broadcast_in_dim3A_466, %iota3A_467] : memref<128x16xf32, #tpu.memory_space<vmem>>[vector<16xi32>, vector<16xi32>], vector<16xf32>,
                %lt3A = arith.cmpf olt, %gather3A_468, %gather3A_427 : vector<16xf32>
                %convert_element_type3A_469 = arith.extui %lt3A : vector<16xi1> to vector<16xi32>
                %add3A_470 = arith.addi %while3A_464, %convert_element_type3A_469 : vector<16xi32>
                scf.yield %add3A_470 : vector<16xi32>
              }
              %broadcast_in_dim3A_459 = vector.broadcast %while3A_424 : i32 to vector<16xi32>
              %gather3A_460 = tpu.vector_load_idx %arg24[%broadcast_in_dim3A_459, %iota3A] : memref<128x16xi32, #tpu.memory_space<vmem>>[vector<16xi32>, vector<16xi32>], vector<16xi32>,
              %broadcast_in_dim3A_461 = vector.broadcast %while3A_424 : i32 to vector<16xi32>
              %add3A_462 = arith.addi %gather3A_460, %while3A_458 : vector<16xi32>
              tpu.vector_store_idx %arg24[%broadcast_in_dim3A_461, %iota3A], %add3A_462 : memref<128x16xi32, #tpu.memory_space<vmem>>[vector<16xi32>, vector<16xi32>], vector<16xi32>,
            }
            %while3A_423 = arith.constant 0 : i32
            scf.yield %while3A_423 : i32
          }
          %while3A_282 = arith.constant 1 : i32
          %while3A_283 = scf.for %while3A_299 = %while3A_279 to %while3A_275 step %while3A_282 iter_args(%while3A_300 = %while3A_281) -> (i32)  : i32 {
            %mul3A_301 = arith.constant 128 : i32
            %mul3A_302 = arith.muli %while3A_299, %mul3A_301 : i32
            %sub3A_303 = arith.subi %reduce_max3A_118, %mul3A_302 : i32
            %min3A_304 = arith.constant 128 : i32
            %min3A_305 = arith.minsi %sub3A_303, %min3A_304 : i32
            %mul3A_306 = arith.constant 128 : i32
            %mul3A_307 = arith.muli %while3A_299, %mul3A_306 : i32
            %min3A_308 = arith.constant 319 : i32
            %min3A_309 = arith.minsi %scan3A_10, %min3A_308 : i32
            %broadcast_in_dim3A_310 = vector.broadcast %min3A_309 : i32 to vector<16xi32>
            %gather3A_311 = tpu.vector_load_idx %arg7[%broadcast_in_dim3A_310] : memref<320xi32, #tpu.memory_space<vmem>>[vector<16xi32>], vector<16xi32>,
            %reduce_max3A_312 = arith.constant true
            %reduce_max3A_313 = vector.broadcast %reduce_max3A_312 : i1 to vector<16xi1>
            %reduce_max3A_314 = arith.constant -2147483648 : i32
            %reduce_max3A_315 = vector.broadcast %reduce_max3A_314 : i32 to vector<16xi32>
            %reduce_max3A_316 = arith.xori %gather3A_311, %reduce_max3A_315 : vector<16xi32>
            %reduce_max3A_317 = tpu.scan <max>, %reduce_max3A_316 masked %reduce_max3A_313 : vector<16xi32>, vector<16xi1> -> vector<16xi32>
            %reduce_max3A_318 = arith.xori %reduce_max3A_317, %reduce_max3A_315 : vector<16xi32>
            %reduce_max3A_319 = vector.extract %reduce_max3A_318[15] : i32 from vector<16xi32>
            %add3A_320 = arith.addi %reduce_max3A_319, %mul3A_307 : i32
            %shift_right_arithmetic3A_321 = arith.constant 3 : i32
            %shift_right_arithmetic3A_322 = arith.shrsi %add3A_320, %shift_right_arithmetic3A_321 : i32
            %shift_left3A_323 = arith.constant 3 : i32
            %shift_left3A_324 = arith.shli %shift_right_arithmetic3A_322, %shift_left3A_323 : i32
            %multiple_of3A_325 = tpu.assume_multiple %shift_left3A_324, 8 : i32
            %dma_start3A_326 = tpu.memref_slice %arg3[%multiple_of3A_325] : memref<330256xi32, #tpu.memory_space<hbm>> -> memref<136xi32, #tpu.memory_space<hbm>>
            %dma_start3A_327 = tpu.memref_slice %arg3[%multiple_of3A_325] : memref<330256xi32, #tpu.memory_space<hbm>> -> memref<136xi32, #tpu.memory_space<hbm>>
            tpu.enqueue_dma source(%dma_start3A_327 : memref<136xi32, #tpu.memory_space<hbm>>) target(%arg21 : memref<136xi32, #tpu.memory_space<vmem>>) target_semaphore(%arg34 : memref<!tpu.dma_semaphore, #tpu.memory_space<semaphore_mem>>)
            %dma_wait3A_328 = arith.constant 0 : i32
            %dma_wait3A_329 = tpu.memref_slice %arg3[%dma_wait3A_328] : memref<330256xi32, #tpu.memory_space<hbm>> -> memref<136xi32, #tpu.memory_space<hbm>>
            %dma_wait3A_330 = arith.constant 0 : i32
            %dma_wait3A_331 = tpu.memref_slice %arg3[%dma_wait3A_330] : memref<330256xi32, #tpu.memory_space<hbm>> -> memref<136xi32, #tpu.memory_space<hbm>>
            tpu.wait_dma2 semaphore(%arg34 : memref<!tpu.dma_semaphore, #tpu.memory_space<semaphore_mem>>) src(%dma_wait3A_331 : memref<136xi32, #tpu.memory_space<hbm>>) dst(%arg21 : memref<136xi32, #tpu.memory_space<vmem>>)
            %min3A_332 = arith.constant 319 : i32
            %min3A_333 = arith.minsi %scan3A_10, %min3A_332 : i32
            %broadcast_in_dim3A_334 = vector.broadcast %min3A_333 : i32 to vector<16xi32>
            %gather3A_335 = tpu.vector_load_idx %arg7[%broadcast_in_dim3A_334] : memref<320xi32, #tpu.memory_space<vmem>>[vector<16xi32>], vector<16xi32>,
            %reduce_max3A_336 = arith.constant true
            %reduce_max3A_337 = vector.broadcast %reduce_max3A_336 : i1 to vector<16xi1>
            %reduce_max3A_338 = arith.constant -2147483648 : i32
            %reduce_max3A_339 = vector.broadcast %reduce_max3A_338 : i32 to vector<16xi32>
            %reduce_max3A_340 = arith.xori %gather3A_335, %reduce_max3A_339 : vector<16xi32>
            %reduce_max3A_341 = tpu.scan <max>, %reduce_max3A_340 masked %reduce_max3A_337 : vector<16xi32>, vector<16xi1> -> vector<16xi32>
            %reduce_max3A_342 = arith.xori %reduce_max3A_341, %reduce_max3A_339 : vector<16xi32>
            %reduce_max3A_343 = vector.extract %reduce_max3A_342[15] : i32 from vector<16xi32>
            %add3A_344 = arith.addi %reduce_max3A_343, %mul3A_307 : i32
            %shift_right_arithmetic3A_345 = arith.constant 3 : i32
            %shift_right_arithmetic3A_346 = arith.shrsi %add3A_344, %shift_right_arithmetic3A_345 : i32
            %shift_left3A_347 = arith.constant 3 : i32
            %shift_left3A_348 = arith.shli %shift_right_arithmetic3A_346, %shift_left3A_347 : i32
            %sub3A_349 = arith.subi %add3A_344, %shift_left3A_348 : i32
            %iota3A_350 = tpu.iota {dimensions = array<i32: 0>} : vector<16xi32>
            %add3A_351 = arith.constant 0 : i32
            %add3A_352 = arith.addi %sub3A_349, %add3A_351 : i32
            %broadcast_in_dim3A_353 = vector.broadcast %add3A_352 : i32 to vector<16xi32>
            %add3A_354 = arith.addi %broadcast_in_dim3A_353, %iota3A_350 : vector<16xi32>
            %gather3A_355 = tpu.vector_load_idx %arg21[%add3A_354] : memref<136xi32, #tpu.memory_space<vmem>>[vector<16xi32>], vector<16xi32>,
            %swap3A_356 = arith.constant 0 : index
            %swap3A_357 = tpu.vector_load %arg22[%swap3A_356] {strides = array<i32>} : memref<128xi32, #tpu.memory_space<vmem>>, vector<16xi32>,
            tpu.vector_store %arg22[%swap3A_356], %gather3A_355 {strides = array<i32>} : memref<128xi32, #tpu.memory_space<vmem>>, vector<16xi32>,
            %add3A_358 = arith.constant 16 : i32
            %add3A_359 = arith.addi %sub3A_349, %add3A_358 : i32
            %broadcast_in_dim3A_360 = vector.broadcast %add3A_359 : i32 to vector<16xi32>
            %add3A_361 = arith.addi %broadcast_in_dim3A_360, %iota3A_350 : vector<16xi32>
            %gather3A_362 = tpu.vector_load_idx %arg21[%add3A_361] : memref<136xi32, #tpu.memory_space<vmem>>[vector<16xi32>], vector<16xi32>,
            %swap3A_363 = arith.constant 16 : index
            %swap3A_364 = tpu.vector_load %arg22[%swap3A_363] {strides = array<i32>} : memref<128xi32, #tpu.memory_space<vmem>>, vector<16xi32>,
            tpu.vector_store %arg22[%swap3A_363], %gather3A_362 {strides = array<i32>} : memref<128xi32, #tpu.memory_space<vmem>>, vector<16xi32>,
            %add3A_365 = arith.constant 32 : i32
            %add3A_366 = arith.addi %sub3A_349, %add3A_365 : i32
            %broadcast_in_dim3A_367 = vector.broadcast %add3A_366 : i32 to vector<16xi32>
            %add3A_368 = arith.addi %broadcast_in_dim3A_367, %iota3A_350 : vector<16xi32>
            %gather3A_369 = tpu.vector_load_idx %arg21[%add3A_368] : memref<136xi32, #tpu.memory_space<vmem>>[vector<16xi32>], vector<16xi32>,
            %swap3A_370 = arith.constant 32 : index
            %swap3A_371 = tpu.vector_load %arg22[%swap3A_370] {strides = array<i32>} : memref<128xi32, #tpu.memory_space<vmem>>, vector<16xi32>,
            tpu.vector_store %arg22[%swap3A_370], %gather3A_369 {strides = array<i32>} : memref<128xi32, #tpu.memory_space<vmem>>, vector<16xi32>,
            %add3A_372 = arith.constant 48 : i32
            %add3A_373 = arith.addi %sub3A_349, %add3A_372 : i32
            %broadcast_in_dim3A_374 = vector.broadcast %add3A_373 : i32 to vector<16xi32>
            %add3A_375 = arith.addi %broadcast_in_dim3A_374, %iota3A_350 : vector<16xi32>
            %gather3A_376 = tpu.vector_load_idx %arg21[%add3A_375] : memref<136xi32, #tpu.memory_space<vmem>>[vector<16xi32>], vector<16xi32>,
            %swap3A_377 = arith.constant 48 : index
            %swap3A_378 = tpu.vector_load %arg22[%swap3A_377] {strides = array<i32>} : memref<128xi32, #tpu.memory_space<vmem>>, vector<16xi32>,
            tpu.vector_store %arg22[%swap3A_377], %gather3A_376 {strides = array<i32>} : memref<128xi32, #tpu.memory_space<vmem>>, vector<16xi32>,
            %add3A_379 = arith.constant 64 : i32
            %add3A_380 = arith.addi %sub3A_349, %add3A_379 : i32
            %broadcast_in_dim3A_381 = vector.broadcast %add3A_380 : i32 to vector<16xi32>
            %add3A_382 = arith.addi %broadcast_in_dim3A_381, %iota3A_350 : vector<16xi32>
            %gather3A_383 = tpu.vector_load_idx %arg21[%add3A_382] : memref<136xi32, #tpu.memory_space<vmem>>[vector<16xi32>], vector<16xi32>,
            %swap3A_384 = arith.constant 64 : index
            %swap3A_385 = tpu.vector_load %arg22[%swap3A_384] {strides = array<i32>} : memref<128xi32, #tpu.memory_space<vmem>>, vector<16xi32>,
            tpu.vector_store %arg22[%swap3A_384], %gather3A_383 {strides = array<i32>} : memref<128xi32, #tpu.memory_space<vmem>>, vector<16xi32>,
            %add3A_386 = arith.constant 80 : i32
            %add3A_387 = arith.addi %sub3A_349, %add3A_386 : i32
            %broadcast_in_dim3A_388 = vector.broadcast %add3A_387 : i32 to vector<16xi32>
            %add3A_389 = arith.addi %broadcast_in_dim3A_388, %iota3A_350 : vector<16xi32>
            %gather3A_390 = tpu.vector_load_idx %arg21[%add3A_389] : memref<136xi32, #tpu.memory_space<vmem>>[vector<16xi32>], vector<16xi32>,
            %swap3A_391 = arith.constant 80 : index
            %swap3A_392 = tpu.vector_load %arg22[%swap3A_391] {strides = array<i32>} : memref<128xi32, #tpu.memory_space<vmem>>, vector<16xi32>,
            tpu.vector_store %arg22[%swap3A_391], %gather3A_390 {strides = array<i32>} : memref<128xi32, #tpu.memory_space<vmem>>, vector<16xi32>,
            %add3A_393 = arith.constant 96 : i32
            %add3A_394 = arith.addi %sub3A_349, %add3A_393 : i32
            %broadcast_in_dim3A_395 = vector.broadcast %add3A_394 : i32 to vector<16xi32>
            %add3A_396 = arith.addi %broadcast_in_dim3A_395, %iota3A_350 : vector<16xi32>
            %gather3A_397 = tpu.vector_load_idx %arg21[%add3A_396] : memref<136xi32, #tpu.memory_space<vmem>>[vector<16xi32>], vector<16xi32>,
            %swap3A_398 = arith.constant 96 : index
            %swap3A_399 = tpu.vector_load %arg22[%swap3A_398] {strides = array<i32>} : memref<128xi32, #tpu.memory_space<vmem>>, vector<16xi32>,
            tpu.vector_store %arg22[%swap3A_398], %gather3A_397 {strides = array<i32>} : memref<128xi32, #tpu.memory_space<vmem>>, vector<16xi32>,
            %add3A_400 = arith.constant 112 : i32
            %add3A_401 = arith.addi %sub3A_349, %add3A_400 : i32
            %broadcast_in_dim3A_402 = vector.broadcast %add3A_401 : i32 to vector<16xi32>
            %add3A_403 = arith.addi %broadcast_in_dim3A_402, %iota3A_350 : vector<16xi32>
            %gather3A_404 = tpu.vector_load_idx %arg21[%add3A_403] : memref<136xi32, #tpu.memory_space<vmem>>[vector<16xi32>], vector<16xi32>,
            %swap3A_405 = arith.constant 112 : index
            %swap3A_406 = tpu.vector_load %arg22[%swap3A_405] {strides = array<i32>} : memref<128xi32, #tpu.memory_space<vmem>>, vector<16xi32>,
            tpu.vector_store %arg22[%swap3A_405], %gather3A_404 {strides = array<i32>} : memref<128xi32, #tpu.memory_space<vmem>>, vector<16xi32>,
            %dma_start3A_407 = arith.constant 0 : i32
            %dma_start3A_408 = arith.constant 0 : i32
            %dma_start3A_409 = tpu.memref_slice %arg2[%dma_start3A_407, %dma_start3A_408] : memref<10000x16xf32, #tpu.memory_space<hbm>> -> memref<10000x16xf32, #tpu.memory_space<hbm>>
            tpu.enqueue_indirect_dma source(%dma_start3A_409 : memref<10000x16xf32, #tpu.memory_space<hbm>>) target(%arg23 : memref<128x16xf32, #tpu.memory_space<vmem>>) offsets(%arg22 : memref<128xi32, #tpu.memory_space<vmem>>) semaphore(%arg34 : memref<!tpu.dma_semaphore, #tpu.memory_space<semaphore_mem>>)
            %dma_wait3A_410 = arith.constant 0 : i32
            %dma_wait3A_411 = arith.constant 0 : i32
            %dma_wait3A_412 = tpu.memref_slice %arg2[%dma_wait3A_410, %dma_wait3A_411] : memref<10000x16xf32, #tpu.memory_space<hbm>> -> memref<10000x16xf32, #tpu.memory_space<hbm>>
            tpu.wait_indirect_dma semaphore(%arg34 : memref<!tpu.dma_semaphore, #tpu.memory_space<semaphore_mem>>) src(%dma_wait3A_412 : memref<10000x16xf32, #tpu.memory_space<hbm>>) dst(%arg23 : memref<128x16xf32, #tpu.memory_space<vmem>>)
            %while3A_413 = arith.constant 0 : i32
            %while3A_414 = arith.constant 0 : i32
            %while3A_415 = arith.subi %min3A_154, %while3A_414 : i32
            %while3A_416 = arith.addi %while3A_414, %while3A_415 : i32
            %while3A_417 = arith.constant 1 : i32
            %while3A_418 = arith.divsi %while3A_415, %while3A_417 : i32
            %while3A_419 = arith.muli %while3A_418, %while3A_417 : i32
            %while3A_420 = arith.addi %while3A_414, %while3A_419 : i32
            %while3A_421 = arith.constant 1 : i32
            scf.for %while3A_424 = %while3A_414 to %while3A_420 step %while3A_421  : i32 {
              %broadcast_in_dim3A_425 = vector.broadcast %while3A_424 : i32 to vector<16xi32>
              %iota3A_426 = tpu.iota {dimensions = array<i32: 0>} : vector<16xi32>
              %gather3A_427 = tpu.vector_load_idx %arg17[%broadcast_in_dim3A_425, %iota3A_426] : memref<128x16xf32, #tpu.memory_space<vmem>>[vector<16xi32>, vector<16xi32>], vector<16xf32>,
              %broadcast_in_dim3A_428 = arith.constant 0 : i32
              %broadcast_in_dim3A_429 = vector.broadcast %broadcast_in_dim3A_428 : i32 to vector<16xi32>
              %shift_right_arithmetic3A_430 = arith.constant 2 : i32
              %shift_right_arithmetic3A_431 = arith.shrsi %min3A_305, %shift_right_arithmetic3A_430 : i32
              %while3A_432 = arith.constant 0 : i32
              %while3A_433 = arith.subi %shift_right_arithmetic3A_431, %while3A_432 : i32
              %while3A_434 = arith.addi %while3A_432, %while3A_433 : i32
              %while3A_435 = arith.constant 1 : i32
              %while3A_436 = arith.divsi %while3A_433, %while3A_435 : i32
              %while3A_437 = arith.muli %while3A_436, %while3A_435 : i32
              %while3A_438 = arith.addi %while3A_432, %while3A_437 : i32
              %while3A_439 = arith.constant 1 : i32
              %while3A_440 = scf.for %while3A_463 = %while3A_432 to %while3A_438 step %while3A_439 iter_args(%while3A_464 = %broadcast_in_dim3A_429) -> (vector<16xi32>)  : i32 {
                %shift_left3A_465 = arith.constant 2 : i32
                %shift_left3A_466 = arith.shli %while3A_463, %shift_left3A_465 : i32
                %broadcast_in_dim3A_467 = vector.broadcast %shift_left3A_466 : i32 to vector<16xi32>
                %iota3A_468 = tpu.iota {dimensions = array<i32: 0>} : vector<16xi32>
                %gather3A_469 = tpu.vector_load_idx %arg23[%broadcast_in_dim3A_467, %iota3A_468] : memref<128x16xf32, #tpu.memory_space<vmem>>[vector<16xi32>, vector<16xi32>], vector<16xf32>,
                %lt3A = arith.cmpf olt, %gather3A_469, %gather3A_427 : vector<16xf32>
                %convert_element_type3A_470 = arith.extui %lt3A : vector<16xi1> to vector<16xi32>
                %add3A_471 = arith.addi %while3A_464, %convert_element_type3A_470 : vector<16xi32>
                %add3A_472 = arith.constant 1 : i32
                %add3A_473 = arith.addi %shift_left3A_466, %add3A_472 : i32
                %broadcast_in_dim3A_474 = vector.broadcast %add3A_473 : i32 to vector<16xi32>
                %iota3A_475 = tpu.iota {dimensions = array<i32: 0>} : vector<16xi32>
                %gather3A_476 = tpu.vector_load_idx %arg23[%broadcast_in_dim3A_474, %iota3A_475] : memref<128x16xf32, #tpu.memory_space<vmem>>[vector<16xi32>, vector<16xi32>], vector<16xf32>,
                %lt3A_477 = arith.cmpf olt, %gather3A_476, %gather3A_427 : vector<16xf32>
                %convert_element_type3A_478 = arith.extui %lt3A_477 : vector<16xi1> to vector<16xi32>
                %add3A_479 = arith.addi %add3A_471, %convert_element_type3A_478 : vector<16xi32>
                %add3A_480 = arith.constant 2 : i32
                %add3A_481 = arith.addi %shift_left3A_466, %add3A_480 : i32
                %broadcast_in_dim3A_482 = vector.broadcast %add3A_481 : i32 to vector<16xi32>
                %iota3A_483 = tpu.iota {dimensions = array<i32: 0>} : vector<16xi32>
                %gather3A_484 = tpu.vector_load_idx %arg23[%broadcast_in_dim3A_482, %iota3A_483] : memref<128x16xf32, #tpu.memory_space<vmem>>[vector<16xi32>, vector<16xi32>], vector<16xf32>,
                %lt3A_485 = arith.cmpf olt, %gather3A_484, %gather3A_427 : vector<16xf32>
                %convert_element_type3A_486 = arith.extui %lt3A_485 : vector<16xi1> to vector<16xi32>
                %add3A_487 = arith.addi %add3A_479, %convert_element_type3A_486 : vector<16xi32>
                %add3A_488 = arith.constant 3 : i32
                %add3A_489 = arith.addi %shift_left3A_466, %add3A_488 : i32
                %broadcast_in_dim3A_490 = vector.broadcast %add3A_489 : i32 to vector<16xi32>
                %iota3A_491 = tpu.iota {dimensions = array<i32: 0>} : vector<16xi32>
                %gather3A_492 = tpu.vector_load_idx %arg23[%broadcast_in_dim3A_490, %iota3A_491] : memref<128x16xf32, #tpu.memory_space<vmem>>[vector<16xi32>, vector<16xi32>], vector<16xf32>,
                %lt3A_493 = arith.cmpf olt, %gather3A_492, %gather3A_427 : vector<16xf32>
                %convert_element_type3A_494 = arith.extui %lt3A_493 : vector<16xi1> to vector<16xi32>
                %add3A_495 = arith.addi %add3A_487, %convert_element_type3A_494 : vector<16xi32>
                scf.yield %add3A_495 : vector<16xi32>
              }
              %while3A_441 = arith.constant 1 : i32
              %while3A_442 = scf.for %while3A_463 = %while3A_438 to %while3A_434 step %while3A_441 iter_args(%while3A_464 = %while3A_440) -> (vector<16xi32>)  : i32 {
                %shift_left3A_465 = arith.constant 2 : i32
                %shift_left3A_466 = arith.shli %while3A_463, %shift_left3A_465 : i32
                %broadcast_in_dim3A_467 = vector.broadcast %shift_left3A_466 : i32 to vector<16xi32>
                %iota3A_468 = tpu.iota {dimensions = array<i32: 0>} : vector<16xi32>
                %gather3A_469 = tpu.vector_load_idx %arg23[%broadcast_in_dim3A_467, %iota3A_468] : memref<128x16xf32, #tpu.memory_space<vmem>>[vector<16xi32>, vector<16xi32>], vector<16xf32>,
                %lt3A = arith.cmpf olt, %gather3A_469, %gather3A_427 : vector<16xf32>
                %convert_element_type3A_470 = arith.extui %lt3A : vector<16xi1> to vector<16xi32>
                %add3A_471 = arith.addi %while3A_464, %convert_element_type3A_470 : vector<16xi32>
                %add3A_472 = arith.constant 1 : i32
                %add3A_473 = arith.addi %shift_left3A_466, %add3A_472 : i32
                %broadcast_in_dim3A_474 = vector.broadcast %add3A_473 : i32 to vector<16xi32>
                %iota3A_475 = tpu.iota {dimensions = array<i32: 0>} : vector<16xi32>
                %gather3A_476 = tpu.vector_load_idx %arg23[%broadcast_in_dim3A_474, %iota3A_475] : memref<128x16xf32, #tpu.memory_space<vmem>>[vector<16xi32>, vector<16xi32>], vector<16xf32>,
                %lt3A_477 = arith.cmpf olt, %gather3A_476, %gather3A_427 : vector<16xf32>
                %convert_element_type3A_478 = arith.extui %lt3A_477 : vector<16xi1> to vector<16xi32>
                %add3A_479 = arith.addi %add3A_471, %convert_element_type3A_478 : vector<16xi32>
                %add3A_480 = arith.constant 2 : i32
                %add3A_481 = arith.addi %shift_left3A_466, %add3A_480 : i32
                %broadcast_in_dim3A_482 = vector.broadcast %add3A_481 : i32 to vector<16xi32>
                %iota3A_483 = tpu.iota {dimensions = array<i32: 0>} : vector<16xi32>
                %gather3A_484 = tpu.vector_load_idx %arg23[%broadcast_in_dim3A_482, %iota3A_483] : memref<128x16xf32, #tpu.memory_space<vmem>>[vector<16xi32>, vector<16xi32>], vector<16xf32>,
                %lt3A_485 = arith.cmpf olt, %gather3A_484, %gather3A_427 : vector<16xf32>
                %convert_element_type3A_486 = arith.extui %lt3A_485 : vector<16xi1> to vector<16xi32>
                %add3A_487 = arith.addi %add3A_479, %convert_element_type3A_486 : vector<16xi32>
                %add3A_488 = arith.constant 3 : i32
                %add3A_489 = arith.addi %shift_left3A_466, %add3A_488 : i32
                %broadcast_in_dim3A_490 = vector.broadcast %add3A_489 : i32 to vector<16xi32>
                %iota3A_491 = tpu.iota {dimensions = array<i32: 0>} : vector<16xi32>
                %gather3A_492 = tpu.vector_load_idx %arg23[%broadcast_in_dim3A_490, %iota3A_491] : memref<128x16xf32, #tpu.memory_space<vmem>>[vector<16xi32>, vector<16xi32>], vector<16xf32>,
                %lt3A_493 = arith.cmpf olt, %gather3A_492, %gather3A_427 : vector<16xf32>
                %convert_element_type3A_494 = arith.extui %lt3A_493 : vector<16xi1> to vector<16xi32>
                %add3A_495 = arith.addi %add3A_487, %convert_element_type3A_494 : vector<16xi32>
                scf.yield %add3A_495 : vector<16xi32>
              }
              %shift_right_arithmetic3A_443 = arith.constant 2 : i32
              %shift_right_arithmetic3A_444 = arith.shrsi %min3A_305, %shift_right_arithmetic3A_443 : i32
              %shift_left3A_445 = arith.constant 2 : i32
              %shift_left3A_446 = arith.shli %shift_right_arithmetic3A_444, %shift_left3A_445 : i32
              %and3A = arith.constant 3 : i32
              %and3A_447 = arith.andi %min3A_305, %and3A : i32
              %while3A_448 = arith.constant 0 : i32
              %while3A_449 = arith.subi %and3A_447, %while3A_448 : i32
              %while3A_450 = arith.addi %while3A_448, %while3A_449 : i32
              %while3A_451 = arith.constant 1 : i32
              %while3A_452 = arith.divsi %while3A_449, %while3A_451 : i32
              %while3A_453 = arith.muli %while3A_452, %while3A_451 : i32
              %while3A_454 = arith.addi %while3A_448, %while3A_453 : i32
              %while3A_455 = arith.constant 1 : i32
              %while3A_456 = scf.for %while3A_463 = %while3A_448 to %while3A_454 step %while3A_455 iter_args(%while3A_464 = %while3A_442) -> (vector<16xi32>)  : i32 {
                %add3A_465 = arith.addi %shift_left3A_446, %while3A_463 : i32
                %broadcast_in_dim3A_466 = vector.broadcast %add3A_465 : i32 to vector<16xi32>
                %iota3A_467 = tpu.iota {dimensions = array<i32: 0>} : vector<16xi32>
                %gather3A_468 = tpu.vector_load_idx %arg23[%broadcast_in_dim3A_466, %iota3A_467] : memref<128x16xf32, #tpu.memory_space<vmem>>[vector<16xi32>, vector<16xi32>], vector<16xf32>,
                %lt3A = arith.cmpf olt, %gather3A_468, %gather3A_427 : vector<16xf32>
                %convert_element_type3A_469 = arith.extui %lt3A : vector<16xi1> to vector<16xi32>
                %add3A_470 = arith.addi %while3A_464, %convert_element_type3A_469 : vector<16xi32>
                scf.yield %add3A_470 : vector<16xi32>
              }
              %while3A_457 = arith.constant 1 : i32
              %while3A_458 = scf.for %while3A_463 = %while3A_454 to %while3A_450 step %while3A_457 iter_args(%while3A_464 = %while3A_456) -> (vector<16xi32>)  : i32 {
                %add3A_465 = arith.addi %shift_left3A_446, %while3A_463 : i32
                %broadcast_in_dim3A_466 = vector.broadcast %add3A_465 : i32 to vector<16xi32>
                %iota3A_467 = tpu.iota {dimensions = array<i32: 0>} : vector<16xi32>
                %gather3A_468 = tpu.vector_load_idx %arg23[%broadcast_in_dim3A_466, %iota3A_467] : memref<128x16xf32, #tpu.memory_space<vmem>>[vector<16xi32>, vector<16xi32>], vector<16xf32>,
                %lt3A = arith.cmpf olt, %gather3A_468, %gather3A_427 : vector<16xf32>
                %convert_element_type3A_469 = arith.extui %lt3A : vector<16xi1> to vector<16xi32>
                %add3A_470 = arith.addi %while3A_464, %convert_element_type3A_469 : vector<16xi32>
                scf.yield %add3A_470 : vector<16xi32>
              }
              %broadcast_in_dim3A_459 = vector.broadcast %while3A_424 : i32 to vector<16xi32>
              %gather3A_460 = tpu.vector_load_idx %arg24[%broadcast_in_dim3A_459, %iota3A] : memref<128x16xi32, #tpu.memory_space<vmem>>[vector<16xi32>, vector<16xi32>], vector<16xi32>,
              %broadcast_in_dim3A_461 = vector.broadcast %while3A_424 : i32 to vector<16xi32>
              %add3A_462 = arith.addi %gather3A_460, %while3A_458 : vector<16xi32>
              tpu.vector_store_idx %arg24[%broadcast_in_dim3A_461, %iota3A], %add3A_462 : memref<128x16xi32, #tpu.memory_space<vmem>>[vector<16xi32>, vector<16xi32>], vector<16xi32>,
            }
            %while3A_422 = arith.constant 1 : i32
            scf.for %while3A_424 = %while3A_420 to %while3A_416 step %while3A_422  : i32 {
              %broadcast_in_dim3A_425 = vector.broadcast %while3A_424 : i32 to vector<16xi32>
              %iota3A_426 = tpu.iota {dimensions = array<i32: 0>} : vector<16xi32>
              %gather3A_427 = tpu.vector_load_idx %arg17[%broadcast_in_dim3A_425, %iota3A_426] : memref<128x16xf32, #tpu.memory_space<vmem>>[vector<16xi32>, vector<16xi32>], vector<16xf32>,
              %broadcast_in_dim3A_428 = arith.constant 0 : i32
              %broadcast_in_dim3A_429 = vector.broadcast %broadcast_in_dim3A_428 : i32 to vector<16xi32>
              %shift_right_arithmetic3A_430 = arith.constant 2 : i32
              %shift_right_arithmetic3A_431 = arith.shrsi %min3A_305, %shift_right_arithmetic3A_430 : i32
              %while3A_432 = arith.constant 0 : i32
              %while3A_433 = arith.subi %shift_right_arithmetic3A_431, %while3A_432 : i32
              %while3A_434 = arith.addi %while3A_432, %while3A_433 : i32
              %while3A_435 = arith.constant 1 : i32
              %while3A_436 = arith.divsi %while3A_433, %while3A_435 : i32
              %while3A_437 = arith.muli %while3A_436, %while3A_435 : i32
              %while3A_438 = arith.addi %while3A_432, %while3A_437 : i32
              %while3A_439 = arith.constant 1 : i32
              %while3A_440 = scf.for %while3A_463 = %while3A_432 to %while3A_438 step %while3A_439 iter_args(%while3A_464 = %broadcast_in_dim3A_429) -> (vector<16xi32>)  : i32 {
                %shift_left3A_465 = arith.constant 2 : i32
                %shift_left3A_466 = arith.shli %while3A_463, %shift_left3A_465 : i32
                %broadcast_in_dim3A_467 = vector.broadcast %shift_left3A_466 : i32 to vector<16xi32>
                %iota3A_468 = tpu.iota {dimensions = array<i32: 0>} : vector<16xi32>
                %gather3A_469 = tpu.vector_load_idx %arg23[%broadcast_in_dim3A_467, %iota3A_468] : memref<128x16xf32, #tpu.memory_space<vmem>>[vector<16xi32>, vector<16xi32>], vector<16xf32>,
                %lt3A = arith.cmpf olt, %gather3A_469, %gather3A_427 : vector<16xf32>
                %convert_element_type3A_470 = arith.extui %lt3A : vector<16xi1> to vector<16xi32>
                %add3A_471 = arith.addi %while3A_464, %convert_element_type3A_470 : vector<16xi32>
                %add3A_472 = arith.constant 1 : i32
                %add3A_473 = arith.addi %shift_left3A_466, %add3A_472 : i32
                %broadcast_in_dim3A_474 = vector.broadcast %add3A_473 : i32 to vector<16xi32>
                %iota3A_475 = tpu.iota {dimensions = array<i32: 0>} : vector<16xi32>
                %gather3A_476 = tpu.vector_load_idx %arg23[%broadcast_in_dim3A_474, %iota3A_475] : memref<128x16xf32, #tpu.memory_space<vmem>>[vector<16xi32>, vector<16xi32>], vector<16xf32>,
                %lt3A_477 = arith.cmpf olt, %gather3A_476, %gather3A_427 : vector<16xf32>
                %convert_element_type3A_478 = arith.extui %lt3A_477 : vector<16xi1> to vector<16xi32>
                %add3A_479 = arith.addi %add3A_471, %convert_element_type3A_478 : vector<16xi32>
                %add3A_480 = arith.constant 2 : i32
                %add3A_481 = arith.addi %shift_left3A_466, %add3A_480 : i32
                %broadcast_in_dim3A_482 = vector.broadcast %add3A_481 : i32 to vector<16xi32>
                %iota3A_483 = tpu.iota {dimensions = array<i32: 0>} : vector<16xi32>
                %gather3A_484 = tpu.vector_load_idx %arg23[%broadcast_in_dim3A_482, %iota3A_483] : memref<128x16xf32, #tpu.memory_space<vmem>>[vector<16xi32>, vector<16xi32>], vector<16xf32>,
                %lt3A_485 = arith.cmpf olt, %gather3A_484, %gather3A_427 : vector<16xf32>
                %convert_element_type3A_486 = arith.extui %lt3A_485 : vector<16xi1> to vector<16xi32>
                %add3A_487 = arith.addi %add3A_479, %convert_element_type3A_486 : vector<16xi32>
                %add3A_488 = arith.constant 3 : i32
                %add3A_489 = arith.addi %shift_left3A_466, %add3A_488 : i32
                %broadcast_in_dim3A_490 = vector.broadcast %add3A_489 : i32 to vector<16xi32>
                %iota3A_491 = tpu.iota {dimensions = array<i32: 0>} : vector<16xi32>
                %gather3A_492 = tpu.vector_load_idx %arg23[%broadcast_in_dim3A_490, %iota3A_491] : memref<128x16xf32, #tpu.memory_space<vmem>>[vector<16xi32>, vector<16xi32>], vector<16xf32>,
                %lt3A_493 = arith.cmpf olt, %gather3A_492, %gather3A_427 : vector<16xf32>
                %convert_element_type3A_494 = arith.extui %lt3A_493 : vector<16xi1> to vector<16xi32>
                %add3A_495 = arith.addi %add3A_487, %convert_element_type3A_494 : vector<16xi32>
                scf.yield %add3A_495 : vector<16xi32>
              }
              %while3A_441 = arith.constant 1 : i32
              %while3A_442 = scf.for %while3A_463 = %while3A_438 to %while3A_434 step %while3A_441 iter_args(%while3A_464 = %while3A_440) -> (vector<16xi32>)  : i32 {
                %shift_left3A_465 = arith.constant 2 : i32
                %shift_left3A_466 = arith.shli %while3A_463, %shift_left3A_465 : i32
                %broadcast_in_dim3A_467 = vector.broadcast %shift_left3A_466 : i32 to vector<16xi32>
                %iota3A_468 = tpu.iota {dimensions = array<i32: 0>} : vector<16xi32>
                %gather3A_469 = tpu.vector_load_idx %arg23[%broadcast_in_dim3A_467, %iota3A_468] : memref<128x16xf32, #tpu.memory_space<vmem>>[vector<16xi32>, vector<16xi32>], vector<16xf32>,
                %lt3A = arith.cmpf olt, %gather3A_469, %gather3A_427 : vector<16xf32>
                %convert_element_type3A_470 = arith.extui %lt3A : vector<16xi1> to vector<16xi32>
                %add3A_471 = arith.addi %while3A_464, %convert_element_type3A_470 : vector<16xi32>
                %add3A_472 = arith.constant 1 : i32
                %add3A_473 = arith.addi %shift_left3A_466, %add3A_472 : i32
                %broadcast_in_dim3A_474 = vector.broadcast %add3A_473 : i32 to vector<16xi32>
                %iota3A_475 = tpu.iota {dimensions = array<i32: 0>} : vector<16xi32>
                %gather3A_476 = tpu.vector_load_idx %arg23[%broadcast_in_dim3A_474, %iota3A_475] : memref<128x16xf32, #tpu.memory_space<vmem>>[vector<16xi32>, vector<16xi32>], vector<16xf32>,
                %lt3A_477 = arith.cmpf olt, %gather3A_476, %gather3A_427 : vector<16xf32>
                %convert_element_type3A_478 = arith.extui %lt3A_477 : vector<16xi1> to vector<16xi32>
                %add3A_479 = arith.addi %add3A_471, %convert_element_type3A_478 : vector<16xi32>
                %add3A_480 = arith.constant 2 : i32
                %add3A_481 = arith.addi %shift_left3A_466, %add3A_480 : i32
                %broadcast_in_dim3A_482 = vector.broadcast %add3A_481 : i32 to vector<16xi32>
                %iota3A_483 = tpu.iota {dimensions = array<i32: 0>} : vector<16xi32>
                %gather3A_484 = tpu.vector_load_idx %arg23[%broadcast_in_dim3A_482, %iota3A_483] : memref<128x16xf32, #tpu.memory_space<vmem>>[vector<16xi32>, vector<16xi32>], vector<16xf32>,
                %lt3A_485 = arith.cmpf olt, %gather3A_484, %gather3A_427 : vector<16xf32>
                %convert_element_type3A_486 = arith.extui %lt3A_485 : vector<16xi1> to vector<16xi32>
                %add3A_487 = arith.addi %add3A_479, %convert_element_type3A_486 : vector<16xi32>
                %add3A_488 = arith.constant 3 : i32
                %add3A_489 = arith.addi %shift_left3A_466, %add3A_488 : i32
                %broadcast_in_dim3A_490 = vector.broadcast %add3A_489 : i32 to vector<16xi32>
                %iota3A_491 = tpu.iota {dimensions = array<i32: 0>} : vector<16xi32>
                %gather3A_492 = tpu.vector_load_idx %arg23[%broadcast_in_dim3A_490, %iota3A_491] : memref<128x16xf32, #tpu.memory_space<vmem>>[vector<16xi32>, vector<16xi32>], vector<16xf32>,
                %lt3A_493 = arith.cmpf olt, %gather3A_492, %gather3A_427 : vector<16xf32>
                %convert_element_type3A_494 = arith.extui %lt3A_493 : vector<16xi1> to vector<16xi32>
                %add3A_495 = arith.addi %add3A_487, %convert_element_type3A_494 : vector<16xi32>
                scf.yield %add3A_495 : vector<16xi32>
              }
              %shift_right_arithmetic3A_443 = arith.constant 2 : i32
              %shift_right_arithmetic3A_444 = arith.shrsi %min3A_305, %shift_right_arithmetic3A_443 : i32
              %shift_left3A_445 = arith.constant 2 : i32
              %shift_left3A_446 = arith.shli %shift_right_arithmetic3A_444, %shift_left3A_445 : i32
              %and3A = arith.constant 3 : i32
              %and3A_447 = arith.andi %min3A_305, %and3A : i32
              %while3A_448 = arith.constant 0 : i32
              %while3A_449 = arith.subi %and3A_447, %while3A_448 : i32
              %while3A_450 = arith.addi %while3A_448, %while3A_449 : i32
              %while3A_451 = arith.constant 1 : i32
              %while3A_452 = arith.divsi %while3A_449, %while3A_451 : i32
              %while3A_453 = arith.muli %while3A_452, %while3A_451 : i32
              %while3A_454 = arith.addi %while3A_448, %while3A_453 : i32
              %while3A_455 = arith.constant 1 : i32
              %while3A_456 = scf.for %while3A_463 = %while3A_448 to %while3A_454 step %while3A_455 iter_args(%while3A_464 = %while3A_442) -> (vector<16xi32>)  : i32 {
                %add3A_465 = arith.addi %shift_left3A_446, %while3A_463 : i32
                %broadcast_in_dim3A_466 = vector.broadcast %add3A_465 : i32 to vector<16xi32>
                %iota3A_467 = tpu.iota {dimensions = array<i32: 0>} : vector<16xi32>
                %gather3A_468 = tpu.vector_load_idx %arg23[%broadcast_in_dim3A_466, %iota3A_467] : memref<128x16xf32, #tpu.memory_space<vmem>>[vector<16xi32>, vector<16xi32>], vector<16xf32>,
                %lt3A = arith.cmpf olt, %gather3A_468, %gather3A_427 : vector<16xf32>
                %convert_element_type3A_469 = arith.extui %lt3A : vector<16xi1> to vector<16xi32>
                %add3A_470 = arith.addi %while3A_464, %convert_element_type3A_469 : vector<16xi32>
                scf.yield %add3A_470 : vector<16xi32>
              }
              %while3A_457 = arith.constant 1 : i32
              %while3A_458 = scf.for %while3A_463 = %while3A_454 to %while3A_450 step %while3A_457 iter_args(%while3A_464 = %while3A_456) -> (vector<16xi32>)  : i32 {
                %add3A_465 = arith.addi %shift_left3A_446, %while3A_463 : i32
                %broadcast_in_dim3A_466 = vector.broadcast %add3A_465 : i32 to vector<16xi32>
                %iota3A_467 = tpu.iota {dimensions = array<i32: 0>} : vector<16xi32>
                %gather3A_468 = tpu.vector_load_idx %arg23[%broadcast_in_dim3A_466, %iota3A_467] : memref<128x16xf32, #tpu.memory_space<vmem>>[vector<16xi32>, vector<16xi32>], vector<16xf32>,
                %lt3A = arith.cmpf olt, %gather3A_468, %gather3A_427 : vector<16xf32>
                %convert_element_type3A_469 = arith.extui %lt3A : vector<16xi1> to vector<16xi32>
                %add3A_470 = arith.addi %while3A_464, %convert_element_type3A_469 : vector<16xi32>
                scf.yield %add3A_470 : vector<16xi32>
              }
              %broadcast_in_dim3A_459 = vector.broadcast %while3A_424 : i32 to vector<16xi32>
              %gather3A_460 = tpu.vector_load_idx %arg24[%broadcast_in_dim3A_459, %iota3A] : memref<128x16xi32, #tpu.memory_space<vmem>>[vector<16xi32>, vector<16xi32>], vector<16xi32>,
              %broadcast_in_dim3A_461 = vector.broadcast %while3A_424 : i32 to vector<16xi32>
              %add3A_462 = arith.addi %gather3A_460, %while3A_458 : vector<16xi32>
              tpu.vector_store_idx %arg24[%broadcast_in_dim3A_461, %iota3A], %add3A_462 : memref<128x16xi32, #tpu.memory_space<vmem>>[vector<16xi32>, vector<16xi32>], vector<16xi32>,
            }
            %while3A_423 = arith.constant 0 : i32
            scf.yield %while3A_423 : i32
          }
          %while3A_284 = arith.constant 0 : i32
          %while3A_285 = arith.subi %min3A_154, %while3A_284 : i32
          %while3A_286 = arith.addi %while3A_284, %while3A_285 : i32
          %while3A_287 = arith.constant 1 : i32
          %while3A_288 = arith.divsi %while3A_285, %while3A_287 : i32
          %while3A_289 = arith.muli %while3A_288, %while3A_287 : i32
          %while3A_290 = arith.addi %while3A_284, %while3A_289 : i32
          %while3A_291 = arith.constant 1 : i32
          %while3A_292 = scf.for %while3A_299 = %while3A_284 to %while3A_290 step %while3A_291 iter_args(%while3A_300 = %broadcast_in_dim3A_3) -> (vector<16xf32>)  : i32 {
            %broadcast_in_dim3A_301 = vector.broadcast %while3A_299 : i32 to vector<16xi32>
            %iota3A_302 = tpu.iota {dimensions = array<i32: 0>} : vector<16xi32>
            %gather3A_303 = tpu.vector_load_idx %arg17[%broadcast_in_dim3A_301, %iota3A_302] : memref<128x16xf32, #tpu.memory_space<vmem>>[vector<16xi32>, vector<16xi32>], vector<16xf32>,
            %broadcast_in_dim3A_304 = vector.broadcast %while3A_299 : i32 to vector<16xi32>
            %gather3A_305 = tpu.vector_load_idx %arg24[%broadcast_in_dim3A_304, %iota3A] : memref<128x16xi32, #tpu.memory_space<vmem>>[vector<16xi32>, vector<16xi32>], vector<16xi32>,
            %le3A_306 = arith.cmpi sle, %gather3A_305, %shift_right_arithmetic3A_124 : vector<16xi32>
            %jit3A = arith.constant 0xFF800000 : f32
            %broadcast_in_dim3A_307 = vector.broadcast %jit3A : f32 to vector<16xf32>
            %select_n3A = arith.select %le3A_306, %gather3A_303, %broadcast_in_dim3A_307 : vector<16xi1>, vector<16xf32>
            %max3A_308 = arith.maximumf %while3A_300, %select_n3A : vector<16xf32>
            scf.yield %max3A_308 : vector<16xf32>
          }
          %while3A_293 = arith.constant 1 : i32
          %while3A_294 = scf.for %while3A_299 = %while3A_290 to %while3A_286 step %while3A_293 iter_args(%while3A_300 = %while3A_292) -> (vector<16xf32>)  : i32 {
            %broadcast_in_dim3A_301 = vector.broadcast %while3A_299 : i32 to vector<16xi32>
            %iota3A_302 = tpu.iota {dimensions = array<i32: 0>} : vector<16xi32>
            %gather3A_303 = tpu.vector_load_idx %arg17[%broadcast_in_dim3A_301, %iota3A_302] : memref<128x16xf32, #tpu.memory_space<vmem>>[vector<16xi32>, vector<16xi32>], vector<16xf32>,
            %broadcast_in_dim3A_304 = vector.broadcast %while3A_299 : i32 to vector<16xi32>
            %gather3A_305 = tpu.vector_load_idx %arg24[%broadcast_in_dim3A_304, %iota3A] : memref<128x16xi32, #tpu.memory_space<vmem>>[vector<16xi32>, vector<16xi32>], vector<16xi32>,
            %le3A_306 = arith.cmpi sle, %gather3A_305, %shift_right_arithmetic3A_124 : vector<16xi32>
            %jit3A = arith.constant 0xFF800000 : f32
            %broadcast_in_dim3A_307 = vector.broadcast %jit3A : f32 to vector<16xf32>
            %select_n3A = arith.select %le3A_306, %gather3A_303, %broadcast_in_dim3A_307 : vector<16xi1>, vector<16xf32>
            %max3A_308 = arith.maximumf %while3A_300, %select_n3A : vector<16xf32>
            scf.yield %max3A_308 : vector<16xf32>
          }
          %broadcast_in_dim3A_295 = vector.broadcast %scan3A_10 : i32 to vector<16xi32>
          %gather3A_296 = tpu.vector_load_idx %arg25[%broadcast_in_dim3A_295, %iota3A] : memref<320x16xf32, #tpu.memory_space<vmem>>[vector<16xi32>, vector<16xi32>], vector<16xf32>,
          %broadcast_in_dim3A_297 = vector.broadcast %scan3A_10 : i32 to vector<16xi32>
          %max3A = arith.maximumf %gather3A_296, %while3A_294 : vector<16xf32>
          tpu.vector_store_idx %arg25[%broadcast_in_dim3A_297, %iota3A], %max3A : memref<320x16xf32, #tpu.memory_space<vmem>>[vector<16xi32>, vector<16xi32>], vector<16xf32>,
          %while3A_298 = arith.constant 0 : i32
          scf.yield %while3A_298 : i32
        }
        %while3A_146 = arith.constant 1 : i32
        %while3A_147 = scf.for %while3A_148 = %while3A_143 to %while3A_139 step %while3A_146 iter_args(%while3A_149 = %while3A_145) -> (i32)  : i32 {
          %mul3A_150 = arith.constant 128 : i32
          %mul3A_151 = arith.muli %while3A_148, %mul3A_150 : i32
          %sub3A_152 = arith.subi %reduce_max3A_118, %mul3A_151 : i32
          %min3A_153 = arith.constant 128 : i32
          %min3A_154 = arith.minsi %sub3A_152, %min3A_153 : i32
          %mul3A_155 = arith.constant 128 : i32
          %mul3A_156 = arith.muli %while3A_148, %mul3A_155 : i32
          %min3A_157 = arith.constant 319 : i32
          %min3A_158 = arith.minsi %scan3A_10, %min3A_157 : i32
          %broadcast_in_dim3A_159 = vector.broadcast %min3A_158 : i32 to vector<16xi32>
          %gather3A_160 = tpu.vector_load_idx %arg7[%broadcast_in_dim3A_159] : memref<320xi32, #tpu.memory_space<vmem>>[vector<16xi32>], vector<16xi32>,
          %reduce_max3A_161 = arith.constant true
          %reduce_max3A_162 = vector.broadcast %reduce_max3A_161 : i1 to vector<16xi1>
          %reduce_max3A_163 = arith.constant -2147483648 : i32
          %reduce_max3A_164 = vector.broadcast %reduce_max3A_163 : i32 to vector<16xi32>
          %reduce_max3A_165 = arith.xori %gather3A_160, %reduce_max3A_164 : vector<16xi32>
          %reduce_max3A_166 = tpu.scan <max>, %reduce_max3A_165 masked %reduce_max3A_162 : vector<16xi32>, vector<16xi1> -> vector<16xi32>
          %reduce_max3A_167 = arith.xori %reduce_max3A_166, %reduce_max3A_164 : vector<16xi32>
          %reduce_max3A_168 = vector.extract %reduce_max3A_167[15] : i32 from vector<16xi32>
          %add3A_169 = arith.addi %reduce_max3A_168, %mul3A_156 : i32
          %shift_right_arithmetic3A_170 = arith.constant 3 : i32
          %shift_right_arithmetic3A_171 = arith.shrsi %add3A_169, %shift_right_arithmetic3A_170 : i32
          %shift_left3A_172 = arith.constant 3 : i32
          %shift_left3A_173 = arith.shli %shift_right_arithmetic3A_171, %shift_left3A_172 : i32
          %multiple_of3A_174 = tpu.assume_multiple %shift_left3A_173, 8 : i32
          %dma_start3A_175 = tpu.memref_slice %arg3[%multiple_of3A_174] : memref<330256xi32, #tpu.memory_space<hbm>> -> memref<136xi32, #tpu.memory_space<hbm>>
          %dma_start3A_176 = tpu.memref_slice %arg3[%multiple_of3A_174] : memref<330256xi32, #tpu.memory_space<hbm>> -> memref<136xi32, #tpu.memory_space<hbm>>
          tpu.enqueue_dma source(%dma_start3A_176 : memref<136xi32, #tpu.memory_space<hbm>>) target(%arg21 : memref<136xi32, #tpu.memory_space<vmem>>) target_semaphore(%arg34 : memref<!tpu.dma_semaphore, #tpu.memory_space<semaphore_mem>>)
          %dma_wait3A_177 = arith.constant 0 : i32
          %dma_wait3A_178 = tpu.memref_slice %arg3[%dma_wait3A_177] : memref<330256xi32, #tpu.memory_space<hbm>> -> memref<136xi32, #tpu.memory_space<hbm>>
          %dma_wait3A_179 = arith.constant 0 : i32
          %dma_wait3A_180 = tpu.memref_slice %arg3[%dma_wait3A_179] : memref<330256xi32, #tpu.memory_space<hbm>> -> memref<136xi32, #tpu.memory_space<hbm>>
          tpu.wait_dma2 semaphore(%arg34 : memref<!tpu.dma_semaphore, #tpu.memory_space<semaphore_mem>>) src(%dma_wait3A_180 : memref<136xi32, #tpu.memory_space<hbm>>) dst(%arg21 : memref<136xi32, #tpu.memory_space<vmem>>)
          %min3A_181 = arith.constant 319 : i32
          %min3A_182 = arith.minsi %scan3A_10, %min3A_181 : i32
          %broadcast_in_dim3A_183 = vector.broadcast %min3A_182 : i32 to vector<16xi32>
          %gather3A_184 = tpu.vector_load_idx %arg7[%broadcast_in_dim3A_183] : memref<320xi32, #tpu.memory_space<vmem>>[vector<16xi32>], vector<16xi32>,
          %reduce_max3A_185 = arith.constant true
          %reduce_max3A_186 = vector.broadcast %reduce_max3A_185 : i1 to vector<16xi1>
          %reduce_max3A_187 = arith.constant -2147483648 : i32
          %reduce_max3A_188 = vector.broadcast %reduce_max3A_187 : i32 to vector<16xi32>
          %reduce_max3A_189 = arith.xori %gather3A_184, %reduce_max3A_188 : vector<16xi32>
          %reduce_max3A_190 = tpu.scan <max>, %reduce_max3A_189 masked %reduce_max3A_186 : vector<16xi32>, vector<16xi1> -> vector<16xi32>
          %reduce_max3A_191 = arith.xori %reduce_max3A_190, %reduce_max3A_188 : vector<16xi32>
          %reduce_max3A_192 = vector.extract %reduce_max3A_191[15] : i32 from vector<16xi32>
          %add3A_193 = arith.addi %reduce_max3A_192, %mul3A_156 : i32
          %shift_right_arithmetic3A_194 = arith.constant 3 : i32
          %shift_right_arithmetic3A_195 = arith.shrsi %add3A_193, %shift_right_arithmetic3A_194 : i32
          %shift_left3A_196 = arith.constant 3 : i32
          %shift_left3A_197 = arith.shli %shift_right_arithmetic3A_195, %shift_left3A_196 : i32
          %sub3A_198 = arith.subi %add3A_193, %shift_left3A_197 : i32
          %iota3A_199 = tpu.iota {dimensions = array<i32: 0>} : vector<16xi32>
          %add3A_200 = arith.constant 0 : i32
          %add3A_201 = arith.addi %sub3A_198, %add3A_200 : i32
          %broadcast_in_dim3A_202 = vector.broadcast %add3A_201 : i32 to vector<16xi32>
          %add3A_203 = arith.addi %broadcast_in_dim3A_202, %iota3A_199 : vector<16xi32>
          %gather3A_204 = tpu.vector_load_idx %arg21[%add3A_203] : memref<136xi32, #tpu.memory_space<vmem>>[vector<16xi32>], vector<16xi32>,
          %swap3A_205 = arith.constant 0 : index
          %swap3A_206 = tpu.vector_load %arg22[%swap3A_205] {strides = array<i32>} : memref<128xi32, #tpu.memory_space<vmem>>, vector<16xi32>,
          tpu.vector_store %arg22[%swap3A_205], %gather3A_204 {strides = array<i32>} : memref<128xi32, #tpu.memory_space<vmem>>, vector<16xi32>,
          %add3A_207 = arith.constant 16 : i32
          %add3A_208 = arith.addi %sub3A_198, %add3A_207 : i32
          %broadcast_in_dim3A_209 = vector.broadcast %add3A_208 : i32 to vector<16xi32>
          %add3A_210 = arith.addi %broadcast_in_dim3A_209, %iota3A_199 : vector<16xi32>
          %gather3A_211 = tpu.vector_load_idx %arg21[%add3A_210] : memref<136xi32, #tpu.memory_space<vmem>>[vector<16xi32>], vector<16xi32>,
          %swap3A_212 = arith.constant 16 : index
          %swap3A_213 = tpu.vector_load %arg22[%swap3A_212] {strides = array<i32>} : memref<128xi32, #tpu.memory_space<vmem>>, vector<16xi32>,
          tpu.vector_store %arg22[%swap3A_212], %gather3A_211 {strides = array<i32>} : memref<128xi32, #tpu.memory_space<vmem>>, vector<16xi32>,
          %add3A_214 = arith.constant 32 : i32
          %add3A_215 = arith.addi %sub3A_198, %add3A_214 : i32
          %broadcast_in_dim3A_216 = vector.broadcast %add3A_215 : i32 to vector<16xi32>
          %add3A_217 = arith.addi %broadcast_in_dim3A_216, %iota3A_199 : vector<16xi32>
          %gather3A_218 = tpu.vector_load_idx %arg21[%add3A_217] : memref<136xi32, #tpu.memory_space<vmem>>[vector<16xi32>], vector<16xi32>,
          %swap3A_219 = arith.constant 32 : index
          %swap3A_220 = tpu.vector_load %arg22[%swap3A_219] {strides = array<i32>} : memref<128xi32, #tpu.memory_space<vmem>>, vector<16xi32>,
          tpu.vector_store %arg22[%swap3A_219], %gather3A_218 {strides = array<i32>} : memref<128xi32, #tpu.memory_space<vmem>>, vector<16xi32>,
          %add3A_221 = arith.constant 48 : i32
          %add3A_222 = arith.addi %sub3A_198, %add3A_221 : i32
          %broadcast_in_dim3A_223 = vector.broadcast %add3A_222 : i32 to vector<16xi32>
          %add3A_224 = arith.addi %broadcast_in_dim3A_223, %iota3A_199 : vector<16xi32>
          %gather3A_225 = tpu.vector_load_idx %arg21[%add3A_224] : memref<136xi32, #tpu.memory_space<vmem>>[vector<16xi32>], vector<16xi32>,
          %swap3A_226 = arith.constant 48 : index
          %swap3A_227 = tpu.vector_load %arg22[%swap3A_226] {strides = array<i32>} : memref<128xi32, #tpu.memory_space<vmem>>, vector<16xi32>,
          tpu.vector_store %arg22[%swap3A_226], %gather3A_225 {strides = array<i32>} : memref<128xi32, #tpu.memory_space<vmem>>, vector<16xi32>,
          %add3A_228 = arith.constant 64 : i32
          %add3A_229 = arith.addi %sub3A_198, %add3A_228 : i32
          %broadcast_in_dim3A_230 = vector.broadcast %add3A_229 : i32 to vector<16xi32>
          %add3A_231 = arith.addi %broadcast_in_dim3A_230, %iota3A_199 : vector<16xi32>
          %gather3A_232 = tpu.vector_load_idx %arg21[%add3A_231] : memref<136xi32, #tpu.memory_space<vmem>>[vector<16xi32>], vector<16xi32>,
          %swap3A_233 = arith.constant 64 : index
          %swap3A_234 = tpu.vector_load %arg22[%swap3A_233] {strides = array<i32>} : memref<128xi32, #tpu.memory_space<vmem>>, vector<16xi32>,
          tpu.vector_store %arg22[%swap3A_233], %gather3A_232 {strides = array<i32>} : memref<128xi32, #tpu.memory_space<vmem>>, vector<16xi32>,
          %add3A_235 = arith.constant 80 : i32
          %add3A_236 = arith.addi %sub3A_198, %add3A_235 : i32
          %broadcast_in_dim3A_237 = vector.broadcast %add3A_236 : i32 to vector<16xi32>
          %add3A_238 = arith.addi %broadcast_in_dim3A_237, %iota3A_199 : vector<16xi32>
          %gather3A_239 = tpu.vector_load_idx %arg21[%add3A_238] : memref<136xi32, #tpu.memory_space<vmem>>[vector<16xi32>], vector<16xi32>,
          %swap3A_240 = arith.constant 80 : index
          %swap3A_241 = tpu.vector_load %arg22[%swap3A_240] {strides = array<i32>} : memref<128xi32, #tpu.memory_space<vmem>>, vector<16xi32>,
          tpu.vector_store %arg22[%swap3A_240], %gather3A_239 {strides = array<i32>} : memref<128xi32, #tpu.memory_space<vmem>>, vector<16xi32>,
          %add3A_242 = arith.constant 96 : i32
          %add3A_243 = arith.addi %sub3A_198, %add3A_242 : i32
          %broadcast_in_dim3A_244 = vector.broadcast %add3A_243 : i32 to vector<16xi32>
          %add3A_245 = arith.addi %broadcast_in_dim3A_244, %iota3A_199 : vector<16xi32>
          %gather3A_246 = tpu.vector_load_idx %arg21[%add3A_245] : memref<136xi32, #tpu.memory_space<vmem>>[vector<16xi32>], vector<16xi32>,
          %swap3A_247 = arith.constant 96 : index
          %swap3A_248 = tpu.vector_load %arg22[%swap3A_247] {strides = array<i32>} : memref<128xi32, #tpu.memory_space<vmem>>, vector<16xi32>,
          tpu.vector_store %arg22[%swap3A_247], %gather3A_246 {strides = array<i32>} : memref<128xi32, #tpu.memory_space<vmem>>, vector<16xi32>,
          %add3A_249 = arith.constant 112 : i32
          %add3A_250 = arith.addi %sub3A_198, %add3A_249 : i32
          %broadcast_in_dim3A_251 = vector.broadcast %add3A_250 : i32 to vector<16xi32>
          %add3A_252 = arith.addi %broadcast_in_dim3A_251, %iota3A_199 : vector<16xi32>
          %gather3A_253 = tpu.vector_load_idx %arg21[%add3A_252] : memref<136xi32, #tpu.memory_space<vmem>>[vector<16xi32>], vector<16xi32>,
          %swap3A_254 = arith.constant 112 : index
          %swap3A_255 = tpu.vector_load %arg22[%swap3A_254] {strides = array<i32>} : memref<128xi32, #tpu.memory_space<vmem>>, vector<16xi32>,
          tpu.vector_store %arg22[%swap3A_254], %gather3A_253 {strides = array<i32>} : memref<128xi32, #tpu.memory_space<vmem>>, vector<16xi32>,
          %dma_start3A_256 = arith.constant 0 : i32
          %dma_start3A_257 = arith.constant 0 : i32
          %dma_start3A_258 = tpu.memref_slice %arg2[%dma_start3A_256, %dma_start3A_257] : memref<10000x16xf32, #tpu.memory_space<hbm>> -> memref<10000x16xf32, #tpu.memory_space<hbm>>
          tpu.enqueue_indirect_dma source(%dma_start3A_258 : memref<10000x16xf32, #tpu.memory_space<hbm>>) target(%arg17 : memref<128x16xf32, #tpu.memory_space<vmem>>) offsets(%arg22 : memref<128xi32, #tpu.memory_space<vmem>>) semaphore(%arg34 : memref<!tpu.dma_semaphore, #tpu.memory_space<semaphore_mem>>)
          %dma_wait3A_259 = arith.constant 0 : i32
          %dma_wait3A_260 = arith.constant 0 : i32
          %dma_wait3A_261 = tpu.memref_slice %arg2[%dma_wait3A_259, %dma_wait3A_260] : memref<10000x16xf32, #tpu.memory_space<hbm>> -> memref<10000x16xf32, #tpu.memory_space<hbm>>
          tpu.wait_indirect_dma semaphore(%arg34 : memref<!tpu.dma_semaphore, #tpu.memory_space<semaphore_mem>>) src(%dma_wait3A_261 : memref<10000x16xf32, #tpu.memory_space<hbm>>) dst(%arg17 : memref<128x16xf32, #tpu.memory_space<vmem>>)
          %while3A_262 = arith.constant 0 : i32
          %while3A_263 = arith.constant 0 : i32
          %while3A_264 = arith.subi %min3A_154, %while3A_263 : i32
          %while3A_265 = arith.addi %while3A_263, %while3A_264 : i32
          %while3A_266 = arith.constant 1 : i32
          %while3A_267 = arith.divsi %while3A_264, %while3A_266 : i32
          %while3A_268 = arith.muli %while3A_267, %while3A_266 : i32
          %while3A_269 = arith.addi %while3A_263, %while3A_268 : i32
          %while3A_270 = arith.constant 1 : i32
          scf.for %while3A_299 = %while3A_263 to %while3A_269 step %while3A_270  : i32 {
            %broadcast_in_dim3A_300 = vector.broadcast %while3A_299 : i32 to vector<16xi32>
            %broadcast_in_dim3A_301 = arith.constant 0 : i32
            %broadcast_in_dim3A_302 = vector.broadcast %broadcast_in_dim3A_301 : i32 to vector<16xi32>
            tpu.vector_store_idx %arg24[%broadcast_in_dim3A_300, %iota3A], %broadcast_in_dim3A_302 : memref<128x16xi32, #tpu.memory_space<vmem>>[vector<16xi32>, vector<16xi32>], vector<16xi32>,
          }
          %while3A_271 = arith.constant 1 : i32
          scf.for %while3A_299 = %while3A_269 to %while3A_265 step %while3A_271  : i32 {
            %broadcast_in_dim3A_300 = vector.broadcast %while3A_299 : i32 to vector<16xi32>
            %broadcast_in_dim3A_301 = arith.constant 0 : i32
            %broadcast_in_dim3A_302 = vector.broadcast %broadcast_in_dim3A_301 : i32 to vector<16xi32>
            tpu.vector_store_idx %arg24[%broadcast_in_dim3A_300, %iota3A], %broadcast_in_dim3A_302 : memref<128x16xi32, #tpu.memory_space<vmem>>[vector<16xi32>, vector<16xi32>], vector<16xi32>,
          }
          %while3A_272 = arith.constant 0 : i32
          %while3A_273 = arith.constant 0 : i32
          %while3A_274 = arith.subi %shift_right_arithmetic3A_135, %while3A_272 : i32
          %while3A_275 = arith.addi %while3A_272, %while3A_274 : i32
          %while3A_276 = arith.constant 1 : i32
          %while3A_277 = arith.divsi %while3A_274, %while3A_276 : i32
          %while3A_278 = arith.muli %while3A_277, %while3A_276 : i32
          %while3A_279 = arith.addi %while3A_272, %while3A_278 : i32
          %while3A_280 = arith.constant 1 : i32
          %while3A_281 = scf.for %while3A_299 = %while3A_272 to %while3A_279 step %while3A_280 iter_args(%while3A_300 = %while3A_273) -> (i32)  : i32 {
            %mul3A_301 = arith.constant 128 : i32
            %mul3A_302 = arith.muli %while3A_299, %mul3A_301 : i32
            %sub3A_303 = arith.subi %reduce_max3A_118, %mul3A_302 : i32
            %min3A_304 = arith.constant 128 : i32
            %min3A_305 = arith.minsi %sub3A_303, %min3A_304 : i32
            %mul3A_306 = arith.constant 128 : i32
            %mul3A_307 = arith.muli %while3A_299, %mul3A_306 : i32
            %min3A_308 = arith.constant 319 : i32
            %min3A_309 = arith.minsi %scan3A_10, %min3A_308 : i32
            %broadcast_in_dim3A_310 = vector.broadcast %min3A_309 : i32 to vector<16xi32>
            %gather3A_311 = tpu.vector_load_idx %arg7[%broadcast_in_dim3A_310] : memref<320xi32, #tpu.memory_space<vmem>>[vector<16xi32>], vector<16xi32>,
            %reduce_max3A_312 = arith.constant true
            %reduce_max3A_313 = vector.broadcast %reduce_max3A_312 : i1 to vector<16xi1>
            %reduce_max3A_314 = arith.constant -2147483648 : i32
            %reduce_max3A_315 = vector.broadcast %reduce_max3A_314 : i32 to vector<16xi32>
            %reduce_max3A_316 = arith.xori %gather3A_311, %reduce_max3A_315 : vector<16xi32>
            %reduce_max3A_317 = tpu.scan <max>, %reduce_max3A_316 masked %reduce_max3A_313 : vector<16xi32>, vector<16xi1> -> vector<16xi32>
            %reduce_max3A_318 = arith.xori %reduce_max3A_317, %reduce_max3A_315 : vector<16xi32>
            %reduce_max3A_319 = vector.extract %reduce_max3A_318[15] : i32 from vector<16xi32>
            %add3A_320 = arith.addi %reduce_max3A_319, %mul3A_307 : i32
            %shift_right_arithmetic3A_321 = arith.constant 3 : i32
            %shift_right_arithmetic3A_322 = arith.shrsi %add3A_320, %shift_right_arithmetic3A_321 : i32
            %shift_left3A_323 = arith.constant 3 : i32
            %shift_left3A_324 = arith.shli %shift_right_arithmetic3A_322, %shift_left3A_323 : i32
            %multiple_of3A_325 = tpu.assume_multiple %shift_left3A_324, 8 : i32
            %dma_start3A_326 = tpu.memref_slice %arg3[%multiple_of3A_325] : memref<330256xi32, #tpu.memory_space<hbm>> -> memref<136xi32, #tpu.memory_space<hbm>>
            %dma_start3A_327 = tpu.memref_slice %arg3[%multiple_of3A_325] : memref<330256xi32, #tpu.memory_space<hbm>> -> memref<136xi32, #tpu.memory_space<hbm>>
            tpu.enqueue_dma source(%dma_start3A_327 : memref<136xi32, #tpu.memory_space<hbm>>) target(%arg21 : memref<136xi32, #tpu.memory_space<vmem>>) target_semaphore(%arg34 : memref<!tpu.dma_semaphore, #tpu.memory_space<semaphore_mem>>)
            %dma_wait3A_328 = arith.constant 0 : i32
            %dma_wait3A_329 = tpu.memref_slice %arg3[%dma_wait3A_328] : memref<330256xi32, #tpu.memory_space<hbm>> -> memref<136xi32, #tpu.memory_space<hbm>>
            %dma_wait3A_330 = arith.constant 0 : i32
            %dma_wait3A_331 = tpu.memref_slice %arg3[%dma_wait3A_330] : memref<330256xi32, #tpu.memory_space<hbm>> -> memref<136xi32, #tpu.memory_space<hbm>>
            tpu.wait_dma2 semaphore(%arg34 : memref<!tpu.dma_semaphore, #tpu.memory_space<semaphore_mem>>) src(%dma_wait3A_331 : memref<136xi32, #tpu.memory_space<hbm>>) dst(%arg21 : memref<136xi32, #tpu.memory_space<vmem>>)
            %min3A_332 = arith.constant 319 : i32
            %min3A_333 = arith.minsi %scan3A_10, %min3A_332 : i32
            %broadcast_in_dim3A_334 = vector.broadcast %min3A_333 : i32 to vector<16xi32>
            %gather3A_335 = tpu.vector_load_idx %arg7[%broadcast_in_dim3A_334] : memref<320xi32, #tpu.memory_space<vmem>>[vector<16xi32>], vector<16xi32>,
            %reduce_max3A_336 = arith.constant true
            %reduce_max3A_337 = vector.broadcast %reduce_max3A_336 : i1 to vector<16xi1>
            %reduce_max3A_338 = arith.constant -2147483648 : i32
            %reduce_max3A_339 = vector.broadcast %reduce_max3A_338 : i32 to vector<16xi32>
            %reduce_max3A_340 = arith.xori %gather3A_335, %reduce_max3A_339 : vector<16xi32>
            %reduce_max3A_341 = tpu.scan <max>, %reduce_max3A_340 masked %reduce_max3A_337 : vector<16xi32>, vector<16xi1> -> vector<16xi32>
            %reduce_max3A_342 = arith.xori %reduce_max3A_341, %reduce_max3A_339 : vector<16xi32>
            %reduce_max3A_343 = vector.extract %reduce_max3A_342[15] : i32 from vector<16xi32>
            %add3A_344 = arith.addi %reduce_max3A_343, %mul3A_307 : i32
            %shift_right_arithmetic3A_345 = arith.constant 3 : i32
            %shift_right_arithmetic3A_346 = arith.shrsi %add3A_344, %shift_right_arithmetic3A_345 : i32
            %shift_left3A_347 = arith.constant 3 : i32
            %shift_left3A_348 = arith.shli %shift_right_arithmetic3A_346, %shift_left3A_347 : i32
            %sub3A_349 = arith.subi %add3A_344, %shift_left3A_348 : i32
            %iota3A_350 = tpu.iota {dimensions = array<i32: 0>} : vector<16xi32>
            %add3A_351 = arith.constant 0 : i32
            %add3A_352 = arith.addi %sub3A_349, %add3A_351 : i32
            %broadcast_in_dim3A_353 = vector.broadcast %add3A_352 : i32 to vector<16xi32>
            %add3A_354 = arith.addi %broadcast_in_dim3A_353, %iota3A_350 : vector<16xi32>
            %gather3A_355 = tpu.vector_load_idx %arg21[%add3A_354] : memref<136xi32, #tpu.memory_space<vmem>>[vector<16xi32>], vector<16xi32>,
            %swap3A_356 = arith.constant 0 : index
            %swap3A_357 = tpu.vector_load %arg22[%swap3A_356] {strides = array<i32>} : memref<128xi32, #tpu.memory_space<vmem>>, vector<16xi32>,
            tpu.vector_store %arg22[%swap3A_356], %gather3A_355 {strides = array<i32>} : memref<128xi32, #tpu.memory_space<vmem>>, vector<16xi32>,
            %add3A_358 = arith.constant 16 : i32
            %add3A_359 = arith.addi %sub3A_349, %add3A_358 : i32
            %broadcast_in_dim3A_360 = vector.broadcast %add3A_359 : i32 to vector<16xi32>
            %add3A_361 = arith.addi %broadcast_in_dim3A_360, %iota3A_350 : vector<16xi32>
            %gather3A_362 = tpu.vector_load_idx %arg21[%add3A_361] : memref<136xi32, #tpu.memory_space<vmem>>[vector<16xi32>], vector<16xi32>,
            %swap3A_363 = arith.constant 16 : index
            %swap3A_364 = tpu.vector_load %arg22[%swap3A_363] {strides = array<i32>} : memref<128xi32, #tpu.memory_space<vmem>>, vector<16xi32>,
            tpu.vector_store %arg22[%swap3A_363], %gather3A_362 {strides = array<i32>} : memref<128xi32, #tpu.memory_space<vmem>>, vector<16xi32>,
            %add3A_365 = arith.constant 32 : i32
            %add3A_366 = arith.addi %sub3A_349, %add3A_365 : i32
            %broadcast_in_dim3A_367 = vector.broadcast %add3A_366 : i32 to vector<16xi32>
            %add3A_368 = arith.addi %broadcast_in_dim3A_367, %iota3A_350 : vector<16xi32>
            %gather3A_369 = tpu.vector_load_idx %arg21[%add3A_368] : memref<136xi32, #tpu.memory_space<vmem>>[vector<16xi32>], vector<16xi32>,
            %swap3A_370 = arith.constant 32 : index
            %swap3A_371 = tpu.vector_load %arg22[%swap3A_370] {strides = array<i32>} : memref<128xi32, #tpu.memory_space<vmem>>, vector<16xi32>,
            tpu.vector_store %arg22[%swap3A_370], %gather3A_369 {strides = array<i32>} : memref<128xi32, #tpu.memory_space<vmem>>, vector<16xi32>,
            %add3A_372 = arith.constant 48 : i32
            %add3A_373 = arith.addi %sub3A_349, %add3A_372 : i32
            %broadcast_in_dim3A_374 = vector.broadcast %add3A_373 : i32 to vector<16xi32>
            %add3A_375 = arith.addi %broadcast_in_dim3A_374, %iota3A_350 : vector<16xi32>
            %gather3A_376 = tpu.vector_load_idx %arg21[%add3A_375] : memref<136xi32, #tpu.memory_space<vmem>>[vector<16xi32>], vector<16xi32>,
            %swap3A_377 = arith.constant 48 : index
            %swap3A_378 = tpu.vector_load %arg22[%swap3A_377] {strides = array<i32>} : memref<128xi32, #tpu.memory_space<vmem>>, vector<16xi32>,
            tpu.vector_store %arg22[%swap3A_377], %gather3A_376 {strides = array<i32>} : memref<128xi32, #tpu.memory_space<vmem>>, vector<16xi32>,
            %add3A_379 = arith.constant 64 : i32
            %add3A_380 = arith.addi %sub3A_349, %add3A_379 : i32
            %broadcast_in_dim3A_381 = vector.broadcast %add3A_380 : i32 to vector<16xi32>
            %add3A_382 = arith.addi %broadcast_in_dim3A_381, %iota3A_350 : vector<16xi32>
            %gather3A_383 = tpu.vector_load_idx %arg21[%add3A_382] : memref<136xi32, #tpu.memory_space<vmem>>[vector<16xi32>], vector<16xi32>,
            %swap3A_384 = arith.constant 64 : index
            %swap3A_385 = tpu.vector_load %arg22[%swap3A_384] {strides = array<i32>} : memref<128xi32, #tpu.memory_space<vmem>>, vector<16xi32>,
            tpu.vector_store %arg22[%swap3A_384], %gather3A_383 {strides = array<i32>} : memref<128xi32, #tpu.memory_space<vmem>>, vector<16xi32>,
            %add3A_386 = arith.constant 80 : i32
            %add3A_387 = arith.addi %sub3A_349, %add3A_386 : i32
            %broadcast_in_dim3A_388 = vector.broadcast %add3A_387 : i32 to vector<16xi32>
            %add3A_389 = arith.addi %broadcast_in_dim3A_388, %iota3A_350 : vector<16xi32>
            %gather3A_390 = tpu.vector_load_idx %arg21[%add3A_389] : memref<136xi32, #tpu.memory_space<vmem>>[vector<16xi32>], vector<16xi32>,
            %swap3A_391 = arith.constant 80 : index
            %swap3A_392 = tpu.vector_load %arg22[%swap3A_391] {strides = array<i32>} : memref<128xi32, #tpu.memory_space<vmem>>, vector<16xi32>,
            tpu.vector_store %arg22[%swap3A_391], %gather3A_390 {strides = array<i32>} : memref<128xi32, #tpu.memory_space<vmem>>, vector<16xi32>,
            %add3A_393 = arith.constant 96 : i32
            %add3A_394 = arith.addi %sub3A_349, %add3A_393 : i32
            %broadcast_in_dim3A_395 = vector.broadcast %add3A_394 : i32 to vector<16xi32>
            %add3A_396 = arith.addi %broadcast_in_dim3A_395, %iota3A_350 : vector<16xi32>
            %gather3A_397 = tpu.vector_load_idx %arg21[%add3A_396] : memref<136xi32, #tpu.memory_space<vmem>>[vector<16xi32>], vector<16xi32>,
            %swap3A_398 = arith.constant 96 : index
            %swap3A_399 = tpu.vector_load %arg22[%swap3A_398] {strides = array<i32>} : memref<128xi32, #tpu.memory_space<vmem>>, vector<16xi32>,
            tpu.vector_store %arg22[%swap3A_398], %gather3A_397 {strides = array<i32>} : memref<128xi32, #tpu.memory_space<vmem>>, vector<16xi32>,
            %add3A_400 = arith.constant 112 : i32
            %add3A_401 = arith.addi %sub3A_349, %add3A_400 : i32
            %broadcast_in_dim3A_402 = vector.broadcast %add3A_401 : i32 to vector<16xi32>
            %add3A_403 = arith.addi %broadcast_in_dim3A_402, %iota3A_350 : vector<16xi32>
            %gather3A_404 = tpu.vector_load_idx %arg21[%add3A_403] : memref<136xi32, #tpu.memory_space<vmem>>[vector<16xi32>], vector<16xi32>,
            %swap3A_405 = arith.constant 112 : index
            %swap3A_406 = tpu.vector_load %arg22[%swap3A_405] {strides = array<i32>} : memref<128xi32, #tpu.memory_space<vmem>>, vector<16xi32>,
            tpu.vector_store %arg22[%swap3A_405], %gather3A_404 {strides = array<i32>} : memref<128xi32, #tpu.memory_space<vmem>>, vector<16xi32>,
            %dma_start3A_407 = arith.constant 0 : i32
            %dma_start3A_408 = arith.constant 0 : i32
            %dma_start3A_409 = tpu.memref_slice %arg2[%dma_start3A_407, %dma_start3A_408] : memref<10000x16xf32, #tpu.memory_space<hbm>> -> memref<10000x16xf32, #tpu.memory_space<hbm>>
            tpu.enqueue_indirect_dma source(%dma_start3A_409 : memref<10000x16xf32, #tpu.memory_space<hbm>>) target(%arg23 : memref<128x16xf32, #tpu.memory_space<vmem>>) offsets(%arg22 : memref<128xi32, #tpu.memory_space<vmem>>) semaphore(%arg34 : memref<!tpu.dma_semaphore, #tpu.memory_space<semaphore_mem>>)
            %dma_wait3A_410 = arith.constant 0 : i32
            %dma_wait3A_411 = arith.constant 0 : i32
            %dma_wait3A_412 = tpu.memref_slice %arg2[%dma_wait3A_410, %dma_wait3A_411] : memref<10000x16xf32, #tpu.memory_space<hbm>> -> memref<10000x16xf32, #tpu.memory_space<hbm>>
            tpu.wait_indirect_dma semaphore(%arg34 : memref<!tpu.dma_semaphore, #tpu.memory_space<semaphore_mem>>) src(%dma_wait3A_412 : memref<10000x16xf32, #tpu.memory_space<hbm>>) dst(%arg23 : memref<128x16xf32, #tpu.memory_space<vmem>>)
            %while3A_413 = arith.constant 0 : i32
            %while3A_414 = arith.constant 0 : i32
            %while3A_415 = arith.subi %min3A_154, %while3A_414 : i32
            %while3A_416 = arith.addi %while3A_414, %while3A_415 : i32
            %while3A_417 = arith.constant 1 : i32
            %while3A_418 = arith.divsi %while3A_415, %while3A_417 : i32
            %while3A_419 = arith.muli %while3A_418, %while3A_417 : i32
            %while3A_420 = arith.addi %while3A_414, %while3A_419 : i32
            %while3A_421 = arith.constant 1 : i32
            scf.for %while3A_424 = %while3A_414 to %while3A_420 step %while3A_421  : i32 {
              %broadcast_in_dim3A_425 = vector.broadcast %while3A_424 : i32 to vector<16xi32>
              %iota3A_426 = tpu.iota {dimensions = array<i32: 0>} : vector<16xi32>
              %gather3A_427 = tpu.vector_load_idx %arg17[%broadcast_in_dim3A_425, %iota3A_426] : memref<128x16xf32, #tpu.memory_space<vmem>>[vector<16xi32>, vector<16xi32>], vector<16xf32>,
              %broadcast_in_dim3A_428 = arith.constant 0 : i32
              %broadcast_in_dim3A_429 = vector.broadcast %broadcast_in_dim3A_428 : i32 to vector<16xi32>
              %shift_right_arithmetic3A_430 = arith.constant 2 : i32
              %shift_right_arithmetic3A_431 = arith.shrsi %min3A_305, %shift_right_arithmetic3A_430 : i32
              %while3A_432 = arith.constant 0 : i32
              %while3A_433 = arith.subi %shift_right_arithmetic3A_431, %while3A_432 : i32
              %while3A_434 = arith.addi %while3A_432, %while3A_433 : i32
              %while3A_435 = arith.constant 1 : i32
              %while3A_436 = arith.divsi %while3A_433, %while3A_435 : i32
              %while3A_437 = arith.muli %while3A_436, %while3A_435 : i32
              %while3A_438 = arith.addi %while3A_432, %while3A_437 : i32
              %while3A_439 = arith.constant 1 : i32
              %while3A_440 = scf.for %while3A_463 = %while3A_432 to %while3A_438 step %while3A_439 iter_args(%while3A_464 = %broadcast_in_dim3A_429) -> (vector<16xi32>)  : i32 {
                %shift_left3A_465 = arith.constant 2 : i32
                %shift_left3A_466 = arith.shli %while3A_463, %shift_left3A_465 : i32
                %broadcast_in_dim3A_467 = vector.broadcast %shift_left3A_466 : i32 to vector<16xi32>
                %iota3A_468 = tpu.iota {dimensions = array<i32: 0>} : vector<16xi32>
                %gather3A_469 = tpu.vector_load_idx %arg23[%broadcast_in_dim3A_467, %iota3A_468] : memref<128x16xf32, #tpu.memory_space<vmem>>[vector<16xi32>, vector<16xi32>], vector<16xf32>,
                %lt3A = arith.cmpf olt, %gather3A_469, %gather3A_427 : vector<16xf32>
                %convert_element_type3A_470 = arith.extui %lt3A : vector<16xi1> to vector<16xi32>
                %add3A_471 = arith.addi %while3A_464, %convert_element_type3A_470 : vector<16xi32>
                %add3A_472 = arith.constant 1 : i32
                %add3A_473 = arith.addi %shift_left3A_466, %add3A_472 : i32
                %broadcast_in_dim3A_474 = vector.broadcast %add3A_473 : i32 to vector<16xi32>
                %iota3A_475 = tpu.iota {dimensions = array<i32: 0>} : vector<16xi32>
                %gather3A_476 = tpu.vector_load_idx %arg23[%broadcast_in_dim3A_474, %iota3A_475] : memref<128x16xf32, #tpu.memory_space<vmem>>[vector<16xi32>, vector<16xi32>], vector<16xf32>,
                %lt3A_477 = arith.cmpf olt, %gather3A_476, %gather3A_427 : vector<16xf32>
                %convert_element_type3A_478 = arith.extui %lt3A_477 : vector<16xi1> to vector<16xi32>
                %add3A_479 = arith.addi %add3A_471, %convert_element_type3A_478 : vector<16xi32>
                %add3A_480 = arith.constant 2 : i32
                %add3A_481 = arith.addi %shift_left3A_466, %add3A_480 : i32
                %broadcast_in_dim3A_482 = vector.broadcast %add3A_481 : i32 to vector<16xi32>
                %iota3A_483 = tpu.iota {dimensions = array<i32: 0>} : vector<16xi32>
                %gather3A_484 = tpu.vector_load_idx %arg23[%broadcast_in_dim3A_482, %iota3A_483] : memref<128x16xf32, #tpu.memory_space<vmem>>[vector<16xi32>, vector<16xi32>], vector<16xf32>,
                %lt3A_485 = arith.cmpf olt, %gather3A_484, %gather3A_427 : vector<16xf32>
                %convert_element_type3A_486 = arith.extui %lt3A_485 : vector<16xi1> to vector<16xi32>
                %add3A_487 = arith.addi %add3A_479, %convert_element_type3A_486 : vector<16xi32>
                %add3A_488 = arith.constant 3 : i32
                %add3A_489 = arith.addi %shift_left3A_466, %add3A_488 : i32
                %broadcast_in_dim3A_490 = vector.broadcast %add3A_489 : i32 to vector<16xi32>
                %iota3A_491 = tpu.iota {dimensions = array<i32: 0>} : vector<16xi32>
                %gather3A_492 = tpu.vector_load_idx %arg23[%broadcast_in_dim3A_490, %iota3A_491] : memref<128x16xf32, #tpu.memory_space<vmem>>[vector<16xi32>, vector<16xi32>], vector<16xf32>,
                %lt3A_493 = arith.cmpf olt, %gather3A_492, %gather3A_427 : vector<16xf32>
                %convert_element_type3A_494 = arith.extui %lt3A_493 : vector<16xi1> to vector<16xi32>
                %add3A_495 = arith.addi %add3A_487, %convert_element_type3A_494 : vector<16xi32>
                scf.yield %add3A_495 : vector<16xi32>
              }
              %while3A_441 = arith.constant 1 : i32
              %while3A_442 = scf.for %while3A_463 = %while3A_438 to %while3A_434 step %while3A_441 iter_args(%while3A_464 = %while3A_440) -> (vector<16xi32>)  : i32 {
                %shift_left3A_465 = arith.constant 2 : i32
                %shift_left3A_466 = arith.shli %while3A_463, %shift_left3A_465 : i32
                %broadcast_in_dim3A_467 = vector.broadcast %shift_left3A_466 : i32 to vector<16xi32>
                %iota3A_468 = tpu.iota {dimensions = array<i32: 0>} : vector<16xi32>
                %gather3A_469 = tpu.vector_load_idx %arg23[%broadcast_in_dim3A_467, %iota3A_468] : memref<128x16xf32, #tpu.memory_space<vmem>>[vector<16xi32>, vector<16xi32>], vector<16xf32>,
                %lt3A = arith.cmpf olt, %gather3A_469, %gather3A_427 : vector<16xf32>
                %convert_element_type3A_470 = arith.extui %lt3A : vector<16xi1> to vector<16xi32>
                %add3A_471 = arith.addi %while3A_464, %convert_element_type3A_470 : vector<16xi32>
                %add3A_472 = arith.constant 1 : i32
                %add3A_473 = arith.addi %shift_left3A_466, %add3A_472 : i32
                %broadcast_in_dim3A_474 = vector.broadcast %add3A_473 : i32 to vector<16xi32>
                %iota3A_475 = tpu.iota {dimensions = array<i32: 0>} : vector<16xi32>
                %gather3A_476 = tpu.vector_load_idx %arg23[%broadcast_in_dim3A_474, %iota3A_475] : memref<128x16xf32, #tpu.memory_space<vmem>>[vector<16xi32>, vector<16xi32>], vector<16xf32>,
                %lt3A_477 = arith.cmpf olt, %gather3A_476, %gather3A_427 : vector<16xf32>
                %convert_element_type3A_478 = arith.extui %lt3A_477 : vector<16xi1> to vector<16xi32>
                %add3A_479 = arith.addi %add3A_471, %convert_element_type3A_478 : vector<16xi32>
                %add3A_480 = arith.constant 2 : i32
                %add3A_481 = arith.addi %shift_left3A_466, %add3A_480 : i32
                %broadcast_in_dim3A_482 = vector.broadcast %add3A_481 : i32 to vector<16xi32>
                %iota3A_483 = tpu.iota {dimensions = array<i32: 0>} : vector<16xi32>
                %gather3A_484 = tpu.vector_load_idx %arg23[%broadcast_in_dim3A_482, %iota3A_483] : memref<128x16xf32, #tpu.memory_space<vmem>>[vector<16xi32>, vector<16xi32>], vector<16xf32>,
                %lt3A_485 = arith.cmpf olt, %gather3A_484, %gather3A_427 : vector<16xf32>
                %convert_element_type3A_486 = arith.extui %lt3A_485 : vector<16xi1> to vector<16xi32>
                %add3A_487 = arith.addi %add3A_479, %convert_element_type3A_486 : vector<16xi32>
                %add3A_488 = arith.constant 3 : i32
                %add3A_489 = arith.addi %shift_left3A_466, %add3A_488 : i32
                %broadcast_in_dim3A_490 = vector.broadcast %add3A_489 : i32 to vector<16xi32>
                %iota3A_491 = tpu.iota {dimensions = array<i32: 0>} : vector<16xi32>
                %gather3A_492 = tpu.vector_load_idx %arg23[%broadcast_in_dim3A_490, %iota3A_491] : memref<128x16xf32, #tpu.memory_space<vmem>>[vector<16xi32>, vector<16xi32>], vector<16xf32>,
                %lt3A_493 = arith.cmpf olt, %gather3A_492, %gather3A_427 : vector<16xf32>
                %convert_element_type3A_494 = arith.extui %lt3A_493 : vector<16xi1> to vector<16xi32>
                %add3A_495 = arith.addi %add3A_487, %convert_element_type3A_494 : vector<16xi32>
                scf.yield %add3A_495 : vector<16xi32>
              }
              %shift_right_arithmetic3A_443 = arith.constant 2 : i32
              %shift_right_arithmetic3A_444 = arith.shrsi %min3A_305, %shift_right_arithmetic3A_443 : i32
              %shift_left3A_445 = arith.constant 2 : i32
              %shift_left3A_446 = arith.shli %shift_right_arithmetic3A_444, %shift_left3A_445 : i32
              %and3A = arith.constant 3 : i32
              %and3A_447 = arith.andi %min3A_305, %and3A : i32
              %while3A_448 = arith.constant 0 : i32
              %while3A_449 = arith.subi %and3A_447, %while3A_448 : i32
              %while3A_450 = arith.addi %while3A_448, %while3A_449 : i32
              %while3A_451 = arith.constant 1 : i32
              %while3A_452 = arith.divsi %while3A_449, %while3A_451 : i32
              %while3A_453 = arith.muli %while3A_452, %while3A_451 : i32
              %while3A_454 = arith.addi %while3A_448, %while3A_453 : i32
              %while3A_455 = arith.constant 1 : i32
              %while3A_456 = scf.for %while3A_463 = %while3A_448 to %while3A_454 step %while3A_455 iter_args(%while3A_464 = %while3A_442) -> (vector<16xi32>)  : i32 {
                %add3A_465 = arith.addi %shift_left3A_446, %while3A_463 : i32
                %broadcast_in_dim3A_466 = vector.broadcast %add3A_465 : i32 to vector<16xi32>
                %iota3A_467 = tpu.iota {dimensions = array<i32: 0>} : vector<16xi32>
                %gather3A_468 = tpu.vector_load_idx %arg23[%broadcast_in_dim3A_466, %iota3A_467] : memref<128x16xf32, #tpu.memory_space<vmem>>[vector<16xi32>, vector<16xi32>], vector<16xf32>,
                %lt3A = arith.cmpf olt, %gather3A_468, %gather3A_427 : vector<16xf32>
                %convert_element_type3A_469 = arith.extui %lt3A : vector<16xi1> to vector<16xi32>
                %add3A_470 = arith.addi %while3A_464, %convert_element_type3A_469 : vector<16xi32>
                scf.yield %add3A_470 : vector<16xi32>
              }
              %while3A_457 = arith.constant 1 : i32
              %while3A_458 = scf.for %while3A_463 = %while3A_454 to %while3A_450 step %while3A_457 iter_args(%while3A_464 = %while3A_456) -> (vector<16xi32>)  : i32 {
                %add3A_465 = arith.addi %shift_left3A_446, %while3A_463 : i32
                %broadcast_in_dim3A_466 = vector.broadcast %add3A_465 : i32 to vector<16xi32>
                %iota3A_467 = tpu.iota {dimensions = array<i32: 0>} : vector<16xi32>
                %gather3A_468 = tpu.vector_load_idx %arg23[%broadcast_in_dim3A_466, %iota3A_467] : memref<128x16xf32, #tpu.memory_space<vmem>>[vector<16xi32>, vector<16xi32>], vector<16xf32>,
                %lt3A = arith.cmpf olt, %gather3A_468, %gather3A_427 : vector<16xf32>
                %convert_element_type3A_469 = arith.extui %lt3A : vector<16xi1> to vector<16xi32>
                %add3A_470 = arith.addi %while3A_464, %convert_element_type3A_469 : vector<16xi32>
                scf.yield %add3A_470 : vector<16xi32>
              }
              %broadcast_in_dim3A_459 = vector.broadcast %while3A_424 : i32 to vector<16xi32>
              %gather3A_460 = tpu.vector_load_idx %arg24[%broadcast_in_dim3A_459, %iota3A] : memref<128x16xi32, #tpu.memory_space<vmem>>[vector<16xi32>, vector<16xi32>], vector<16xi32>,
              %broadcast_in_dim3A_461 = vector.broadcast %while3A_424 : i32 to vector<16xi32>
              %add3A_462 = arith.addi %gather3A_460, %while3A_458 : vector<16xi32>
              tpu.vector_store_idx %arg24[%broadcast_in_dim3A_461, %iota3A], %add3A_462 : memref<128x16xi32, #tpu.memory_space<vmem>>[vector<16xi32>, vector<16xi32>], vector<16xi32>,
            }
            %while3A_422 = arith.constant 1 : i32
            scf.for %while3A_424 = %while3A_420 to %while3A_416 step %while3A_422  : i32 {
              %broadcast_in_dim3A_425 = vector.broadcast %while3A_424 : i32 to vector<16xi32>
              %iota3A_426 = tpu.iota {dimensions = array<i32: 0>} : vector<16xi32>
              %gather3A_427 = tpu.vector_load_idx %arg17[%broadcast_in_dim3A_425, %iota3A_426] : memref<128x16xf32, #tpu.memory_space<vmem>>[vector<16xi32>, vector<16xi32>], vector<16xf32>,
              %broadcast_in_dim3A_428 = arith.constant 0 : i32
              %broadcast_in_dim3A_429 = vector.broadcast %broadcast_in_dim3A_428 : i32 to vector<16xi32>
              %shift_right_arithmetic3A_430 = arith.constant 2 : i32
              %shift_right_arithmetic3A_431 = arith.shrsi %min3A_305, %shift_right_arithmetic3A_430 : i32
              %while3A_432 = arith.constant 0 : i32
              %while3A_433 = arith.subi %shift_right_arithmetic3A_431, %while3A_432 : i32
              %while3A_434 = arith.addi %while3A_432, %while3A_433 : i32
              %while3A_435 = arith.constant 1 : i32
              %while3A_436 = arith.divsi %while3A_433, %while3A_435 : i32
              %while3A_437 = arith.muli %while3A_436, %while3A_435 : i32
              %while3A_438 = arith.addi %while3A_432, %while3A_437 : i32
              %while3A_439 = arith.constant 1 : i32
              %while3A_440 = scf.for %while3A_463 = %while3A_432 to %while3A_438 step %while3A_439 iter_args(%while3A_464 = %broadcast_in_dim3A_429) -> (vector<16xi32>)  : i32 {
                %shift_left3A_465 = arith.constant 2 : i32
                %shift_left3A_466 = arith.shli %while3A_463, %shift_left3A_465 : i32
                %broadcast_in_dim3A_467 = vector.broadcast %shift_left3A_466 : i32 to vector<16xi32>
                %iota3A_468 = tpu.iota {dimensions = array<i32: 0>} : vector<16xi32>
                %gather3A_469 = tpu.vector_load_idx %arg23[%broadcast_in_dim3A_467, %iota3A_468] : memref<128x16xf32, #tpu.memory_space<vmem>>[vector<16xi32>, vector<16xi32>], vector<16xf32>,
                %lt3A = arith.cmpf olt, %gather3A_469, %gather3A_427 : vector<16xf32>
                %convert_element_type3A_470 = arith.extui %lt3A : vector<16xi1> to vector<16xi32>
                %add3A_471 = arith.addi %while3A_464, %convert_element_type3A_470 : vector<16xi32>
                %add3A_472 = arith.constant 1 : i32
                %add3A_473 = arith.addi %shift_left3A_466, %add3A_472 : i32
                %broadcast_in_dim3A_474 = vector.broadcast %add3A_473 : i32 to vector<16xi32>
                %iota3A_475 = tpu.iota {dimensions = array<i32: 0>} : vector<16xi32>
                %gather3A_476 = tpu.vector_load_idx %arg23[%broadcast_in_dim3A_474, %iota3A_475] : memref<128x16xf32, #tpu.memory_space<vmem>>[vector<16xi32>, vector<16xi32>], vector<16xf32>,
                %lt3A_477 = arith.cmpf olt, %gather3A_476, %gather3A_427 : vector<16xf32>
                %convert_element_type3A_478 = arith.extui %lt3A_477 : vector<16xi1> to vector<16xi32>
                %add3A_479 = arith.addi %add3A_471, %convert_element_type3A_478 : vector<16xi32>
                %add3A_480 = arith.constant 2 : i32
                %add3A_481 = arith.addi %shift_left3A_466, %add3A_480 : i32
                %broadcast_in_dim3A_482 = vector.broadcast %add3A_481 : i32 to vector<16xi32>
                %iota3A_483 = tpu.iota {dimensions = array<i32: 0>} : vector<16xi32>
                %gather3A_484 = tpu.vector_load_idx %arg23[%broadcast_in_dim3A_482, %iota3A_483] : memref<128x16xf32, #tpu.memory_space<vmem>>[vector<16xi32>, vector<16xi32>], vector<16xf32>,
                %lt3A_485 = arith.cmpf olt, %gather3A_484, %gather3A_427 : vector<16xf32>
                %convert_element_type3A_486 = arith.extui %lt3A_485 : vector<16xi1> to vector<16xi32>
                %add3A_487 = arith.addi %add3A_479, %convert_element_type3A_486 : vector<16xi32>
                %add3A_488 = arith.constant 3 : i32
                %add3A_489 = arith.addi %shift_left3A_466, %add3A_488 : i32
                %broadcast_in_dim3A_490 = vector.broadcast %add3A_489 : i32 to vector<16xi32>
                %iota3A_491 = tpu.iota {dimensions = array<i32: 0>} : vector<16xi32>
                %gather3A_492 = tpu.vector_load_idx %arg23[%broadcast_in_dim3A_490, %iota3A_491] : memref<128x16xf32, #tpu.memory_space<vmem>>[vector<16xi32>, vector<16xi32>], vector<16xf32>,
                %lt3A_493 = arith.cmpf olt, %gather3A_492, %gather3A_427 : vector<16xf32>
                %convert_element_type3A_494 = arith.extui %lt3A_493 : vector<16xi1> to vector<16xi32>
                %add3A_495 = arith.addi %add3A_487, %convert_element_type3A_494 : vector<16xi32>
                scf.yield %add3A_495 : vector<16xi32>
              }
              %while3A_441 = arith.constant 1 : i32
              %while3A_442 = scf.for %while3A_463 = %while3A_438 to %while3A_434 step %while3A_441 iter_args(%while3A_464 = %while3A_440) -> (vector<16xi32>)  : i32 {
                %shift_left3A_465 = arith.constant 2 : i32
                %shift_left3A_466 = arith.shli %while3A_463, %shift_left3A_465 : i32
                %broadcast_in_dim3A_467 = vector.broadcast %shift_left3A_466 : i32 to vector<16xi32>
                %iota3A_468 = tpu.iota {dimensions = array<i32: 0>} : vector<16xi32>
                %gather3A_469 = tpu.vector_load_idx %arg23[%broadcast_in_dim3A_467, %iota3A_468] : memref<128x16xf32, #tpu.memory_space<vmem>>[vector<16xi32>, vector<16xi32>], vector<16xf32>,
                %lt3A = arith.cmpf olt, %gather3A_469, %gather3A_427 : vector<16xf32>
                %convert_element_type3A_470 = arith.extui %lt3A : vector<16xi1> to vector<16xi32>
                %add3A_471 = arith.addi %while3A_464, %convert_element_type3A_470 : vector<16xi32>
                %add3A_472 = arith.constant 1 : i32
                %add3A_473 = arith.addi %shift_left3A_466, %add3A_472 : i32
                %broadcast_in_dim3A_474 = vector.broadcast %add3A_473 : i32 to vector<16xi32>
                %iota3A_475 = tpu.iota {dimensions = array<i32: 0>} : vector<16xi32>
                %gather3A_476 = tpu.vector_load_idx %arg23[%broadcast_in_dim3A_474, %iota3A_475] : memref<128x16xf32, #tpu.memory_space<vmem>>[vector<16xi32>, vector<16xi32>], vector<16xf32>,
                %lt3A_477 = arith.cmpf olt, %gather3A_476, %gather3A_427 : vector<16xf32>
                %convert_element_type3A_478 = arith.extui %lt3A_477 : vector<16xi1> to vector<16xi32>
                %add3A_479 = arith.addi %add3A_471, %convert_element_type3A_478 : vector<16xi32>
                %add3A_480 = arith.constant 2 : i32
                %add3A_481 = arith.addi %shift_left3A_466, %add3A_480 : i32
                %broadcast_in_dim3A_482 = vector.broadcast %add3A_481 : i32 to vector<16xi32>
                %iota3A_483 = tpu.iota {dimensions = array<i32: 0>} : vector<16xi32>
                %gather3A_484 = tpu.vector_load_idx %arg23[%broadcast_in_dim3A_482, %iota3A_483] : memref<128x16xf32, #tpu.memory_space<vmem>>[vector<16xi32>, vector<16xi32>], vector<16xf32>,
                %lt3A_485 = arith.cmpf olt, %gather3A_484, %gather3A_427 : vector<16xf32>
                %convert_element_type3A_486 = arith.extui %lt3A_485 : vector<16xi1> to vector<16xi32>
                %add3A_487 = arith.addi %add3A_479, %convert_element_type3A_486 : vector<16xi32>
                %add3A_488 = arith.constant 3 : i32
                %add3A_489 = arith.addi %shift_left3A_466, %add3A_488 : i32
                %broadcast_in_dim3A_490 = vector.broadcast %add3A_489 : i32 to vector<16xi32>
                %iota3A_491 = tpu.iota {dimensions = array<i32: 0>} : vector<16xi32>
                %gather3A_492 = tpu.vector_load_idx %arg23[%broadcast_in_dim3A_490, %iota3A_491] : memref<128x16xf32, #tpu.memory_space<vmem>>[vector<16xi32>, vector<16xi32>], vector<16xf32>,
                %lt3A_493 = arith.cmpf olt, %gather3A_492, %gather3A_427 : vector<16xf32>
                %convert_element_type3A_494 = arith.extui %lt3A_493 : vector<16xi1> to vector<16xi32>
                %add3A_495 = arith.addi %add3A_487, %convert_element_type3A_494 : vector<16xi32>
                scf.yield %add3A_495 : vector<16xi32>
              }
              %shift_right_arithmetic3A_443 = arith.constant 2 : i32
              %shift_right_arithmetic3A_444 = arith.shrsi %min3A_305, %shift_right_arithmetic3A_443 : i32
              %shift_left3A_445 = arith.constant 2 : i32
              %shift_left3A_446 = arith.shli %shift_right_arithmetic3A_444, %shift_left3A_445 : i32
              %and3A = arith.constant 3 : i32
              %and3A_447 = arith.andi %min3A_305, %and3A : i32
              %while3A_448 = arith.constant 0 : i32
              %while3A_449 = arith.subi %and3A_447, %while3A_448 : i32
              %while3A_450 = arith.addi %while3A_448, %while3A_449 : i32
              %while3A_451 = arith.constant 1 : i32
              %while3A_452 = arith.divsi %while3A_449, %while3A_451 : i32
              %while3A_453 = arith.muli %while3A_452, %while3A_451 : i32
              %while3A_454 = arith.addi %while3A_448, %while3A_453 : i32
              %while3A_455 = arith.constant 1 : i32
              %while3A_456 = scf.for %while3A_463 = %while3A_448 to %while3A_454 step %while3A_455 iter_args(%while3A_464 = %while3A_442) -> (vector<16xi32>)  : i32 {
                %add3A_465 = arith.addi %shift_left3A_446, %while3A_463 : i32
                %broadcast_in_dim3A_466 = vector.broadcast %add3A_465 : i32 to vector<16xi32>
                %iota3A_467 = tpu.iota {dimensions = array<i32: 0>} : vector<16xi32>
                %gather3A_468 = tpu.vector_load_idx %arg23[%broadcast_in_dim3A_466, %iota3A_467] : memref<128x16xf32, #tpu.memory_space<vmem>>[vector<16xi32>, vector<16xi32>], vector<16xf32>,
                %lt3A = arith.cmpf olt, %gather3A_468, %gather3A_427 : vector<16xf32>
                %convert_element_type3A_469 = arith.extui %lt3A : vector<16xi1> to vector<16xi32>
                %add3A_470 = arith.addi %while3A_464, %convert_element_type3A_469 : vector<16xi32>
                scf.yield %add3A_470 : vector<16xi32>
              }
              %while3A_457 = arith.constant 1 : i32
              %while3A_458 = scf.for %while3A_463 = %while3A_454 to %while3A_450 step %while3A_457 iter_args(%while3A_464 = %while3A_456) -> (vector<16xi32>)  : i32 {
                %add3A_465 = arith.addi %shift_left3A_446, %while3A_463 : i32
                %broadcast_in_dim3A_466 = vector.broadcast %add3A_465 : i32 to vector<16xi32>
                %iota3A_467 = tpu.iota {dimensions = array<i32: 0>} : vector<16xi32>
                %gather3A_468 = tpu.vector_load_idx %arg23[%broadcast_in_dim3A_466, %iota3A_467] : memref<128x16xf32, #tpu.memory_space<vmem>>[vector<16xi32>, vector<16xi32>], vector<16xf32>,
                %lt3A = arith.cmpf olt, %gather3A_468, %gather3A_427 : vector<16xf32>
                %convert_element_type3A_469 = arith.extui %lt3A : vector<16xi1> to vector<16xi32>
                %add3A_470 = arith.addi %while3A_464, %convert_element_type3A_469 : vector<16xi32>
                scf.yield %add3A_470 : vector<16xi32>
              }
              %broadcast_in_dim3A_459 = vector.broadcast %while3A_424 : i32 to vector<16xi32>
              %gather3A_460 = tpu.vector_load_idx %arg24[%broadcast_in_dim3A_459, %iota3A] : memref<128x16xi32, #tpu.memory_space<vmem>>[vector<16xi32>, vector<16xi32>], vector<16xi32>,
              %broadcast_in_dim3A_461 = vector.broadcast %while3A_424 : i32 to vector<16xi32>
              %add3A_462 = arith.addi %gather3A_460, %while3A_458 : vector<16xi32>
              tpu.vector_store_idx %arg24[%broadcast_in_dim3A_461, %iota3A], %add3A_462 : memref<128x16xi32, #tpu.memory_space<vmem>>[vector<16xi32>, vector<16xi32>], vector<16xi32>,
            }
            %while3A_423 = arith.constant 0 : i32
            scf.yield %while3A_423 : i32
          }
          %while3A_282 = arith.constant 1 : i32
          %while3A_283 = scf.for %while3A_299 = %while3A_279 to %while3A_275 step %while3A_282 iter_args(%while3A_300 = %while3A_281) -> (i32)  : i32 {
            %mul3A_301 = arith.constant 128 : i32
            %mul3A_302 = arith.muli %while3A_299, %mul3A_301 : i32
            %sub3A_303 = arith.subi %reduce_max3A_118, %mul3A_302 : i32
            %min3A_304 = arith.constant 128 : i32
            %min3A_305 = arith.minsi %sub3A_303, %min3A_304 : i32
            %mul3A_306 = arith.constant 128 : i32
            %mul3A_307 = arith.muli %while3A_299, %mul3A_306 : i32
            %min3A_308 = arith.constant 319 : i32
            %min3A_309 = arith.minsi %scan3A_10, %min3A_308 : i32
            %broadcast_in_dim3A_310 = vector.broadcast %min3A_309 : i32 to vector<16xi32>
            %gather3A_311 = tpu.vector_load_idx %arg7[%broadcast_in_dim3A_310] : memref<320xi32, #tpu.memory_space<vmem>>[vector<16xi32>], vector<16xi32>,
            %reduce_max3A_312 = arith.constant true
            %reduce_max3A_313 = vector.broadcast %reduce_max3A_312 : i1 to vector<16xi1>
            %reduce_max3A_314 = arith.constant -2147483648 : i32
            %reduce_max3A_315 = vector.broadcast %reduce_max3A_314 : i32 to vector<16xi32>
            %reduce_max3A_316 = arith.xori %gather3A_311, %reduce_max3A_315 : vector<16xi32>
            %reduce_max3A_317 = tpu.scan <max>, %reduce_max3A_316 masked %reduce_max3A_313 : vector<16xi32>, vector<16xi1> -> vector<16xi32>
            %reduce_max3A_318 = arith.xori %reduce_max3A_317, %reduce_max3A_315 : vector<16xi32>
            %reduce_max3A_319 = vector.extract %reduce_max3A_318[15] : i32 from vector<16xi32>
            %add3A_320 = arith.addi %reduce_max3A_319, %mul3A_307 : i32
            %shift_right_arithmetic3A_321 = arith.constant 3 : i32
            %shift_right_arithmetic3A_322 = arith.shrsi %add3A_320, %shift_right_arithmetic3A_321 : i32
            %shift_left3A_323 = arith.constant 3 : i32
            %shift_left3A_324 = arith.shli %shift_right_arithmetic3A_322, %shift_left3A_323 : i32
            %multiple_of3A_325 = tpu.assume_multiple %shift_left3A_324, 8 : i32
            %dma_start3A_326 = tpu.memref_slice %arg3[%multiple_of3A_325] : memref<330256xi32, #tpu.memory_space<hbm>> -> memref<136xi32, #tpu.memory_space<hbm>>
            %dma_start3A_327 = tpu.memref_slice %arg3[%multiple_of3A_325] : memref<330256xi32, #tpu.memory_space<hbm>> -> memref<136xi32, #tpu.memory_space<hbm>>
            tpu.enqueue_dma source(%dma_start3A_327 : memref<136xi32, #tpu.memory_space<hbm>>) target(%arg21 : memref<136xi32, #tpu.memory_space<vmem>>) target_semaphore(%arg34 : memref<!tpu.dma_semaphore, #tpu.memory_space<semaphore_mem>>)
            %dma_wait3A_328 = arith.constant 0 : i32
            %dma_wait3A_329 = tpu.memref_slice %arg3[%dma_wait3A_328] : memref<330256xi32, #tpu.memory_space<hbm>> -> memref<136xi32, #tpu.memory_space<hbm>>
            %dma_wait3A_330 = arith.constant 0 : i32
            %dma_wait3A_331 = tpu.memref_slice %arg3[%dma_wait3A_330] : memref<330256xi32, #tpu.memory_space<hbm>> -> memref<136xi32, #tpu.memory_space<hbm>>
            tpu.wait_dma2 semaphore(%arg34 : memref<!tpu.dma_semaphore, #tpu.memory_space<semaphore_mem>>) src(%dma_wait3A_331 : memref<136xi32, #tpu.memory_space<hbm>>) dst(%arg21 : memref<136xi32, #tpu.memory_space<vmem>>)
            %min3A_332 = arith.constant 319 : i32
            %min3A_333 = arith.minsi %scan3A_10, %min3A_332 : i32
            %broadcast_in_dim3A_334 = vector.broadcast %min3A_333 : i32 to vector<16xi32>
            %gather3A_335 = tpu.vector_load_idx %arg7[%broadcast_in_dim3A_334] : memref<320xi32, #tpu.memory_space<vmem>>[vector<16xi32>], vector<16xi32>,
            %reduce_max3A_336 = arith.constant true
            %reduce_max3A_337 = vector.broadcast %reduce_max3A_336 : i1 to vector<16xi1>
            %reduce_max3A_338 = arith.constant -2147483648 : i32
            %reduce_max3A_339 = vector.broadcast %reduce_max3A_338 : i32 to vector<16xi32>
            %reduce_max3A_340 = arith.xori %gather3A_335, %reduce_max3A_339 : vector<16xi32>
            %reduce_max3A_341 = tpu.scan <max>, %reduce_max3A_340 masked %reduce_max3A_337 : vector<16xi32>, vector<16xi1> -> vector<16xi32>
            %reduce_max3A_342 = arith.xori %reduce_max3A_341, %reduce_max3A_339 : vector<16xi32>
            %reduce_max3A_343 = vector.extract %reduce_max3A_342[15] : i32 from vector<16xi32>
            %add3A_344 = arith.addi %reduce_max3A_343, %mul3A_307 : i32
            %shift_right_arithmetic3A_345 = arith.constant 3 : i32
            %shift_right_arithmetic3A_346 = arith.shrsi %add3A_344, %shift_right_arithmetic3A_345 : i32
            %shift_left3A_347 = arith.constant 3 : i32
            %shift_left3A_348 = arith.shli %shift_right_arithmetic3A_346, %shift_left3A_347 : i32
            %sub3A_349 = arith.subi %add3A_344, %shift_left3A_348 : i32
            %iota3A_350 = tpu.iota {dimensions = array<i32: 0>} : vector<16xi32>
            %add3A_351 = arith.constant 0 : i32
            %add3A_352 = arith.addi %sub3A_349, %add3A_351 : i32
            %broadcast_in_dim3A_353 = vector.broadcast %add3A_352 : i32 to vector<16xi32>
            %add3A_354 = arith.addi %broadcast_in_dim3A_353, %iota3A_350 : vector<16xi32>
            %gather3A_355 = tpu.vector_load_idx %arg21[%add3A_354] : memref<136xi32, #tpu.memory_space<vmem>>[vector<16xi32>], vector<16xi32>,
            %swap3A_356 = arith.constant 0 : index
            %swap3A_357 = tpu.vector_load %arg22[%swap3A_356] {strides = array<i32>} : memref<128xi32, #tpu.memory_space<vmem>>, vector<16xi32>,
            tpu.vector_store %arg22[%swap3A_356], %gather3A_355 {strides = array<i32>} : memref<128xi32, #tpu.memory_space<vmem>>, vector<16xi32>,
            %add3A_358 = arith.constant 16 : i32
            %add3A_359 = arith.addi %sub3A_349, %add3A_358 : i32
            %broadcast_in_dim3A_360 = vector.broadcast %add3A_359 : i32 to vector<16xi32>
            %add3A_361 = arith.addi %broadcast_in_dim3A_360, %iota3A_350 : vector<16xi32>
            %gather3A_362 = tpu.vector_load_idx %arg21[%add3A_361] : memref<136xi32, #tpu.memory_space<vmem>>[vector<16xi32>], vector<16xi32>,
            %swap3A_363 = arith.constant 16 : index
            %swap3A_364 = tpu.vector_load %arg22[%swap3A_363] {strides = array<i32>} : memref<128xi32, #tpu.memory_space<vmem>>, vector<16xi32>,
            tpu.vector_store %arg22[%swap3A_363], %gather3A_362 {strides = array<i32>} : memref<128xi32, #tpu.memory_space<vmem>>, vector<16xi32>,
            %add3A_365 = arith.constant 32 : i32
            %add3A_366 = arith.addi %sub3A_349, %add3A_365 : i32
            %broadcast_in_dim3A_367 = vector.broadcast %add3A_366 : i32 to vector<16xi32>
            %add3A_368 = arith.addi %broadcast_in_dim3A_367, %iota3A_350 : vector<16xi32>
            %gather3A_369 = tpu.vector_load_idx %arg21[%add3A_368] : memref<136xi32, #tpu.memory_space<vmem>>[vector<16xi32>], vector<16xi32>,
            %swap3A_370 = arith.constant 32 : index
            %swap3A_371 = tpu.vector_load %arg22[%swap3A_370] {strides = array<i32>} : memref<128xi32, #tpu.memory_space<vmem>>, vector<16xi32>,
            tpu.vector_store %arg22[%swap3A_370], %gather3A_369 {strides = array<i32>} : memref<128xi32, #tpu.memory_space<vmem>>, vector<16xi32>,
            %add3A_372 = arith.constant 48 : i32
            %add3A_373 = arith.addi %sub3A_349, %add3A_372 : i32
            %broadcast_in_dim3A_374 = vector.broadcast %add3A_373 : i32 to vector<16xi32>
            %add3A_375 = arith.addi %broadcast_in_dim3A_374, %iota3A_350 : vector<16xi32>
            %gather3A_376 = tpu.vector_load_idx %arg21[%add3A_375] : memref<136xi32, #tpu.memory_space<vmem>>[vector<16xi32>], vector<16xi32>,
            %swap3A_377 = arith.constant 48 : index
            %swap3A_378 = tpu.vector_load %arg22[%swap3A_377] {strides = array<i32>} : memref<128xi32, #tpu.memory_space<vmem>>, vector<16xi32>,
            tpu.vector_store %arg22[%swap3A_377], %gather3A_376 {strides = array<i32>} : memref<128xi32, #tpu.memory_space<vmem>>, vector<16xi32>,
            %add3A_379 = arith.constant 64 : i32
            %add3A_380 = arith.addi %sub3A_349, %add3A_379 : i32
            %broadcast_in_dim3A_381 = vector.broadcast %add3A_380 : i32 to vector<16xi32>
            %add3A_382 = arith.addi %broadcast_in_dim3A_381, %iota3A_350 : vector<16xi32>
            %gather3A_383 = tpu.vector_load_idx %arg21[%add3A_382] : memref<136xi32, #tpu.memory_space<vmem>>[vector<16xi32>], vector<16xi32>,
            %swap3A_384 = arith.constant 64 : index
            %swap3A_385 = tpu.vector_load %arg22[%swap3A_384] {strides = array<i32>} : memref<128xi32, #tpu.memory_space<vmem>>, vector<16xi32>,
            tpu.vector_store %arg22[%swap3A_384], %gather3A_383 {strides = array<i32>} : memref<128xi32, #tpu.memory_space<vmem>>, vector<16xi32>,
            %add3A_386 = arith.constant 80 : i32
            %add3A_387 = arith.addi %sub3A_349, %add3A_386 : i32
            %broadcast_in_dim3A_388 = vector.broadcast %add3A_387 : i32 to vector<16xi32>
            %add3A_389 = arith.addi %broadcast_in_dim3A_388, %iota3A_350 : vector<16xi32>
            %gather3A_390 = tpu.vector_load_idx %arg21[%add3A_389] : memref<136xi32, #tpu.memory_space<vmem>>[vector<16xi32>], vector<16xi32>,
            %swap3A_391 = arith.constant 80 : index
            %swap3A_392 = tpu.vector_load %arg22[%swap3A_391] {strides = array<i32>} : memref<128xi32, #tpu.memory_space<vmem>>, vector<16xi32>,
            tpu.vector_store %arg22[%swap3A_391], %gather3A_390 {strides = array<i32>} : memref<128xi32, #tpu.memory_space<vmem>>, vector<16xi32>,
            %add3A_393 = arith.constant 96 : i32
            %add3A_394 = arith.addi %sub3A_349, %add3A_393 : i32
            %broadcast_in_dim3A_395 = vector.broadcast %add3A_394 : i32 to vector<16xi32>
            %add3A_396 = arith.addi %broadcast_in_dim3A_395, %iota3A_350 : vector<16xi32>
            %gather3A_397 = tpu.vector_load_idx %arg21[%add3A_396] : memref<136xi32, #tpu.memory_space<vmem>>[vector<16xi32>], vector<16xi32>,
            %swap3A_398 = arith.constant 96 : index
            %swap3A_399 = tpu.vector_load %arg22[%swap3A_398] {strides = array<i32>} : memref<128xi32, #tpu.memory_space<vmem>>, vector<16xi32>,
            tpu.vector_store %arg22[%swap3A_398], %gather3A_397 {strides = array<i32>} : memref<128xi32, #tpu.memory_space<vmem>>, vector<16xi32>,
            %add3A_400 = arith.constant 112 : i32
            %add3A_401 = arith.addi %sub3A_349, %add3A_400 : i32
            %broadcast_in_dim3A_402 = vector.broadcast %add3A_401 : i32 to vector<16xi32>
            %add3A_403 = arith.addi %broadcast_in_dim3A_402, %iota3A_350 : vector<16xi32>
            %gather3A_404 = tpu.vector_load_idx %arg21[%add3A_403] : memref<136xi32, #tpu.memory_space<vmem>>[vector<16xi32>], vector<16xi32>,
            %swap3A_405 = arith.constant 112 : index
            %swap3A_406 = tpu.vector_load %arg22[%swap3A_405] {strides = array<i32>} : memref<128xi32, #tpu.memory_space<vmem>>, vector<16xi32>,
            tpu.vector_store %arg22[%swap3A_405], %gather3A_404 {strides = array<i32>} : memref<128xi32, #tpu.memory_space<vmem>>, vector<16xi32>,
            %dma_start3A_407 = arith.constant 0 : i32
            %dma_start3A_408 = arith.constant 0 : i32
            %dma_start3A_409 = tpu.memref_slice %arg2[%dma_start3A_407, %dma_start3A_408] : memref<10000x16xf32, #tpu.memory_space<hbm>> -> memref<10000x16xf32, #tpu.memory_space<hbm>>
            tpu.enqueue_indirect_dma source(%dma_start3A_409 : memref<10000x16xf32, #tpu.memory_space<hbm>>) target(%arg23 : memref<128x16xf32, #tpu.memory_space<vmem>>) offsets(%arg22 : memref<128xi32, #tpu.memory_space<vmem>>) semaphore(%arg34 : memref<!tpu.dma_semaphore, #tpu.memory_space<semaphore_mem>>)
            %dma_wait3A_410 = arith.constant 0 : i32
            %dma_wait3A_411 = arith.constant 0 : i32
            %dma_wait3A_412 = tpu.memref_slice %arg2[%dma_wait3A_410, %dma_wait3A_411] : memref<10000x16xf32, #tpu.memory_space<hbm>> -> memref<10000x16xf32, #tpu.memory_space<hbm>>
            tpu.wait_indirect_dma semaphore(%arg34 : memref<!tpu.dma_semaphore, #tpu.memory_space<semaphore_mem>>) src(%dma_wait3A_412 : memref<10000x16xf32, #tpu.memory_space<hbm>>) dst(%arg23 : memref<128x16xf32, #tpu.memory_space<vmem>>)
            %while3A_413 = arith.constant 0 : i32
            %while3A_414 = arith.constant 0 : i32
            %while3A_415 = arith.subi %min3A_154, %while3A_414 : i32
            %while3A_416 = arith.addi %while3A_414, %while3A_415 : i32
            %while3A_417 = arith.constant 1 : i32
            %while3A_418 = arith.divsi %while3A_415, %while3A_417 : i32
            %while3A_419 = arith.muli %while3A_418, %while3A_417 : i32
            %while3A_420 = arith.addi %while3A_414, %while3A_419 : i32
            %while3A_421 = arith.constant 1 : i32
            scf.for %while3A_424 = %while3A_414 to %while3A_420 step %while3A_421  : i32 {
              %broadcast_in_dim3A_425 = vector.broadcast %while3A_424 : i32 to vector<16xi32>
              %iota3A_426 = tpu.iota {dimensions = array<i32: 0>} : vector<16xi32>
              %gather3A_427 = tpu.vector_load_idx %arg17[%broadcast_in_dim3A_425, %iota3A_426] : memref<128x16xf32, #tpu.memory_space<vmem>>[vector<16xi32>, vector<16xi32>], vector<16xf32>,
              %broadcast_in_dim3A_428 = arith.constant 0 : i32
              %broadcast_in_dim3A_429 = vector.broadcast %broadcast_in_dim3A_428 : i32 to vector<16xi32>
              %shift_right_arithmetic3A_430 = arith.constant 2 : i32
              %shift_right_arithmetic3A_431 = arith.shrsi %min3A_305, %shift_right_arithmetic3A_430 : i32
              %while3A_432 = arith.constant 0 : i32
              %while3A_433 = arith.subi %shift_right_arithmetic3A_431, %while3A_432 : i32
              %while3A_434 = arith.addi %while3A_432, %while3A_433 : i32
              %while3A_435 = arith.constant 1 : i32
              %while3A_436 = arith.divsi %while3A_433, %while3A_435 : i32
              %while3A_437 = arith.muli %while3A_436, %while3A_435 : i32
              %while3A_438 = arith.addi %while3A_432, %while3A_437 : i32
              %while3A_439 = arith.constant 1 : i32
              %while3A_440 = scf.for %while3A_463 = %while3A_432 to %while3A_438 step %while3A_439 iter_args(%while3A_464 = %broadcast_in_dim3A_429) -> (vector<16xi32>)  : i32 {
                %shift_left3A_465 = arith.constant 2 : i32
                %shift_left3A_466 = arith.shli %while3A_463, %shift_left3A_465 : i32
                %broadcast_in_dim3A_467 = vector.broadcast %shift_left3A_466 : i32 to vector<16xi32>
                %iota3A_468 = tpu.iota {dimensions = array<i32: 0>} : vector<16xi32>
                %gather3A_469 = tpu.vector_load_idx %arg23[%broadcast_in_dim3A_467, %iota3A_468] : memref<128x16xf32, #tpu.memory_space<vmem>>[vector<16xi32>, vector<16xi32>], vector<16xf32>,
                %lt3A = arith.cmpf olt, %gather3A_469, %gather3A_427 : vector<16xf32>
                %convert_element_type3A_470 = arith.extui %lt3A : vector<16xi1> to vector<16xi32>
                %add3A_471 = arith.addi %while3A_464, %convert_element_type3A_470 : vector<16xi32>
                %add3A_472 = arith.constant 1 : i32
                %add3A_473 = arith.addi %shift_left3A_466, %add3A_472 : i32
                %broadcast_in_dim3A_474 = vector.broadcast %add3A_473 : i32 to vector<16xi32>
                %iota3A_475 = tpu.iota {dimensions = array<i32: 0>} : vector<16xi32>
                %gather3A_476 = tpu.vector_load_idx %arg23[%broadcast_in_dim3A_474, %iota3A_475] : memref<128x16xf32, #tpu.memory_space<vmem>>[vector<16xi32>, vector<16xi32>], vector<16xf32>,
                %lt3A_477 = arith.cmpf olt, %gather3A_476, %gather3A_427 : vector<16xf32>
                %convert_element_type3A_478 = arith.extui %lt3A_477 : vector<16xi1> to vector<16xi32>
                %add3A_479 = arith.addi %add3A_471, %convert_element_type3A_478 : vector<16xi32>
                %add3A_480 = arith.constant 2 : i32
                %add3A_481 = arith.addi %shift_left3A_466, %add3A_480 : i32
                %broadcast_in_dim3A_482 = vector.broadcast %add3A_481 : i32 to vector<16xi32>
                %iota3A_483 = tpu.iota {dimensions = array<i32: 0>} : vector<16xi32>
                %gather3A_484 = tpu.vector_load_idx %arg23[%broadcast_in_dim3A_482, %iota3A_483] : memref<128x16xf32, #tpu.memory_space<vmem>>[vector<16xi32>, vector<16xi32>], vector<16xf32>,
                %lt3A_485 = arith.cmpf olt, %gather3A_484, %gather3A_427 : vector<16xf32>
                %convert_element_type3A_486 = arith.extui %lt3A_485 : vector<16xi1> to vector<16xi32>
                %add3A_487 = arith.addi %add3A_479, %convert_element_type3A_486 : vector<16xi32>
                %add3A_488 = arith.constant 3 : i32
                %add3A_489 = arith.addi %shift_left3A_466, %add3A_488 : i32
                %broadcast_in_dim3A_490 = vector.broadcast %add3A_489 : i32 to vector<16xi32>
                %iota3A_491 = tpu.iota {dimensions = array<i32: 0>} : vector<16xi32>
                %gather3A_492 = tpu.vector_load_idx %arg23[%broadcast_in_dim3A_490, %iota3A_491] : memref<128x16xf32, #tpu.memory_space<vmem>>[vector<16xi32>, vector<16xi32>], vector<16xf32>,
                %lt3A_493 = arith.cmpf olt, %gather3A_492, %gather3A_427 : vector<16xf32>
                %convert_element_type3A_494 = arith.extui %lt3A_493 : vector<16xi1> to vector<16xi32>
                %add3A_495 = arith.addi %add3A_487, %convert_element_type3A_494 : vector<16xi32>
                scf.yield %add3A_495 : vector<16xi32>
              }
              %while3A_441 = arith.constant 1 : i32
              %while3A_442 = scf.for %while3A_463 = %while3A_438 to %while3A_434 step %while3A_441 iter_args(%while3A_464 = %while3A_440) -> (vector<16xi32>)  : i32 {
                %shift_left3A_465 = arith.constant 2 : i32
                %shift_left3A_466 = arith.shli %while3A_463, %shift_left3A_465 : i32
                %broadcast_in_dim3A_467 = vector.broadcast %shift_left3A_466 : i32 to vector<16xi32>
                %iota3A_468 = tpu.iota {dimensions = array<i32: 0>} : vector<16xi32>
                %gather3A_469 = tpu.vector_load_idx %arg23[%broadcast_in_dim3A_467, %iota3A_468] : memref<128x16xf32, #tpu.memory_space<vmem>>[vector<16xi32>, vector<16xi32>], vector<16xf32>,
                %lt3A = arith.cmpf olt, %gather3A_469, %gather3A_427 : vector<16xf32>
                %convert_element_type3A_470 = arith.extui %lt3A : vector<16xi1> to vector<16xi32>
                %add3A_471 = arith.addi %while3A_464, %convert_element_type3A_470 : vector<16xi32>
                %add3A_472 = arith.constant 1 : i32
                %add3A_473 = arith.addi %shift_left3A_466, %add3A_472 : i32
                %broadcast_in_dim3A_474 = vector.broadcast %add3A_473 : i32 to vector<16xi32>
                %iota3A_475 = tpu.iota {dimensions = array<i32: 0>} : vector<16xi32>
                %gather3A_476 = tpu.vector_load_idx %arg23[%broadcast_in_dim3A_474, %iota3A_475] : memref<128x16xf32, #tpu.memory_space<vmem>>[vector<16xi32>, vector<16xi32>], vector<16xf32>,
                %lt3A_477 = arith.cmpf olt, %gather3A_476, %gather3A_427 : vector<16xf32>
                %convert_element_type3A_478 = arith.extui %lt3A_477 : vector<16xi1> to vector<16xi32>
                %add3A_479 = arith.addi %add3A_471, %convert_element_type3A_478 : vector<16xi32>
                %add3A_480 = arith.constant 2 : i32
                %add3A_481 = arith.addi %shift_left3A_466, %add3A_480 : i32
                %broadcast_in_dim3A_482 = vector.broadcast %add3A_481 : i32 to vector<16xi32>
                %iota3A_483 = tpu.iota {dimensions = array<i32: 0>} : vector<16xi32>
                %gather3A_484 = tpu.vector_load_idx %arg23[%broadcast_in_dim3A_482, %iota3A_483] : memref<128x16xf32, #tpu.memory_space<vmem>>[vector<16xi32>, vector<16xi32>], vector<16xf32>,
                %lt3A_485 = arith.cmpf olt, %gather3A_484, %gather3A_427 : vector<16xf32>
                %convert_element_type3A_486 = arith.extui %lt3A_485 : vector<16xi1> to vector<16xi32>
                %add3A_487 = arith.addi %add3A_479, %convert_element_type3A_486 : vector<16xi32>
                %add3A_488 = arith.constant 3 : i32
                %add3A_489 = arith.addi %shift_left3A_466, %add3A_488 : i32
                %broadcast_in_dim3A_490 = vector.broadcast %add3A_489 : i32 to vector<16xi32>
                %iota3A_491 = tpu.iota {dimensions = array<i32: 0>} : vector<16xi32>
                %gather3A_492 = tpu.vector_load_idx %arg23[%broadcast_in_dim3A_490, %iota3A_491] : memref<128x16xf32, #tpu.memory_space<vmem>>[vector<16xi32>, vector<16xi32>], vector<16xf32>,
                %lt3A_493 = arith.cmpf olt, %gather3A_492, %gather3A_427 : vector<16xf32>
                %convert_element_type3A_494 = arith.extui %lt3A_493 : vector<16xi1> to vector<16xi32>
                %add3A_495 = arith.addi %add3A_487, %convert_element_type3A_494 : vector<16xi32>
                scf.yield %add3A_495 : vector<16xi32>
              }
              %shift_right_arithmetic3A_443 = arith.constant 2 : i32
              %shift_right_arithmetic3A_444 = arith.shrsi %min3A_305, %shift_right_arithmetic3A_443 : i32
              %shift_left3A_445 = arith.constant 2 : i32
              %shift_left3A_446 = arith.shli %shift_right_arithmetic3A_444, %shift_left3A_445 : i32
              %and3A = arith.constant 3 : i32
              %and3A_447 = arith.andi %min3A_305, %and3A : i32
              %while3A_448 = arith.constant 0 : i32
              %while3A_449 = arith.subi %and3A_447, %while3A_448 : i32
              %while3A_450 = arith.addi %while3A_448, %while3A_449 : i32
              %while3A_451 = arith.constant 1 : i32
              %while3A_452 = arith.divsi %while3A_449, %while3A_451 : i32
              %while3A_453 = arith.muli %while3A_452, %while3A_451 : i32
              %while3A_454 = arith.addi %while3A_448, %while3A_453 : i32
              %while3A_455 = arith.constant 1 : i32
              %while3A_456 = scf.for %while3A_463 = %while3A_448 to %while3A_454 step %while3A_455 iter_args(%while3A_464 = %while3A_442) -> (vector<16xi32>)  : i32 {
                %add3A_465 = arith.addi %shift_left3A_446, %while3A_463 : i32
                %broadcast_in_dim3A_466 = vector.broadcast %add3A_465 : i32 to vector<16xi32>
                %iota3A_467 = tpu.iota {dimensions = array<i32: 0>} : vector<16xi32>
                %gather3A_468 = tpu.vector_load_idx %arg23[%broadcast_in_dim3A_466, %iota3A_467] : memref<128x16xf32, #tpu.memory_space<vmem>>[vector<16xi32>, vector<16xi32>], vector<16xf32>,
                %lt3A = arith.cmpf olt, %gather3A_468, %gather3A_427 : vector<16xf32>
                %convert_element_type3A_469 = arith.extui %lt3A : vector<16xi1> to vector<16xi32>
                %add3A_470 = arith.addi %while3A_464, %convert_element_type3A_469 : vector<16xi32>
                scf.yield %add3A_470 : vector<16xi32>
              }
              %while3A_457 = arith.constant 1 : i32
              %while3A_458 = scf.for %while3A_463 = %while3A_454 to %while3A_450 step %while3A_457 iter_args(%while3A_464 = %while3A_456) -> (vector<16xi32>)  : i32 {
                %add3A_465 = arith.addi %shift_left3A_446, %while3A_463 : i32
                %broadcast_in_dim3A_466 = vector.broadcast %add3A_465 : i32 to vector<16xi32>
                %iota3A_467 = tpu.iota {dimensions = array<i32: 0>} : vector<16xi32>
                %gather3A_468 = tpu.vector_load_idx %arg23[%broadcast_in_dim3A_466, %iota3A_467] : memref<128x16xf32, #tpu.memory_space<vmem>>[vector<16xi32>, vector<16xi32>], vector<16xf32>,
                %lt3A = arith.cmpf olt, %gather3A_468, %gather3A_427 : vector<16xf32>
                %convert_element_type3A_469 = arith.extui %lt3A : vector<16xi1> to vector<16xi32>
                %add3A_470 = arith.addi %while3A_464, %convert_element_type3A_469 : vector<16xi32>
                scf.yield %add3A_470 : vector<16xi32>
              }
              %broadcast_in_dim3A_459 = vector.broadcast %while3A_424 : i32 to vector<16xi32>
              %gather3A_460 = tpu.vector_load_idx %arg24[%broadcast_in_dim3A_459, %iota3A] : memref<128x16xi32, #tpu.memory_space<vmem>>[vector<16xi32>, vector<16xi32>], vector<16xi32>,
              %broadcast_in_dim3A_461 = vector.broadcast %while3A_424 : i32 to vector<16xi32>
              %add3A_462 = arith.addi %gather3A_460, %while3A_458 : vector<16xi32>
              tpu.vector_store_idx %arg24[%broadcast_in_dim3A_461, %iota3A], %add3A_462 : memref<128x16xi32, #tpu.memory_space<vmem>>[vector<16xi32>, vector<16xi32>], vector<16xi32>,
            }
            %while3A_422 = arith.constant 1 : i32
            scf.for %while3A_424 = %while3A_420 to %while3A_416 step %while3A_422  : i32 {
              %broadcast_in_dim3A_425 = vector.broadcast %while3A_424 : i32 to vector<16xi32>
              %iota3A_426 = tpu.iota {dimensions = array<i32: 0>} : vector<16xi32>
              %gather3A_427 = tpu.vector_load_idx %arg17[%broadcast_in_dim3A_425, %iota3A_426] : memref<128x16xf32, #tpu.memory_space<vmem>>[vector<16xi32>, vector<16xi32>], vector<16xf32>,
              %broadcast_in_dim3A_428 = arith.constant 0 : i32
              %broadcast_in_dim3A_429 = vector.broadcast %broadcast_in_dim3A_428 : i32 to vector<16xi32>
              %shift_right_arithmetic3A_430 = arith.constant 2 : i32
              %shift_right_arithmetic3A_431 = arith.shrsi %min3A_305, %shift_right_arithmetic3A_430 : i32
              %while3A_432 = arith.constant 0 : i32
              %while3A_433 = arith.subi %shift_right_arithmetic3A_431, %while3A_432 : i32
              %while3A_434 = arith.addi %while3A_432, %while3A_433 : i32
              %while3A_435 = arith.constant 1 : i32
              %while3A_436 = arith.divsi %while3A_433, %while3A_435 : i32
              %while3A_437 = arith.muli %while3A_436, %while3A_435 : i32
              %while3A_438 = arith.addi %while3A_432, %while3A_437 : i32
              %while3A_439 = arith.constant 1 : i32
              %while3A_440 = scf.for %while3A_463 = %while3A_432 to %while3A_438 step %while3A_439 iter_args(%while3A_464 = %broadcast_in_dim3A_429) -> (vector<16xi32>)  : i32 {
                %shift_left3A_465 = arith.constant 2 : i32
                %shift_left3A_466 = arith.shli %while3A_463, %shift_left3A_465 : i32
                %broadcast_in_dim3A_467 = vector.broadcast %shift_left3A_466 : i32 to vector<16xi32>
                %iota3A_468 = tpu.iota {dimensions = array<i32: 0>} : vector<16xi32>
                %gather3A_469 = tpu.vector_load_idx %arg23[%broadcast_in_dim3A_467, %iota3A_468] : memref<128x16xf32, #tpu.memory_space<vmem>>[vector<16xi32>, vector<16xi32>], vector<16xf32>,
                %lt3A = arith.cmpf olt, %gather3A_469, %gather3A_427 : vector<16xf32>
                %convert_element_type3A_470 = arith.extui %lt3A : vector<16xi1> to vector<16xi32>
                %add3A_471 = arith.addi %while3A_464, %convert_element_type3A_470 : vector<16xi32>
                %add3A_472 = arith.constant 1 : i32
                %add3A_473 = arith.addi %shift_left3A_466, %add3A_472 : i32
                %broadcast_in_dim3A_474 = vector.broadcast %add3A_473 : i32 to vector<16xi32>
                %iota3A_475 = tpu.iota {dimensions = array<i32: 0>} : vector<16xi32>
                %gather3A_476 = tpu.vector_load_idx %arg23[%broadcast_in_dim3A_474, %iota3A_475] : memref<128x16xf32, #tpu.memory_space<vmem>>[vector<16xi32>, vector<16xi32>], vector<16xf32>,
                %lt3A_477 = arith.cmpf olt, %gather3A_476, %gather3A_427 : vector<16xf32>
                %convert_element_type3A_478 = arith.extui %lt3A_477 : vector<16xi1> to vector<16xi32>
                %add3A_479 = arith.addi %add3A_471, %convert_element_type3A_478 : vector<16xi32>
                %add3A_480 = arith.constant 2 : i32
                %add3A_481 = arith.addi %shift_left3A_466, %add3A_480 : i32
                %broadcast_in_dim3A_482 = vector.broadcast %add3A_481 : i32 to vector<16xi32>
                %iota3A_483 = tpu.iota {dimensions = array<i32: 0>} : vector<16xi32>
                %gather3A_484 = tpu.vector_load_idx %arg23[%broadcast_in_dim3A_482, %iota3A_483] : memref<128x16xf32, #tpu.memory_space<vmem>>[vector<16xi32>, vector<16xi32>], vector<16xf32>,
                %lt3A_485 = arith.cmpf olt, %gather3A_484, %gather3A_427 : vector<16xf32>
                %convert_element_type3A_486 = arith.extui %lt3A_485 : vector<16xi1> to vector<16xi32>
                %add3A_487 = arith.addi %add3A_479, %convert_element_type3A_486 : vector<16xi32>
                %add3A_488 = arith.constant 3 : i32
                %add3A_489 = arith.addi %shift_left3A_466, %add3A_488 : i32
                %broadcast_in_dim3A_490 = vector.broadcast %add3A_489 : i32 to vector<16xi32>
                %iota3A_491 = tpu.iota {dimensions = array<i32: 0>} : vector<16xi32>
                %gather3A_492 = tpu.vector_load_idx %arg23[%broadcast_in_dim3A_490, %iota3A_491] : memref<128x16xf32, #tpu.memory_space<vmem>>[vector<16xi32>, vector<16xi32>], vector<16xf32>,
                %lt3A_493 = arith.cmpf olt, %gather3A_492, %gather3A_427 : vector<16xf32>
                %convert_element_type3A_494 = arith.extui %lt3A_493 : vector<16xi1> to vector<16xi32>
                %add3A_495 = arith.addi %add3A_487, %convert_element_type3A_494 : vector<16xi32>
                scf.yield %add3A_495 : vector<16xi32>
              }
              %while3A_441 = arith.constant 1 : i32
              %while3A_442 = scf.for %while3A_463 = %while3A_438 to %while3A_434 step %while3A_441 iter_args(%while3A_464 = %while3A_440) -> (vector<16xi32>)  : i32 {
                %shift_left3A_465 = arith.constant 2 : i32
                %shift_left3A_466 = arith.shli %while3A_463, %shift_left3A_465 : i32
                %broadcast_in_dim3A_467 = vector.broadcast %shift_left3A_466 : i32 to vector<16xi32>
                %iota3A_468 = tpu.iota {dimensions = array<i32: 0>} : vector<16xi32>
                %gather3A_469 = tpu.vector_load_idx %arg23[%broadcast_in_dim3A_467, %iota3A_468] : memref<128x16xf32, #tpu.memory_space<vmem>>[vector<16xi32>, vector<16xi32>], vector<16xf32>,
                %lt3A = arith.cmpf olt, %gather3A_469, %gather3A_427 : vector<16xf32>
                %convert_element_type3A_470 = arith.extui %lt3A : vector<16xi1> to vector<16xi32>
                %add3A_471 = arith.addi %while3A_464, %convert_element_type3A_470 : vector<16xi32>
                %add3A_472 = arith.constant 1 : i32
                %add3A_473 = arith.addi %shift_left3A_466, %add3A_472 : i32
                %broadcast_in_dim3A_474 = vector.broadcast %add3A_473 : i32 to vector<16xi32>
                %iota3A_475 = tpu.iota {dimensions = array<i32: 0>} : vector<16xi32>
                %gather3A_476 = tpu.vector_load_idx %arg23[%broadcast_in_dim3A_474, %iota3A_475] : memref<128x16xf32, #tpu.memory_space<vmem>>[vector<16xi32>, vector<16xi32>], vector<16xf32>,
                %lt3A_477 = arith.cmpf olt, %gather3A_476, %gather3A_427 : vector<16xf32>
                %convert_element_type3A_478 = arith.extui %lt3A_477 : vector<16xi1> to vector<16xi32>
                %add3A_479 = arith.addi %add3A_471, %convert_element_type3A_478 : vector<16xi32>
                %add3A_480 = arith.constant 2 : i32
                %add3A_481 = arith.addi %shift_left3A_466, %add3A_480 : i32
                %broadcast_in_dim3A_482 = vector.broadcast %add3A_481 : i32 to vector<16xi32>
                %iota3A_483 = tpu.iota {dimensions = array<i32: 0>} : vector<16xi32>
                %gather3A_484 = tpu.vector_load_idx %arg23[%broadcast_in_dim3A_482, %iota3A_483] : memref<128x16xf32, #tpu.memory_space<vmem>>[vector<16xi32>, vector<16xi32>], vector<16xf32>,
                %lt3A_485 = arith.cmpf olt, %gather3A_484, %gather3A_427 : vector<16xf32>
                %convert_element_type3A_486 = arith.extui %lt3A_485 : vector<16xi1> to vector<16xi32>
                %add3A_487 = arith.addi %add3A_479, %convert_element_type3A_486 : vector<16xi32>
                %add3A_488 = arith.constant 3 : i32
                %add3A_489 = arith.addi %shift_left3A_466, %add3A_488 : i32
                %broadcast_in_dim3A_490 = vector.broadcast %add3A_489 : i32 to vector<16xi32>
                %iota3A_491 = tpu.iota {dimensions = array<i32: 0>} : vector<16xi32>
                %gather3A_492 = tpu.vector_load_idx %arg23[%broadcast_in_dim3A_490, %iota3A_491] : memref<128x16xf32, #tpu.memory_space<vmem>>[vector<16xi32>, vector<16xi32>], vector<16xf32>,
                %lt3A_493 = arith.cmpf olt, %gather3A_492, %gather3A_427 : vector<16xf32>
                %convert_element_type3A_494 = arith.extui %lt3A_493 : vector<16xi1> to vector<16xi32>
                %add3A_495 = arith.addi %add3A_487, %convert_element_type3A_494 : vector<16xi32>
                scf.yield %add3A_495 : vector<16xi32>
              }
              %shift_right_arithmetic3A_443 = arith.constant 2 : i32
              %shift_right_arithmetic3A_444 = arith.shrsi %min3A_305, %shift_right_arithmetic3A_443 : i32
              %shift_left3A_445 = arith.constant 2 : i32
              %shift_left3A_446 = arith.shli %shift_right_arithmetic3A_444, %shift_left3A_445 : i32
              %and3A = arith.constant 3 : i32
              %and3A_447 = arith.andi %min3A_305, %and3A : i32
              %while3A_448 = arith.constant 0 : i32
              %while3A_449 = arith.subi %and3A_447, %while3A_448 : i32
              %while3A_450 = arith.addi %while3A_448, %while3A_449 : i32
              %while3A_451 = arith.constant 1 : i32
              %while3A_452 = arith.divsi %while3A_449, %while3A_451 : i32
              %while3A_453 = arith.muli %while3A_452, %while3A_451 : i32
              %while3A_454 = arith.addi %while3A_448, %while3A_453 : i32
              %while3A_455 = arith.constant 1 : i32
              %while3A_456 = scf.for %while3A_463 = %while3A_448 to %while3A_454 step %while3A_455 iter_args(%while3A_464 = %while3A_442) -> (vector<16xi32>)  : i32 {
                %add3A_465 = arith.addi %shift_left3A_446, %while3A_463 : i32
                %broadcast_in_dim3A_466 = vector.broadcast %add3A_465 : i32 to vector<16xi32>
                %iota3A_467 = tpu.iota {dimensions = array<i32: 0>} : vector<16xi32>
                %gather3A_468 = tpu.vector_load_idx %arg23[%broadcast_in_dim3A_466, %iota3A_467] : memref<128x16xf32, #tpu.memory_space<vmem>>[vector<16xi32>, vector<16xi32>], vector<16xf32>,
                %lt3A = arith.cmpf olt, %gather3A_468, %gather3A_427 : vector<16xf32>
                %convert_element_type3A_469 = arith.extui %lt3A : vector<16xi1> to vector<16xi32>
                %add3A_470 = arith.addi %while3A_464, %convert_element_type3A_469 : vector<16xi32>
                scf.yield %add3A_470 : vector<16xi32>
              }
              %while3A_457 = arith.constant 1 : i32
              %while3A_458 = scf.for %while3A_463 = %while3A_454 to %while3A_450 step %while3A_457 iter_args(%while3A_464 = %while3A_456) -> (vector<16xi32>)  : i32 {
                %add3A_465 = arith.addi %shift_left3A_446, %while3A_463 : i32
                %broadcast_in_dim3A_466 = vector.broadcast %add3A_465 : i32 to vector<16xi32>
                %iota3A_467 = tpu.iota {dimensions = array<i32: 0>} : vector<16xi32>
                %gather3A_468 = tpu.vector_load_idx %arg23[%broadcast_in_dim3A_466, %iota3A_467] : memref<128x16xf32, #tpu.memory_space<vmem>>[vector<16xi32>, vector<16xi32>], vector<16xf32>,
                %lt3A = arith.cmpf olt, %gather3A_468, %gather3A_427 : vector<16xf32>
                %convert_element_type3A_469 = arith.extui %lt3A : vector<16xi1> to vector<16xi32>
                %add3A_470 = arith.addi %while3A_464, %convert_element_type3A_469 : vector<16xi32>
                scf.yield %add3A_470 : vector<16xi32>
              }
              %broadcast_in_dim3A_459 = vector.broadcast %while3A_424 : i32 to vector<16xi32>
              %gather3A_460 = tpu.vector_load_idx %arg24[%broadcast_in_dim3A_459, %iota3A] : memref<128x16xi32, #tpu.memory_space<vmem>>[vector<16xi32>, vector<16xi32>], vector<16xi32>,
              %broadcast_in_dim3A_461 = vector.broadcast %while3A_424 : i32 to vector<16xi32>
              %add3A_462 = arith.addi %gather3A_460, %while3A_458 : vector<16xi32>
              tpu.vector_store_idx %arg24[%broadcast_in_dim3A_461, %iota3A], %add3A_462 : memref<128x16xi32, #tpu.memory_space<vmem>>[vector<16xi32>, vector<16xi32>], vector<16xi32>,
            }
            %while3A_423 = arith.constant 0 : i32
            scf.yield %while3A_423 : i32
          }
          %while3A_284 = arith.constant 0 : i32
          %while3A_285 = arith.subi %min3A_154, %while3A_284 : i32
          %while3A_286 = arith.addi %while3A_284, %while3A_285 : i32
          %while3A_287 = arith.constant 1 : i32
          %while3A_288 = arith.divsi %while3A_285, %while3A_287 : i32
          %while3A_289 = arith.muli %while3A_288, %while3A_287 : i32
          %while3A_290 = arith.addi %while3A_284, %while3A_289 : i32
          %while3A_291 = arith.constant 1 : i32
          %while3A_292 = scf.for %while3A_299 = %while3A_284 to %while3A_290 step %while3A_291 iter_args(%while3A_300 = %broadcast_in_dim3A_3) -> (vector<16xf32>)  : i32 {
            %broadcast_in_dim3A_301 = vector.broadcast %while3A_299 : i32 to vector<16xi32>
            %iota3A_302 = tpu.iota {dimensions = array<i32: 0>} : vector<16xi32>
            %gather3A_303 = tpu.vector_load_idx %arg17[%broadcast_in_dim3A_301, %iota3A_302] : memref<128x16xf32, #tpu.memory_space<vmem>>[vector<16xi32>, vector<16xi32>], vector<16xf32>,
            %broadcast_in_dim3A_304 = vector.broadcast %while3A_299 : i32 to vector<16xi32>
            %gather3A_305 = tpu.vector_load_idx %arg24[%broadcast_in_dim3A_304, %iota3A] : memref<128x16xi32, #tpu.memory_space<vmem>>[vector<16xi32>, vector<16xi32>], vector<16xi32>,
            %le3A_306 = arith.cmpi sle, %gather3A_305, %shift_right_arithmetic3A_124 : vector<16xi32>
            %jit3A = arith.constant 0xFF800000 : f32
            %broadcast_in_dim3A_307 = vector.broadcast %jit3A : f32 to vector<16xf32>
            %select_n3A = arith.select %le3A_306, %gather3A_303, %broadcast_in_dim3A_307 : vector<16xi1>, vector<16xf32>
            %max3A_308 = arith.maximumf %while3A_300, %select_n3A : vector<16xf32>
            scf.yield %max3A_308 : vector<16xf32>
          }
          %while3A_293 = arith.constant 1 : i32
          %while3A_294 = scf.for %while3A_299 = %while3A_290 to %while3A_286 step %while3A_293 iter_args(%while3A_300 = %while3A_292) -> (vector<16xf32>)  : i32 {
            %broadcast_in_dim3A_301 = vector.broadcast %while3A_299 : i32 to vector<16xi32>
            %iota3A_302 = tpu.iota {dimensions = array<i32: 0>} : vector<16xi32>
            %gather3A_303 = tpu.vector_load_idx %arg17[%broadcast_in_dim3A_301, %iota3A_302] : memref<128x16xf32, #tpu.memory_space<vmem>>[vector<16xi32>, vector<16xi32>], vector<16xf32>,
            %broadcast_in_dim3A_304 = vector.broadcast %while3A_299 : i32 to vector<16xi32>
            %gather3A_305 = tpu.vector_load_idx %arg24[%broadcast_in_dim3A_304, %iota3A] : memref<128x16xi32, #tpu.memory_space<vmem>>[vector<16xi32>, vector<16xi32>], vector<16xi32>,
            %le3A_306 = arith.cmpi sle, %gather3A_305, %shift_right_arithmetic3A_124 : vector<16xi32>
            %jit3A = arith.constant 0xFF800000 : f32
            %broadcast_in_dim3A_307 = vector.broadcast %jit3A : f32 to vector<16xf32>
            %select_n3A = arith.select %le3A_306, %gather3A_303, %broadcast_in_dim3A_307 : vector<16xi1>, vector<16xf32>
            %max3A_308 = arith.maximumf %while3A_300, %select_n3A : vector<16xf32>
            scf.yield %max3A_308 : vector<16xf32>
          }
          %broadcast_in_dim3A_295 = vector.broadcast %scan3A_10 : i32 to vector<16xi32>
          %gather3A_296 = tpu.vector_load_idx %arg25[%broadcast_in_dim3A_295, %iota3A] : memref<320x16xf32, #tpu.memory_space<vmem>>[vector<16xi32>, vector<16xi32>], vector<16xf32>,
          %broadcast_in_dim3A_297 = vector.broadcast %scan3A_10 : i32 to vector<16xi32>
          %max3A = arith.maximumf %gather3A_296, %while3A_294 : vector<16xf32>
          tpu.vector_store_idx %arg25[%broadcast_in_dim3A_297, %iota3A], %max3A : memref<320x16xf32, #tpu.memory_space<vmem>>[vector<16xi32>, vector<16xi32>], vector<16xf32>,
          %while3A_298 = arith.constant 0 : i32
          scf.yield %while3A_298 : i32
        }
      } else {
      }
      %scan3A_131 = arith.constant 0 : i32
      scf.yield %scan3A_131 : i32
    }
    %scan3A_9 = arith.constant 320 : i32
    "tpu.region"() ({
      %run_scoped3A = tpu.sem_alloc : memref<!tpu.dma_semaphore, #tpu.memory_space<semaphore_mem>>
      %dma_start3A = arith.constant 0 : i32
      %dma_start3A_10 = tpu.memref_slice %arg6[%mul3A_2, %dma_start3A] : memref<10240x16xf32, #tpu.memory_space<hbm>> -> memref<320x16xf32, #tpu.memory_space<hbm>>
      %dma_start3A_11 = arith.constant 0 : i32
      %dma_start3A_12 = tpu.memref_slice %arg6[%mul3A_2, %dma_start3A_11] : memref<10240x16xf32, #tpu.memory_space<hbm>> -> memref<320x16xf32, #tpu.memory_space<hbm>>
      tpu.enqueue_dma source(%arg25 : memref<320x16xf32, #tpu.memory_space<vmem>>) target(%dma_start3A_12 : memref<320x16xf32, #tpu.memory_space<hbm>>) target_semaphore(%run_scoped3A : memref<!tpu.dma_semaphore, #tpu.memory_space<semaphore_mem>>)
      %dma_wait3A = arith.constant 0 : i32
      %dma_wait3A_13 = tpu.memref_slice %arg6[%mul3A_2, %dma_wait3A] : memref<10240x16xf32, #tpu.memory_space<hbm>> -> memref<320x16xf32, #tpu.memory_space<hbm>>
      %dma_wait3A_14 = arith.constant 0 : i32
      %dma_wait3A_15 = tpu.memref_slice %arg6[%mul3A_2, %dma_wait3A_14] : memref<10240x16xf32, #tpu.memory_space<hbm>> -> memref<320x16xf32, #tpu.memory_space<hbm>>
      tpu.wait_dma2 semaphore(%run_scoped3A : memref<!tpu.dma_semaphore, #tpu.memory_space<semaphore_mem>>) src(%arg25 : memref<320x16xf32, #tpu.memory_space<vmem>>) dst(%dma_wait3A_15 : memref<320x16xf32, #tpu.memory_space<hbm>>)
      tpu.yield
    }) : () -> ()
    return
  }
}

</mosaic_0001>

<sc_bundles>
// kernel: _sc_median.3.cloned.1.call-start
scs
__scs_entry_jumppad:
0x0: {  	(pc) =	sbr.rel $0x88, $3  }
0x1: {  	(tag) =	ssettag $0x0;
	lr =	simm.s32 $0x1  }
0x2: {  	[smem:$0x3F9D] =	sst lr;
	_ =	strace $0xD0000000  }
0x3: {  	_ = 	snop  }
0x4: {  	_ = 	snop  }
0x5: {  	_ = 	snop  }
0x6: {  	_ = 	snop  }
0x7: {  	_ = 	snop  }
__scs_overlays_trampoline_lowered:
0x8: {  	[smem:$0x3FAC] =	sst s0  }
0x9: {  	[smem:$0x3FAD] =	sst s1  }
0xa: {  	[smem:$0x3FAE] =	sst s2  }
0xb: {  	[smem:$0x3FAF] =	sst s3  }
0xc: {  	[smem:$0x3FB0] =	sst s4  }
0xd: {  	[smem:$0x3FB1] =	sst s5  }
0xe: {  	[smem:$0x3FB2] =	sst s6  }
0xf: {  	[smem:$0x3FB3] =	sst s7  }
0x10: {  	[smem:$0x3FB4] =	sst s8  }
0x11: {  	[smem:$0x3FB5] =	sst s9;
	s0 =	simm.s32 @!p0 $0x0  }
0x12: {  	s1 =	sld [smem:$0x3F9B];
	s0 =	simm.s32 @p0 $0x1  }
0x13: {  	[smem:$0x3FB6] =	sst s0;
	s0 =	simm.s32 @!p1 $0x0  }
0x14: {  	s2 =	sld [smem:$0x3F9A];
	s0 =	simm.s32 @p1 $0x1  }
0x15: {  	[smem:$0x3FB7] =	sst s0;
	s0 =	simm.s32 @!p2 $0x0  }
0x16: {  	s3 =	sld [smem:$0x3FDB];
	s0 =	simm.s32 @p2 $0x1  }
0x17: {  	s4 =	simm.s32 $0x1BF5;
	[smem:$0x3FB9] =	sst s0  }
0x18: {  	s0 =	sld [smem:$0x3F9C];
	_ =	swait.ge [sflag:s4], $0x0  }
0x19: {  	s7 =	sld [smem:$0x3F9D]  }
0x1a: {  	s8 =	sadd.s32 $0xFFFFE003, lr  }
0x1b: {  	s9 =	sadd.s32 $0xFFFFFEF7, lr;
	s5 =	simm.s32 $0xFFFFFFFF;
	p2 =	slt.u32 s8, $0xFFFFF086  }
0x1c: {  	p1 =	slt.u32 s9, $0xF7A;
	s5 =	simm.s32 @!p2 $0x0  }
0x1d: {  	s5 =	simm.s32 @p1 $0x1;
	p0 =	seq.s32 s7, s2  }
0x1e: {  	s7 =	smul.u32 @!p0 $0xF7A, s2;
	p2 =	seq.s32 @!p0 s5, $0x0  }
0x1f: {  	s9 =	smul.u32 $0xF7A, s1;
	s8 =	simm.s32 @!p0 $0x1BF5;
	p2 =	por !p2, p0  }
0x20: {  	[sflag:s8] =	ssyncset.s32 @!p0 $0xFFFFF086;
	s6 =	sadd.s32 @!p0 s3, s7;
	s7 =	simm.s32 @!p0 $0x108  }
0x21: {  	s3 =	sadd.s32 s3, s9;
	s6 =	sadd.s32 @!p0 $0x88, s6;
	s7 =	simm.s32 @p2 $0x1082  }
0x22: {  	[simem:s7], [sflag:s8] =	dma.local @!p0 [hbm:s6], $0xF7A  }
0x23: {  	s9 =	sor.u32 $0xD0000000, s2;
	s6 =	simm.s32 $0x108;
	_ =	swait.ge @!p0 [sflag:s8], $0x0  }
0x24: {  	s3 =	sadd.s32 $0x88, s3;
	s6 =	simm.s32 @!p1 $0x1082;
	[sflag:s4] =	ssyncset.s32 $0xFFFFF086  }
0x25: {  	[simem:s6], [sflag:s4] =	dma.local [hbm:s3], $0xF7A  }
0x26: {  	[smem:$0x3F9D] =	sst s1;
	(tag) =	ssettag s2;
	_ =	strace s9  }
0x27: {  	s1 =	sld [smem:$0x3FAD]  }
0x28: {  	s2 =	sld [smem:$0x3FAE]  }
0x29: {  	s4 =	sld [smem:$0x3FB0]  }
0x2a: {  	p0 =	seq.s32 s5, $0x0;
	s5 =	sld [smem:$0x3FB1]  }
0x2b: {  	s6 =	sld [smem:$0x3FB2]  }
0x2c: {  	s7 =	sld [smem:$0x3FB3]  }
0x2d: {  	s3 =	simm.s32 $0x108;
	s8 =	sld [smem:$0x3FB4]  }
0x2e: {  	s3 =	simm.s32 @!p0 $0x1082;
	s9 =	sld [smem:$0x3FB5]  }
0x2f: {  	lr =	sadd.s32 s0, s3;
	s0 =	sld [smem:$0x3FAC]  }
0x30: {  	s3 =	sld [smem:$0x3FAF]  }
0x31: {  	[smem:$0x3FB8] =	sst s10  }
0x32: {  	s10 =	sld [smem:$0x3FB6];
	_ =	sdelay $0x3  }
0x33: {  	p0 =	seq.s32 s10, $0x1;
	s10 =	sld [smem:$0x3FB8];
	_ =	sdelay $0x3  }
0x34: {  	[smem:$0x3FB8] =	sst s10  }
0x35: {  	s10 =	sld [smem:$0x3FB7];
	_ =	sdelay $0x3  }
0x36: {  	p1 =	seq.s32 s10, $0x1;
	s10 =	sld [smem:$0x3FB8];
	_ =	sdelay $0x3  }
0x37: {  	[smem:$0x3FB8] =	sst s10  }
0x38: {  	s10 =	sld [smem:$0x3FB9]  }
0x39: {  	_ = 	snop;
	(pc) =	sbr.ind lr, $3  }
0x3a: {  	_ = 	snop  }
0x3b: {  	_ = 	snop  }
0x3c: {  	p2 =	seq.s32 s10, $0x1;
	s10 =	sld [smem:$0x3FB8]  }
0x3d: {  	_ =	shalt  }
0x3e: {  	_ =	shalt  }
0x3f: {  	_ =	shalt  }
0x40: {  	_ =	shalt  }
0x41: {  	_ =	shalt  }
0x42: {  	_ =	shalt  }
0x43: {  	_ =	shalt  }
0x44: {  	_ =	shalt  }
0x45: {  	_ =	shalt  }
0x46: {  	_ =	shalt  }
0x47: {  	_ =	shalt  }
0x48: {  	_ =	shalt  }
0x49: {  	_ =	shalt  }
0x4a: {  	_ =	shalt  }
0x4b: {  	_ =	shalt  }
0x4c: {  	_ =	shalt  }
0x4d: {  	_ =	shalt  }
0x4e: {  	_ =	shalt  }
0x4f: {  	_ =	shalt  }
0x50: {  	_ =	shalt  }
0x51: {  	_ =	shalt  }
0x52: {  	_ =	shalt  }
0x53: {  	_ =	shalt  }
0x54: {  	_ =	shalt  }
0x55: {  	_ =	shalt  }
0x56: {  	_ =	shalt  }
0x57: {  	_ =	shalt  }
0x58: {  	_ =	shalt  }
0x59: {  	_ =	shalt  }
0x5a: {  	_ =	shalt  }
0x5b: {  	_ =	shalt  }
0x5c: {  	_ =	shalt  }
0x5d: {  	_ =	shalt  }
0x5e: {  	_ =	shalt  }
0x5f: {  	_ =	shalt  }
0x60: {  	_ =	shalt  }
0x61: {  	_ =	shalt  }
0x62: {  	_ =	shalt  }
0x63: {  	_ =	shalt  }
0x64: {  	_ =	shalt  }
0x65: {  	_ =	shalt  }
0x66: {  	_ =	shalt  }
0x67: {  	_ =	shalt  }
0x68: {  	_ =	shalt  }
0x69: {  	_ =	shalt  }
0x6a: {  	_ =	shalt  }
0x6b: {  	_ =	shalt  }
0x6c: {  	_ =	shalt  }
0x6d: {  	_ =	shalt  }
0x6e: {  	_ =	shalt  }
0x6f: {  	_ =	shalt  }
0x70: {  	_ =	shalt  }
0x71: {  	_ =	shalt  }
0x72: {  	_ =	shalt  }
0x73: {  	_ =	shalt  }
0x74: {  	_ =	shalt  }
0x75: {  	_ =	shalt  }
0x76: {  	_ =	shalt  }
0x77: {  	_ =	shalt  }
0x78: {  	_ =	shalt  }
0x79: {  	_ =	shalt  }
0x7a: {  	_ =	shalt  }
0x7b: {  	_ =	shalt  }
0x7c: {  	_ =	shalt  }
0x7d: {  	_ =	shalt  }
0x7e: {  	_ =	shalt  }
0x7f: {  	_ =	shalt  }
0x80: {  	_ =	shalt  }
0x81: {  	_ =	shalt  }
0x82: {  	_ =	shalt  }
0x83: {  	_ =	shalt  }
0x84: {  	_ =	shalt  }
0x85: {  	_ =	shalt  }
0x86: {  	_ =	shalt  }
0x87: {  	_ =	shalt  }
.Lfunc_end0:
.L_simem_size_0:
called_computation_lowered:
.L_overlay_start_0:
0x88: {  	s2 =	sld [smem:$0x3FD9]  }
0x89: {  	s3 =	sld [smem:$0x3FFE];
	_ =	sdelay $0x1  }
0x8a: {  	s1 =	srdreg.scid  }
0x8b: {  	s0 =	sand.u32 $0x1, s1  }
0x8c: {  	s17 =	sshll.u32 s0, $0xA;
	s2 =	sadd.s32 s3, s2  }
0x8d: {  	s2 =	sadd.s32 s2, s17  }
0x8e: {  	[smem:$0x3FC4] =	sst s2  }
0x8f: {  	_ = 	snop  }
0x90: {  	s2 =	sld [smem:$0x3FC8]  }
0x91: {  	s18 =	sld [smem:$0x3FC7]  }
0x92: {  	s4 =	sld [smem:$0x3FC6]  }
0x93: {  	s5 =	sld [smem:$0x3FD0];
	(tm) =	ssettm $0x1  }
0x94: {  	s6 =	sld [smem:$0x3FFB];
	_ =	sdelay $0x3  }
0x95: {  	_ =	strace s6  }
0x96: {  	s6 =	sld [smem:$0x3FFC];
	_ =	sdelay $0x3  }
0x97: {  	_ =	strace s6  }
0x98: {  	s6 =	sld [smem:$0x3FFD];
	_ =	sdelay $0x3  }
0x99: {  	_ =	strace s6  }
0x9a: {  	_ =	strace $0x8FFFFFFF  }
0x9b: {  	s19 =	sld [smem:$0x3FDB];
	_ =	sdelay $0x1  }
0x9c: {  	s7 =	simm.s32 $_scs_section_size  }
0x9d: {  	s8 =	simm.s32 $_size__tile_overlayer_lowered;
	s9 =	simm.s32 $_tile_overlayer_lowered  }
0x9e: {  	s22 =	simm.s32 $0x1BFF;
	s21 =	sshll.u32 s9, $0x1;
	s6 =	sadd.s32 s7, s19  }
0x9f: {  	s10 =	simm.s32 $0x0;
	s20 =	sshll.u32 s8, $0x1;
	s8 =	sadd.s32 s21, s6  }
0xa0: {  	[timem:s10], [sflag:s22] =	dma.local [hbm:s8], s20  }
0xa1: {  	_ =	swait.ge [sflag:s22], s20  }
0xa2: {  	s7 =	ssub.s32 $0x0, s20;
	[sflag:s22] =	ssyncset.done $0x0  }
0xa3: {  	[sflag:s22] =	ssyncadd.s32 s7;
	_ =	sdelay $0x1  }
0xa4: {  	s23 =	simm.s32 $0x1B8B  }
0xa5: {  	_ =	swait.ge [sflag:s23], $0x1  }
0xa6: {  	[sflag:s23] =	ssyncset.done $0x0  }
0xa7: {  	s25 =	simm.s32 $0x1B8E;
	s24 =	sld [smem:$0x3FFE];
	[sflag:s23] =	ssyncadd.s32 $0xFFFFFFFF  }
0xa8: {  	s26 =	simm.s32 $execute0_lowered;
	[smem:$0x3FD2] =	sst s25  }
0xa9: {  	s8 =	sshll.u32 s26, $0x1;
	_ =	strace $0x80000046;
	[dreg:$0x1] =	wrdreg $0xFFFFFFFF  }
0xaa: {  	s28 =	simm.s32 $_size_execute0_lowered;
	s6 =	sadd.s32 s6, s8;
	[dreg:$0x0] =	wrdreg $0x0  }
0xab: {  	s8 =	sshll.u32 s28, $0x1;
	[dreg:$0x2] =	wrdreg s6  }
0xac: {  	[dreg:$0x3] =	wrdreg s8  }
0xad: {  	[dreg:$0x4] =	wrdreg $0xC0  }
0xae: {  	_ =	task [dreg:s10], $0x5FFFF  }
0xaf: {  	[dreg:$0x1] =	wrdreg $0xFFFFFFFF  }
0xb0: {  	[dreg:$0x0] =	wrdreg $0x60  }
0xb1: {  	[dreg:$0x2] =	wrdreg s24  }
0xb2: {  	[dreg:$0x3] =	wrdreg s2  }
0xb3: {  	[dreg:$0x4] =	wrdreg s18  }
0xb4: {  	[dreg:$0x5] =	wrdreg s4  }
0xb5: {  	[dreg:$0x6] =	wrdreg s5  }
0xb6: {  	[dreg:$0x7] =	wrdreg $0x9  }
0xb7: {  	_ =	task.clear_ibuf [dreg:s10], $0x8FFFF;
	_ =	strace $0x90000046  }
0xb8: {  	s29 =	simm.s32 $0x9;
	_ =	strace $0x80000048  }
0xb9: {  	_ =	swait.ge [sflag:s29], $0x1  }
0xba: {  	[sflag:s29] =	ssyncadd.s32 $0xFFFFFFFF  }
0xbb: {  	_ =	strace $0x90000048  }
0xbc: {  	_ =	sfence  }
0xbd: {  	s30 =	sld [smem:$0x0];
	_ =	sdelay $0x2  }
0xbe: {  	s31 =	sshll.u32 s1, $0xD;
	s1 =	sshrl.u32 s1, $0x2  }
0xbf: {  	s3 =	sand.u32 $0x4000, s31;
	s1 =	sadd.s32 s1, s30  }
0xc0: {  	s0 =	sor.u32 s3, s0;
	s1 =	sshll.u32 s1, $0x11  }
0xc1: {  	s0 =	sor.u32 s1, s0  }
0xc2: {  	s0 =	sadd.s32 $0x8F2B, s0  }
0xc3: {  	[sflag:s0] =	ssyncadd.remote.s32 $0x1  }
0xc4: {  	_ =	sfence.sel $0xFFFF  }
0xc5: {  	[dreg:$0x0] =	wrdreg $0xFFFFFFFF;
	(pc) =	sbr.abs _section_cstart, $3  }
0xc6: {  	[dreg:$0x1] =	wrdreg $0xFFFFFFFF  }
0xc7: {  	_ =	task.clear_ibuf [dreg:s10], $0x2FFFF;
	_ =	strace $0x9FFFFFFF  }
0xc8: {  	(tm) =	ssettm $0x7FFFFFFF  }
0xc9: {  	_ =	shalt  }
tec
execute0_lowered:
.L_overlay_start_1:
0x0: {  	(tag) =	ssettag $0x1  }
0x1: {  	s0 =	rddreg [dreg:$0x0]  }
0x2: {  	s1 =	rddreg [dreg:$0x1]  }
0x3: {  	s2 =	rddreg [dreg:$0x2]  }
0x4: {  	s5 =	rddreg [dreg:$0x3];
	s3 =	srdreg.scid  }
0x5: {  	s7 =	stileid.u32;
	s6 =	rddreg [dreg:$0x4]  }
0x6: {  	s11 =	simm.s32 $0x280;
	s13 =	simm.s32 $0x80;
	s15 =	simm.s32 $0x388  }
0x7: {  	s17 =	simm.s32 $0x1C90;
	s18 =	simm.s32 $0xB88;
	s19 =	simm.s32 $0x3  }
0x8: {  	s20 =	simm.s32 $0xC10;
	s4 =	sand.u32 $0x1, s3;
	s7 =	sshll.u32 s7, $0x1  }
0x9: {  	s21 =	simm.s32 $0x1490;
	s22 =	simm.s32 $0xC90;
	s7 =	sor.u32 s4, s7  }
0xa: {  	s28 =	simm.s32 $0x0;
	s3 =	simm.s32 $0x0;
	s9 =	smul.u32 $0x28, s7  }
0xb: {  	[smem:$0x7FF] =	sst s3;
	s8 =	ssub.s32 $0x2, s4;
	s7 =	smul.u32 $0x280, s7  }
.Ltmp0:
0xc: {  	_ =	strace $0x80000047;
	s2 =	sadd.s32 s2, s9;
	(pc) =	sbr.rel .LBB2_1-.Ltmp0, $4  }
0xd: {  	s10 =	sshrl.u32 s8, $0x1;
	s30 =	sadd.s32 s5, s9;
	[dreg:$0x6] =	wrdreg s2  }
0xe: {  	s29 =	ssub.s32 s8, s10;
	s31 =	sadd.s32 s6, s7;
	[dreg:$0x7] =	wrdreg s30  }
0xf: {  	s4 =	sadd.s32 $0x400, s0;
	s0 =	smax.u32 s29, $0x1;
	[dreg:$0x8] =	wrdreg s31  }
0x10: {  	v0 =	vlaneseq.u32;
	v1 =	vimm.s32 $0x0;
	v2 =	vimm.f32 $-Inf;
	s5 =	simm.s32 $0x0;
	[dreg:$0x9] =	wrdreg s0;
	s2 =	simm.s32 $0x4  }
.LBB2_69:
0x11: {  	s0 =	rddreg [dreg:$0x8];
	s2 =	simm.s32 $0x4  }
0x12: {  	[hbm4b:s0+s3] =	stream.linear.scatter [tilespmem:s17], [sflag:$0x4], $0x1400, $0x38;
	[tilespmem:$0x3090] =	vst v63  }
0x13: {  	_ =	swait.ge [sflag:s2], $0x1400  }
0x14: {  	s5 =	rddreg [dreg:$0xa]  }
0x15: {  	s31 =	rddreg [dreg:$0x9];
	s5 =	sadd.s32 $0x1, s5  }
0x16: {  	p0 =	sne.s32 s5, s31  }
.Ltmp1:
0x17: {  	_ = 	snop;
	(pc) =	sbr.rel @!p0 .LBB2_70-.Ltmp1, $3  }
0x18: {  	_ =	sdelay $0x1  }
0x19: {  	[sflag:s2] =	ssyncset.done $0x0  }
0x1a: {  	[sflag:s2] =	ssyncadd.s32 $0xFFFFEC00  }
.LBB2_1:
0x1b: {  	[dreg:$0xa] =	wrdreg s5  }
0x1c: {  	s0 =	rddreg [dreg:$0x6]  }
0x1d: {  	[tilespmem:s3], [sflag:$0x4] =	stream.linear.gather [hbm4b:s0+s3], $0x140, $0x38;
	[tilespmem:$0x3090] =	vst v63  }
0x1e: {  	_ =	swait.ge [sflag:s2], $0x140  }
0x1f: {  	s31 =	simm.s32 $0x140;
	[sflag:s2] =	ssyncset.done $0x0  }
.Ltmp2:
0x20: {  	s30 =	rddreg [dreg:$0x7];
	[sflag:s2] =	ssyncadd.s32 $0xFFFFFEC0;
	(pc) =	sbr.rel .LBB2_2-.Ltmp2, $4  }
0x21: {  	[tilespmem:s31], [sflag:$0x4] =	stream.linear.gather [hbm4b:s30+s3], $0x140, $0x38;
	[tilespmem:$0x3090] =	vst v63  }
0x22: {  	_ =	swait.ge [sflag:s2], $0x140  }
0x23: {  	[sflag:s2] =	ssyncset.done $0x0  }
0x24: {  	s24 =	simm.s32 $0x0;
	[sflag:s2] =	ssyncadd.s32 $0xFFFFFEC0  }
.LBB2_4:
0x25: {  	v5 =	vimm.f32 $-Inf  }
.LBB2_24:
0x26: {  	v3 =	vshll.u32 v3, $0x4  }
0x27: {  	v3 =	vor.u32 v0, v3;
	_ =	sdelay $0x4  }
0x28: {  	[tilespmem:v3+s17+$0x0] =	vst.idx.msk $0xffff, v5  }
.LBB2_68:
0x29: {  	s24 =	sadd.s32 $0x1, s24  }
0x2a: {  	p0 =	sne.s32 s24, $0x140  }
.Ltmp3:
0x2b: {  	_ = 	snop;
	(pc) =	sbr.rel @!p0 .LBB2_69-.Ltmp3, $1  }
0x2c: {  	_ =	sdelay $0x3  }
.LBB2_2:
0x2d: {  	v3 =	vmov s24;
	_ =	sdelay $0x4  }
0x2e: {  	v4 =	vld.idx.msk [tilespmem:v3+s3+$0x0], $0xffff;
	_ =	sdelay $0x4  }
0x2f: {  	v4 =	vxor.u32 $0x80000000, v4  }
0x30: {  	(xrf0) =	vmax.scan.msk.u32 $0xffff, v4;
	_ =	sdelay $0x5  }
0x31: {  	v4, _, _ =	vpop (xrf0)  }
0x32: {  	(v2sf) =	vpush v4, $0xF;
	_ =	sdelay $0xe  }
0x33: {  	s0 =	spop (v2sf)  }
0x34: {  	s0 =	sshrl.u32 s0, $0x3  }
0x35: {  	s0 =	sxor.u32 $0x10000000, s0  }
0x36: {  	s9 =	simm.s32 $0x1;
	s0 =	sadd.s32 s1, s0  }
0x37: {  	[tilespmem:s11], [sflag:$0x1] =	stream.linear.gather [hbm4b:s0+s3], $0x88, $0x38;
	[tilespmem:$0x3090] =	vst v63  }
0x38: {  	_ =	swait.ge [sflag:s9], $0x88  }
0x39: {  	[sflag:s9] =	ssyncset.done $0x0  }
0x3a: {  	[sflag:s9] =	ssyncadd.s32 $0xFFFFFF78  }
0x3b: {  	v4 =	vld.idx.msk [tilespmem:v3+s3+$0x0], $0xffff;
	_ =	sdelay $0x4  }
0x3c: {  	v4 =	vxor.u32 $0x80000000, v4  }
0x3d: {  	(xrf0) =	vmax.scan.msk.u32 $0xffff, v4;
	_ =	sdelay $0x5  }
0x3e: {  	v4, _, _ =	vpop (xrf0)  }
0x3f: {  	(v2sf) =	vpush v4, $0xF;
	_ =	sdelay $0xe  }
0x40: {  	s10 =	spop (v2sf)  }
0x41: {  	s0 =	sand.u32 $0x7, s10  }
0x42: {  	v4 =	vadd.s32 s0, v0;
	_ =	sdelay $0x4  }
0x43: {  	s2 =	sor.u32 $0x10, s0;
	v4 =	vld.idx.msk [tilespmem:v4+s11+$0x0], $0xffff  }
0x44: {  	v5 =	vadd.s32 s2, v0;
	_ =	sdelay $0x3  }
0x45: {  	[tilespmem:$0x308] =	vst v4  }
0x46: {  	s12 =	sor.u32 $0x20, s0;
	v4 =	vld.idx.msk [tilespmem:v5+s11+$0x0], $0xffff  }
0x47: {  	v5 =	vadd.s32 s12, v0;
	_ =	sdelay $0x3  }
0x48: {  	[tilespmem:$0x318] =	vst v4  }
0x49: {  	s14 =	sor.u32 $0x30, s0;
	v4 =	vld.idx.msk [tilespmem:v5+s11+$0x0], $0xffff  }
0x4a: {  	v5 =	vadd.s32 s14, v0;
	_ =	sdelay $0x3  }
0x4b: {  	[tilespmem:$0x328] =	vst v4  }
0x4c: {  	s16 =	sor.u32 $0x40, s0;
	v4 =	vld.idx.msk [tilespmem:v5+s11+$0x0], $0xffff  }
0x4d: {  	v5 =	vadd.s32 s16, v0;
	_ =	sdelay $0x3  }
0x4e: {  	[tilespmem:$0x338] =	vst v4  }
0x4f: {  	s23 =	sor.u32 $0x50, s0;
	v4 =	vld.idx.msk [tilespmem:v5+s11+$0x0], $0xffff  }
0x50: {  	v5 =	vadd.s32 s23, v0;
	_ =	sdelay $0x3  }
0x51: {  	[tilespmem:$0x348] =	vst v4  }
0x52: {  	s25 =	sor.u32 $0x60, s0;
	v4 =	vld.idx.msk [tilespmem:v5+s11+$0x0], $0xffff  }
0x53: {  	v5 =	vadd.s32 s25, v0;
	_ =	sdelay $0x3  }
0x54: {  	[tilespmem:$0x358] =	vst v4  }
0x55: {  	s0 =	sor.u32 $0x70, s0;
	v4 =	vld.idx.msk [tilespmem:v5+s11+$0x0], $0xffff  }
0x56: {  	v5 =	vadd.s32 s0, v0;
	_ =	sdelay $0x3  }
0x57: {  	[tilespmem:$0x368] =	vst v4  }
0x58: {  	v4 =	vld.idx.msk [tilespmem:v5+s11+$0x0], $0xffff;
	_ =	sdelay $0x4  }
0x59: {  	s26 =	simm.s32 $0x308;
	s30 =	simm.s32 $0x2;
	[tilespmem:$0x378] =	vst v4  }
0x5a: {  	[tilespmem:s15], [sflag:$0x2] =	stream.indirect.gather [hbm4b:s4+s13], $0x10, s26, s13, $0xb8;
	[tilespmem:$0x3090] =	vst v63  }
0x5b: {  	_ =	swait.ge [sflag:s30], $0x800  }
0x5c: {  	[sflag:s30] =	ssyncset.done $0x0  }
0x5d: {  	s31 =	simm.s32 $0x140;
	[sflag:s30] =	ssyncadd.s32 $0xFFFFF800  }
0x5e: {  	v4 =	vld.idx.msk [tilespmem:v3+s31+$0x0], $0xffff;
	_ =	sdelay $0x4  }
0x5f: {  	v5 =	vxor.u32 $0x80000000, v4  }
0x60: {  	(xrf0) =	vmax.scan.msk.u32 $0xffff, v5;
	_ =	sdelay $0x5  }
0x61: {  	v5, _, _ =	vpop (xrf0)  }
0x62: {  	(v2sf) =	vpush v5, $0xF;
	_ =	sdelay $0xe  }
0x63: {  	s5 =	spop (v2sf)  }
0x64: {  	s29 =	sxor.u32 $0x80000000, s5  }
0x65: {  	p0 =	sgt.s32 s29, $0x80  }
.Ltmp4:
0x66: {  	_ = 	snop;
	(pc) =	sbr.rel @p0 .LBB2_25-.Ltmp4, $3  }
0x67: {  	_ =	sdelay $0x1  }
0x68: {  	v4 =	vadd.s32 $0xFFFFFFFF, v4  }
0x69: {  	v4 =	vshra.s32 v4, $0x1  }
0x6a: {  	p0 =	slt.s32 s29, $0x1  }
.Ltmp5:
0x6b: {  	_ = 	snop;
	(pc) =	sbr.rel @p0 .LBB2_4-.Ltmp5, $1  }
0x6c: {  	_ =	sdelay $0x3  }
.Ltmp6:
0x6d: {  	(pc) =	sbr.rel .LBB2_6-.Ltmp6, $3  }
0x6e: {  	_ =	sdelay $0x1  }
0x6f: {  	s0 =	sshrl.u32 s29, $0x2;
	s2 =	sand.u32 $0x7FFFFFFC, s5;
	s5 =	sand.u32 $0x3, s5  }
0x70: {  	s6 =	simm.s32 $0x0;
	v5 =	vimm.f32 $-Inf;
	p0 =	seq.s32 s0, $0x0;
	p1 =	seq.s32 s5, $0x0  }
.LBB2_25:
0x71: {  	s0 =	sadd.s32 $0x8000007F, s5  }
0x72: {  	v5 =	vshll.u32 v3, $0x4;
	s26 =	sshra.s32 s0, $0x7  }
0x73: {  	v5 =	vor.u32 v0, v5;
	p0 =	slt.s32 s26, $0x1  }
.Ltmp7:
0x74: {  	_ = 	snop;
	(pc) =	sbr.rel @!p0 .LBB2_26-.Ltmp7, $4  }
.Ltmp8:
0x75: {  	_ = 	snop;
	(pc) =	sbr.rel @p0 .LBB2_68-.Ltmp8, $4  }
0x76: {  	_ = 	snop  }
0x77: {  	_ = 	snop  }
0x78: {  	s30 =	simm.s32 $0x0;
	s0 =	smov.u32 s29;
	[tilespmem:v5+s17+$0x0] =	vst.idx.msk $0xffff, v2  }
0x79: {  	_ = 	snop  }
.LBB2_59:
0x7a: {  	v6 =	vimm.f32 $-Inf  }
.LBB2_67:
0x7b: {  	_ =	sdelay $0x3  }
0x7c: {  	v7 =	vld.idx.msk [tilespmem:v5+s17+$0x0], $0xffff;
	s30 =	sadd.s32 $0x1, s30  }
0x7d: {  	p0 =	sne.s32 s30, s26  }
.Ltmp9:
0x7e: {  	_ = 	snop;
	(pc) =	sbr.rel @!p0 .LBB2_68-.Ltmp9, $3  }
0x7f: {  	_ =	sdelay $0x1  }
0x80: {  	v6 =	vmax.f32 v7, v6  }
0x81: {  	s0 =	sadd.s32 $0xFFFFFF80, s0;
	[tilespmem:v5+s17+$0x0] =	vst.idx.msk $0xffff, v6  }
.LBB2_26:
0x82: {  	_ =	sdelay $0x3  }
0x83: {  	v6 =	vld.idx.msk [tilespmem:v3+s28+$0x0], $0xffff;
	_ =	sdelay $0x4  }
0x84: {  	v6 =	vxor.u32 $0x80000000, v6  }
0x85: {  	(xrf0) =	vmax.scan.msk.u32 $0xffff, v6;
	_ =	sdelay $0x5  }
0x86: {  	v6, _, _ =	vpop (xrf0)  }
0x87: {  	(v2sf) =	vpush v6, $0xF;
	_ =	sdelay $0xe  }
0x88: {  	s2 =	sshll.u32 s30, $0x7;
	s5 =	spop (v2sf)  }
0x89: {  	s5 =	sadd.s32 s5, s2  }
0x8a: {  	s5 =	sadd.s32 $0x80000000, s5  }
0x8b: {  	s5 =	sshrl.u32 s5, $0x3  }
0x8c: {  	s5 =	sadd.s32 s1, s5  }
0x8d: {  	[tilespmem:s18], [sflag:$0x3] =	stream.linear.gather [hbm4b:s5+s28], $0x88, $0x38;
	[tilespmem:$0x3090] =	vst v63  }
0x8e: {  	_ =	swait.ge [sflag:s19], $0x88  }
0x8f: {  	[sflag:s19] =	ssyncset.done $0x0  }
0x90: {  	[sflag:s19] =	ssyncadd.s32 $0xFFFFFF78  }
0x91: {  	v6 =	vld.idx.msk [tilespmem:v3+s28+$0x0], $0xffff;
	_ =	sdelay $0x4  }
0x92: {  	v6 =	vxor.u32 $0x80000000, v6  }
0x93: {  	(xrf0) =	vmax.scan.msk.u32 $0xffff, v6;
	_ =	sdelay $0x5  }
0x94: {  	v6, _, _ =	vpop (xrf0)  }
0x95: {  	(v2sf) =	vpush v6, $0xF;
	_ =	sdelay $0xe  }
0x96: {  	s10 =	spop (v2sf)  }
0x97: {  	s5 =	sand.u32 $0x7, s10  }
0x98: {  	v6 =	vadd.s32 s5, v0;
	_ =	sdelay $0x4  }
0x99: {  	s6 =	sor.u32 $0x10, s5;
	v6 =	vld.idx.msk [tilespmem:v6+s18+$0x0], $0xffff  }
0x9a: {  	v7 =	vadd.s32 s6, v0;
	_ =	sdelay $0x3  }
0x9b: {  	[tilespmem:$0xC10] =	vst v6  }
0x9c: {  	s12 =	sor.u32 $0x20, s5;
	v6 =	vld.idx.msk [tilespmem:v7+s18+$0x0], $0xffff  }
0x9d: {  	v7 =	vadd.s32 s12, v0;
	_ =	sdelay $0x3  }
0x9e: {  	[tilespmem:$0xC20] =	vst v6  }
0x9f: {  	s14 =	sor.u32 $0x30, s5;
	v6 =	vld.idx.msk [tilespmem:v7+s18+$0x0], $0xffff  }
0xa0: {  	v7 =	vadd.s32 s14, v0;
	_ =	sdelay $0x3  }
0xa1: {  	[tilespmem:$0xC30] =	vst v6  }
0xa2: {  	s16 =	sor.u32 $0x40, s5;
	v6 =	vld.idx.msk [tilespmem:v7+s18+$0x0], $0xffff  }
0xa3: {  	v7 =	vadd.s32 s16, v0;
	_ =	sdelay $0x3  }
0xa4: {  	[tilespmem:$0xC40] =	vst v6  }
0xa5: {  	s23 =	sor.u32 $0x50, s5;
	v6 =	vld.idx.msk [tilespmem:v7+s18+$0x0], $0xffff  }
0xa6: {  	v7 =	vadd.s32 s23, v0;
	_ =	sdelay $0x3  }
0xa7: {  	[tilespmem:$0xC50] =	vst v6  }
0xa8: {  	s25 =	sor.u32 $0x60, s5;
	v6 =	vld.idx.msk [tilespmem:v7+s18+$0x0], $0xffff  }
0xa9: {  	v7 =	vadd.s32 s25, v0;
	_ =	sdelay $0x3  }
0xaa: {  	[tilespmem:$0xC60] =	vst v6  }
0xab: {  	s5 =	sor.u32 $0x70, s5;
	v6 =	vld.idx.msk [tilespmem:v7+s18+$0x0], $0xffff  }
0xac: {  	v7 =	vadd.s32 s5, v0;
	_ =	sdelay $0x3  }
0xad: {  	[tilespmem:$0xC70] =	vst v6  }
0xae: {  	v6 =	vld.idx.msk [tilespmem:v7+s18+$0x0], $0xffff;
	_ =	sdelay $0x2  }
0xaf: {  	p0 =	sgt.s32 s0, $0x1;
	s2 =	ssub.s32 s29, s2;
	s5 =	smov.u32 s0  }
0xb0: {  	s5 =	simm.s32 @!p0 $0x1;
	p0 =	slt.s32 s2, $0x1  }
.Ltmp10:
0xb1: {  	[tilespmem:$0xC80] =	vst v6;
	(pc) =	sbr.rel @p0 .LBB2_33-.Ltmp10, $4  }
0xb2: {  	[tilespmem:s15], [sflag:$0x3] =	stream.indirect.gather [hbm4b:s4+s13], $0x10, s20, s13, $0xb8;
	[tilespmem:$0x3090] =	vst v63  }
0xb3: {  	_ =	swait.ge [sflag:s19], $0x800  }
0xb4: {  	[sflag:s19] =	ssyncset.done $0x0  }
0xb5: {  	s31 =	smin.u32 s5, $0x80;
	[sflag:s19] =	ssyncadd.s32 $0xFFFFF800  }
0xb6: {  	p2 =	sne.s32 s31, $0x1  }
.Ltmp11:
0xb7: {  	_ = 	snop;
	(pc) =	sbr.rel @!p2 .LBB2_32-.Ltmp11, $2  }
0xb8: {  	_ =	sdelay $0x2  }
0xb9: {  	s2 =	simm.s32 $0x1;
	p1 =	por $0x0, $0x0;
	s5 =	simm.s32 $0x0  }
0xba: {  	p2 =	sne.s32 s31, $0x2  }
.Ltmp12:
0xbb: {  	_ = 	snop;
	(pc) =	sbr.rel @!p2 .LBB2_29-.Ltmp12, $3  }
0xbc: {  	_ =	sdelay $0x1  }
0xbd: {  	s6 =	simm.s32 $0x0  }
0xbe: {  	s5 =	simm.s32 $0x2;
	p1 =	por $0x1, $0x1;
	v6 =	vor.u32 s6, v0  }
.LBB2_30:
0xbf: {  	s6 =	sshll.u32 s2, $0x4;
	s2 =	smov.u32 s5;
	s5 =	sadd.s32 $0x1, s5  }
0xc0: {  	p2 =	sne.s32 s31, s5  }
.Ltmp13:
0xc1: {  	_ = 	snop;
	(pc) =	sbr.rel @p2 .LBB2_30-.Ltmp13, $3  }
0xc2: {  	_ =	sdelay $0x1  }
0xc3: {  	[tilespmem:v6+s21+$0x0] =	vst.idx.msk $0xffff, v1  }
0xc4: {  	v6 =	vor.u32 s6, v0  }
0xc5: {  	s5 =	smov.u32 s2  }
.LBB2_32:
0xc6: {  	s2 =	sshll.u32 s5, $0x4  }
0xc7: {  	v7 =	vor.u32 s2, v0;
	_ =	sdelay $0x3  }
0xc8: {  	[tilespmem:v6+s21+$0x0] =	vst.idx.msk @p1 $0xffff, v1  }
0xc9: {  	[tilespmem:v7+s21+$0x0] =	vst.idx.msk $0xffff, v1  }
.LBB2_33:
.Ltmp14:
0xca: {  	(pc) =	sbr.rel .LBB2_34-.Ltmp14, $2  }
0xcb: {  	_ =	sdelay $0x2  }
0xcc: {  	s2 =	simm.s32 $0x0;
	s25 =	smov.u32 s29  }
.LBB2_54:
0xcd: {  	s2 =	sadd.s32 $0x1, s2  }
0xce: {  	p1 =	seq.s32 s2, s26  }
.Ltmp15:
0xcf: {  	_ = 	snop;
	(pc) =	sbr.rel @p1 .LBB2_55-.Ltmp15, $1  }
0xd0: {  	_ =	sdelay $0x3  }
.LBB2_57:
0xd1: {  	s25 =	sadd.s32 $0xFFFFFF80, s25  }
.LBB2_34:
0xd2: {  	_ =	sdelay $0x3  }
0xd3: {  	v6 =	vld.idx.msk [tilespmem:v3+s3+$0x0], $0xffff;
	_ =	sdelay $0x4  }
0xd4: {  	v6 =	vxor.u32 $0x80000000, v6  }
0xd5: {  	(xrf0) =	vmax.scan.msk.u32 $0xffff, v6;
	_ =	sdelay $0x5  }
0xd6: {  	v6, _, _ =	vpop (xrf0)  }
0xd7: {  	(v2sf) =	vpush v6, $0xF;
	_ =	sdelay $0xe  }
0xd8: {  	s5 =	sshll.u32 s2, $0x7;
	s6 =	spop (v2sf)  }
0xd9: {  	s6 =	sadd.s32 s6, s5  }
0xda: {  	s6 =	sadd.s32 $0x80000000, s6  }
0xdb: {  	s6 =	sshrl.u32 s6, $0x3  }
0xdc: {  	s6 =	sadd.s32 s1, s6  }
0xdd: {  	[tilespmem:s18], [sflag:$0x3] =	stream.linear.gather [hbm4b:s6+s3], $0x88, $0x38;
	[tilespmem:$0x3090] =	vst v63  }
0xde: {  	_ =	swait.ge [sflag:s19], $0x88  }
0xdf: {  	[sflag:s19] =	ssyncset.done $0x0  }
0xe0: {  	[sflag:s19] =	ssyncadd.s32 $0xFFFFFF78  }
0xe1: {  	v6 =	vld.idx.msk [tilespmem:v3+s3+$0x0], $0xffff;
	_ =	sdelay $0x4  }
0xe2: {  	v6 =	vxor.u32 $0x80000000, v6  }
0xe3: {  	(xrf0) =	vmax.scan.msk.u32 $0xffff, v6;
	_ =	sdelay $0x5  }
0xe4: {  	v6, _, _ =	vpop (xrf0)  }
0xe5: {  	(v2sf) =	vpush v6, $0xF;
	_ =	sdelay $0xe  }
0xe6: {  	s9 =	spop (v2sf)  }
0xe7: {  	s6 =	sand.u32 $0x7, s9  }
0xe8: {  	v6 =	vadd.s32 s6, v0;
	_ =	sdelay $0x4  }
0xe9: {  	s7 =	sor.u32 $0x10, s6;
	v6 =	vld.idx.msk [tilespmem:v6+s18+$0x0], $0xffff  }
0xea: {  	v7 =	vadd.s32 s7, v0;
	_ =	sdelay $0x3  }
0xeb: {  	[tilespmem:$0xC10] =	vst v6  }
0xec: {  	s10 =	sor.u32 $0x20, s6;
	v6 =	vld.idx.msk [tilespmem:v7+s18+$0x0], $0xffff  }
0xed: {  	v7 =	vadd.s32 s10, v0;
	_ =	sdelay $0x3  }
0xee: {  	[tilespmem:$0xC20] =	vst v6  }
0xef: {  	s12 =	sor.u32 $0x30, s6;
	v6 =	vld.idx.msk [tilespmem:v7+s18+$0x0], $0xffff  }
0xf0: {  	v7 =	vadd.s32 s12, v0;
	_ =	sdelay $0x3  }
0xf1: {  	[tilespmem:$0xC30] =	vst v6  }
0xf2: {  	s14 =	sor.u32 $0x40, s6;
	v6 =	vld.idx.msk [tilespmem:v7+s18+$0x0], $0xffff  }
0xf3: {  	v7 =	vadd.s32 s14, v0;
	_ =	sdelay $0x3  }
0xf4: {  	[tilespmem:$0xC40] =	vst v6  }
0xf5: {  	s16 =	sor.u32 $0x50, s6;
	v6 =	vld.idx.msk [tilespmem:v7+s18+$0x0], $0xffff  }
0xf6: {  	v7 =	vadd.s32 s16, v0;
	_ =	sdelay $0x3  }
0xf7: {  	[tilespmem:$0xC50] =	vst v6  }
0xf8: {  	s23 =	sor.u32 $0x60, s6;
	v6 =	vld.idx.msk [tilespmem:v7+s18+$0x0], $0xffff  }
0xf9: {  	v7 =	vadd.s32 s23, v0;
	_ =	sdelay $0x3  }
0xfa: {  	[tilespmem:$0xC60] =	vst v6  }
0xfb: {  	s6 =	sor.u32 $0x70, s6;
	v6 =	vld.idx.msk [tilespmem:v7+s18+$0x0], $0xffff  }
0xfc: {  	v7 =	vadd.s32 s6, v0;
	_ =	sdelay $0x3  }
0xfd: {  	[tilespmem:$0xC70] =	vst v6  }
0xfe: {  	v6 =	vld.idx.msk [tilespmem:v7+s18+$0x0], $0xffff;
	_ =	sdelay $0x4  }
.Ltmp16:
0xff: {  	[tilespmem:$0xC80] =	vst v6;
	(pc) =	sbr.rel @p0 .LBB2_58-.Ltmp16, $4  }
0x100: {  	[tilespmem:s22], [sflag:$0x3] =	stream.indirect.gather [hbm4b:s4+s13], $0x10, s20, s13, $0xb8;
	[tilespmem:$0x3090] =	vst v63  }
0x101: {  	_ =	swait.ge [sflag:s19], $0x800  }
0x102: {  	[sflag:s19] =	ssyncset.done $0x0  }
0x103: {  	[sflag:s19] =	ssyncadd.s32 $0xFFFFF800  }
0x104: {  	p1 =	slt.s32 s25, $0x80  }
.Ltmp17:
0x105: {  	s6 =	smov.u32 s25;
	s8 =	ssub.s32 s29, s5;
	(pc) =	sbr.rel .LBB2_36-.Ltmp17, $4  }
0x106: {  	s6 =	simm.s32 @!p1 $0x80;
	p1 =	slt.s32 s8, $0x80  }
0x107: {  	s5 =	sand.u32 $0x3, s6;
	s8 =	simm.s32 @!p1 $0x80  }
0x108: {  	s6 =	sand.u32 $0xFFFFFFFC, s6;
	s7 =	sshra.s32 s8, $0x2;
	s9 =	sand.u32 $0x3, s8  }
0x109: {  	s8 =	simm.s32 $0x0;
	p1 =	slt.s32 s7, $0x1;
	p2 =	seq.s32 s9, $0x0  }
.LBB2_58:
0x10a: {  	s2 =	sadd.s32 $0x1, s2  }
0x10b: {  	p1 =	seq.s32 s2, s26  }
.Ltmp18:
0x10c: {  	_ = 	snop;
	(pc) =	sbr.rel @!p1 .LBB2_57-.Ltmp18, $4  }
.Ltmp19:
0x10d: {  	_ = 	snop;
	(pc) =	sbr.rel @p1 .LBB2_59-.Ltmp19, $4  }
0x10e: {  	_ = 	snop  }
0x10f: {  	_ = 	snop  }
0x110: {  	_ = 	snop  }
0x111: {  	_ = 	snop  }
.LBB2_48:
0x112: {  	v11 =	vmov v8  }
.LBB2_52:
0x113: {  	_ =	sdelay $0x3  }
0x114: {  	v9 =	vld.idx.msk [tilespmem:v9+s22+$0x0], $0xffff;
	_ =	sdelay $0x2  }
0x115: {  	vm0 =	vlt.f32 @p3 v10, v7  }
0x116: {  	v10 =	vsel @p3 vm0, $0x1, v1  }
0x117: {  	v10 =	vadd.s32 @p3 v10, v11;
	vm15 =	vlt.f32 v9, v7  }
0x118: {  	v7 =	vpsel p3, v10, v8;
	v8 =	vsel vm15, $0x1, v1  }
0x119: {  	v8 =	vadd.s32 v8, v7  }
.LBB2_53:
0x11a: {  	_ =	sdelay $0x3  }
0x11b: {  	v7 =	vld.idx.msk [tilespmem:v6+s21+$0x0], $0xffff;
	s8 =	sadd.s32 $0x1, s8  }
0x11c: {  	p3 =	sne.s32 s8, s31  }
.Ltmp20:
0x11d: {  	_ = 	snop;
	(pc) =	sbr.rel @!p3 .LBB2_54-.Ltmp20, $3  }
0x11e: {  	_ =	sdelay $0x1  }
0x11f: {  	v7 =	vadd.s32 v8, v7  }
0x120: {  	[tilespmem:v6+s21+$0x0] =	vst.idx.msk $0xffff, v7  }
.LBB2_36:
0x121: {  	s9 =	sshll.u32 s8, $0x4  }
0x122: {  	v6 =	vor.u32 s9, v0;
	_ =	sdelay $0x4  }
.Ltmp21:
0x123: {  	v7 =	vld.idx.msk [tilespmem:v6+s15+$0x0], $0xffff;
	(pc) =	sbr.rel @p1 .LBB2_46-.Ltmp21, $2  }
0x124: {  	_ =	sdelay $0x2  }
0x125: {  	v8 =	vimm.s32 $0x0  }
0x126: {  	p5 =	sne.s32 s7, $0x1  }
.Ltmp22:
0x127: {  	_ = 	snop;
	(pc) =	sbr.rel @!p5 .LBB2_38-.Ltmp22, $4  }
0x128: {  	_ = 	snop  }
0x129: {  	s9 =	simm.s32 $0x30  }
0x12a: {  	s23 =	simm.s32 $0x20;
	s10 =	simm.s32 $0x10;
	s12 =	simm.s32 $0x0  }
0x12b: {  	s14 =	sadd.s32 $0xFFFFFFFF, s7;
	p3 =	por $0x0, $0x0;
	p4 =	por $0x0, $0x0;
	v19 =	vor.u32 s10, v0;
	v12 =	vor.u32 s23, v0;
	v9 =	vor.u32 s12, v0  }
0x12c: {  	_ = 	snop  }
0x12d: {  	p5 =	sne.s32 s14, $0x1  }
.Ltmp23:
0x12e: {  	_ = 	snop;
	(pc) =	sbr.rel @!p5 .LBB2_40-.Ltmp23, $4  }
0x12f: {  	_ = 	snop  }
0x130: {  	v18 =	vld.idx.msk [tilespmem:v9+s22+$0x0], $0xffff  }
0x131: {  	s10 =	simm.s32 $0x60;
	v10 =	vor.u32 s9, v0;
	s12 =	simm.s32 $0x50;
	s23 =	simm.s32 $0x40;
	v20 =	vld.idx.msk [tilespmem:v19+s22+$0x0], $0xffff  }
0x132: {  	s9 =	simm.s32 $0x70;
	s14 =	sadd.s32 $0xFFFFFFFF, s14;
	v21 =	vld.idx.msk [tilespmem:v12+s22+$0x0], $0xffff;
	p3 =	por $0x1, $0x1;
	v19 =	vor.u32 s12, v0;
	v16 =	vor.u32 s10, v0;
	v9 =	vor.u32 s23, v0  }
0x133: {  	_ =	sdelay $0x2  }
0x134: {  	p5 =	sne.s32 s14, $0x1  }
.Ltmp24:
0x135: {  	v11 =	vld.idx.msk [tilespmem:v10+s22+$0x0], $0xffff;
	v10 =	vor.u32 s9, v0;
	(pc) =	sbr.rel @!p5 .LBB2_42-.Ltmp24, $4  }
0x136: {  	s10 =	simm.s32 $0xA0;
	s23 =	simm.s32 $0x90  }
0x137: {  	s12 =	simm.s32 $0x80;
	v14 =	vld.idx.msk [tilespmem:v9+s22+$0x0], $0xffff;
	v13 =	vor.u32 s23, v0;
	v12 =	vor.u32 s10, v0;
	vm0 =	vlt.f32 v18, v7  }
0x138: {  	s9 =	simm.s32 $0xB0;
	v15 =	vld.idx.msk [tilespmem:v19+s22+$0x0], $0xffff;
	v9 =	vor.u32 s12, v0;
	v18 =	vsel vm0, $0x1, v1;
	vm0 =	vlt.f32 v20, v7  }
0x139: {  	v17 =	vld.idx.msk [tilespmem:v16+s22+$0x0], $0xffff;
	p4 =	por $0x1, $0x1;
	s23 =	sadd.s32 $0xFFFFFFFF, s14;
	s14 =	simm.s32 $0xF;
	v22 =	vadd.s32 v18, v8;
	v23 =	vsel vm0, $0x1, v1;
	vm0 =	vlt.f32 v21, v7  }
.LBB2_43:
0x13a: {  	s10 =	sshll.u32 s14, $0x4;
	v16 =	vadd.s32 v23, v22;
	v18 =	vsel vm0, $0x1, v1;
	vm0 =	vlt.f32 v11, v7;
	v11 =	vld.idx.msk [tilespmem:v10+s22+$0x0], $0xffff;
	p5 =	sne.s32 s23, $0x1  }
.Ltmp25:
0x13b: {  	v10 =	vor.u32 s9, v0;
	s12 =	sadd.s32 $0xFFFFFFF0, s10;
	v16 =	vadd.s32 v18, v16;
	v18 =	vsel vm0, $0x1, v1;
	s9 =	smov.u32 s10;
	(pc) =	sbr.rel @p5 .LBB2_43-.Ltmp25, $4  }
0x13c: {  	s23 =	sadd.s32 $0xFFFFFFFF, s23;
	s10 =	sadd.s32 $0xFFFFFFE0, s9;
	v16 =	vadd.s32 v18, v16  }
0x13d: {  	s16 =	sadd.s32 $0xFFFFFFD0, s9;
	v19 =	vor.u32 s12, v0;
	vm0 =	vlt.f32 v14, v7;
	v18 =	vor.u32 s10, v0;
	v14 =	vld.idx.msk [tilespmem:v9+s22+$0x0], $0xffff  }
0x13e: {  	v9 =	vor.u32 s16, v0;
	v20 =	vsel vm0, $0x1, v1;
	vm0 =	vlt.f32 v15, v7;
	v15 =	vld.idx.msk [tilespmem:v13+s22+$0x0], $0xffff;
	v13 =	vmovc v18  }
0x13f: {  	s14 =	sadd.s32 $0x4, s14;
	v22 =	vadd.s32 v20, v16;
	v23 =	vsel vm0, $0x1, v1;
	vm0 =	vlt.f32 v17, v7;
	v17 =	vld.idx.msk [tilespmem:v12+s22+$0x0], $0xffff;
	v12 =	vmovc v19  }
0x140: {  	_ =	sdelay $0x3  }
0x141: {  	v19 =	vmovc v13;
	v16 =	vmovc v12;
	v18 =	vmov v14;
	v20 =	vmov v15;
	v21 =	vmov v17  }
.LBB2_45:
0x142: {  	_ =	sdelay $0x2  }
0x143: {  	v12 =	vadd.s32 @p4 v23, v22  }
0x144: {  	v13 =	vsel @p4 vm0, $0x1, v1;
	vm0 =	vlt.f32 @p4 v11, v7;
	v10 =	vld.idx.msk @p3 [tilespmem:v10+s22+$0x0], $0xffff;
	v62 =	vor.u32 s9, v0  }
0x145: {  	v11 =	vadd.s32 @p4 v13, v12;
	v12 =	vsel @p4 vm0, $0x1, v1;
	vm0 =	vlt.f32 @p3 v18, v7  }
0x146: {  	v11 =	vadd.s32 @p4 v12, v11;
	v12 =	vsel @p3 vm0, $0x1, v1;
	vm0 =	vlt.f32 @p3 v20, v7  }
0x147: {  	v9 =	vld.idx.msk [tilespmem:v9+s22+$0x0], $0xffff;
	v11 =	vpsel p4, v11, v8;
	v14 =	vsel @p3 vm0, $0x1, v1  }
0x148: {  	v63 =	vld.idx.msk [tilespmem:v19+s22+$0x0], $0xffff;
	vm0 =	vlt.f32 @p3 v21, v7;
	v11 =	vadd.s32 @p3 v12, v11;
	v14 =	vpsel p3, v14, v0  }
0x149: {  	v15 =	vld.idx.msk [tilespmem:v16+s22+$0x0], $0xffff;
	vm0 =	vmmov @p3 vm0;
	v11 =	vpsel p3, v11, v0;
	v10 =	vpsel p3, v10, v0  }
0x14a: {  	v13 =	vld.idx.msk [tilespmem:v62+s22+$0x0], $0xffff;
	v11 =	vadd.s32 @p3 v14, v11;
	v14 =	vsel @p3 vm0, $0x1, v1;
	vm0 =	vlt.f32 @p3 v10, v7  }
0x14b: {  	v10 =	vadd.s32 @p3 v14, v11;
	v11 =	vsel @p3 vm0, $0x1, v1  }
0x14c: {  	vm12 =	vlt.f32 v9, v7;
	v10 =	vadd.s32 @p3 v11, v10  }
0x14d: {  	vm13 =	vlt.f32 v63, v7;
	v9 =	vsel vm12, $0x1, v1;
	v8 =	vpsel p3, v10, v8  }
0x14e: {  	vm14 =	vlt.f32 v15, v7;
	v8 =	vadd.s32 v9, v8;
	v9 =	vsel vm13, $0x1, v1  }
0x14f: {  	vm15 =	vlt.f32 v13, v7;
	v8 =	vadd.s32 v9, v8;
	v9 =	vsel vm14, $0x1, v1  }
0x150: {  	v8 =	vadd.s32 v9, v8;
	v9 =	vsel vm15, $0x1, v1  }
0x151: {  	v8 =	vadd.s32 v9, v8  }
.LBB2_46:
.Ltmp26:
0x152: {  	(pc) =	sbr.rel @p2 .LBB2_53-.Ltmp26, $1  }
0x153: {  	_ =	sdelay $0x3  }
0x154: {  	p4 =	sne.s32 s5, $0x1  }
.Ltmp27:
0x155: {  	_ = 	snop;
	(pc) =	sbr.rel @!p4 .LBB2_48-.Ltmp27, $3  }
0x156: {  	_ =	sdelay $0x1  }
0x157: {  	s10 =	sshll.u32 s6, $0x4  }
0x158: {  	s9 =	sadd.s32 $0xFFFFFFFF, s5;
	s14 =	sadd.s32 $0x1, s6;
	p3 =	por $0x0, $0x0;
	v9 =	vor.u32 s10, v0  }
0x159: {  	_ =	sdelay $0x2  }
0x15a: {  	s10 =	sshll.u32 s14, $0x4;
	p4 =	sne.s32 s9, $0x1  }
.Ltmp28:
0x15b: {  	v10 =	vld.idx.msk [tilespmem:v9+s22+$0x0], $0xffff;
	v9 =	vor.u32 s10, v0;
	(pc) =	sbr.rel @!p4 .LBB2_50-.Ltmp28, $2  }
0x15c: {  	_ =	sdelay $0x2  }
0x15d: {  	s9 =	sadd.s32 $0xFFFFFFFF, s9;
	s14 =	sadd.s32 $0x1, s14;
	p3 =	por $0x1, $0x1;
	v11 =	vmov v8  }
.LBB2_51:
0x15e: {  	s10 =	sshll.u32 s14, $0x4;
	p4 =	sne.s32 s9, $0x1;
	s9 =	sadd.s32 $0xFFFFFFFF, s9;
	vm0 =	vlt.f32 v10, v7;
	v10 =	vld.idx.msk [tilespmem:v9+s22+$0x0], $0xffff  }
.Ltmp29:
0x15f: {  	v9 =	vor.u32 s10, v0;
	v12 =	vsel vm0, $0x1, v1;
	(pc) =	sbr.rel @p4 .LBB2_51-.Ltmp29, $2  }
0x160: {  	v11 =	vadd.s32 v12, v11;
	_ =	sdelay $0x2  }
0x161: {  	s14 =	sadd.s32 $0x1, s14  }
.Ltmp30:
0x162: {  	_ = 	snop;
	(pc) =	sbr.rel .LBB2_52-.Ltmp30, $1  }
0x163: {  	_ =	sdelay $0x3  }
.LBB2_38:
.Ltmp31:
0x164: {  	(pc) =	sbr.rel .LBB2_45-.Ltmp31, $2  }
0x165: {  	_ =	sdelay $0x2  }
0x166: {  	s9 =	simm.s32 $0x30;
	v16 =	vmov v12  }
.LBB2_40:
.Ltmp32:
0x167: {  	(pc) =	sbr.rel .LBB2_45-.Ltmp32, $2  }
0x168: {  	_ =	sdelay $0x2  }
0x169: {  	_ = 	snop  }
.LBB2_50:
.Ltmp33:
0x16a: {  	(pc) =	sbr.rel .LBB2_52-.Ltmp33, $2  }
0x16b: {  	_ =	sdelay $0x2  }
0x16c: {  	v11 =	vmov v8  }
.LBB2_42:
.Ltmp34:
0x16d: {  	_ = 	snop;
	(pc) =	sbr.rel .LBB2_45-.Ltmp34, $2  }
0x16e: {  	_ =	sdelay $0x2  }
0x16f: {  	s9 =	simm.s32 $0xB0;
	v19 =	vmovc v13;
	v16 =	vmovc v12;
	v18 =	vmov v14;
	v20 =	vmov v15;
	v21 =	vmov v17  }
.LBB2_55:
0x170: {  	p2 =	sne.s32 s31, $0x1  }
.Ltmp35:
0x171: {  	_ = 	snop;
	(pc) =	sbr.rel @!p2 .LBB2_56-.Ltmp35, $2  }
0x172: {  	_ =	sdelay $0x2  }
0x173: {  	v6 =	vimm.f32 $-Inf;
	s2 =	simm.s32 $0x0;
	p0 =	por $0x0, $0x0;
	p1 =	por $0x0, $0x0  }
0x174: {  	v13 =	vor.u32 s2, v0;
	p2 =	sne.s32 s31, $0x2  }
.Ltmp36:
0x175: {  	_ = 	snop;
	(pc) =	sbr.rel @!p2 .LBB2_61-.Ltmp36, $2  }
0x176: {  	_ =	sdelay $0x2  }
0x177: {  	s2 =	simm.s32 $0x10;
	p0 =	por $0x1, $0x1;
	v11 =	vld.idx.msk [tilespmem:v13+s15+$0x0], $0xffff  }
0x178: {  	_ =	sdelay $0x2  }
0x179: {  	v10 =	vor.u32 s2, v0;
	p2 =	sne.s32 s31, $0x3  }
.Ltmp37:
0x17a: {  	v7 =	vld.idx.msk [tilespmem:v13+s21+$0x0], $0xffff;
	(pc) =	sbr.rel @!p2 .LBB2_63-.Ltmp37, $2  }
0x17b: {  	_ =	sdelay $0x2  }
0x17c: {  	s5 =	simm.s32 $0x3;
	s2 =	simm.s32 $0x20;
	p1 =	por $0x1, $0x1;
	v8 =	vimm.f32 $-Inf;
	v9 =	vmax.f32 v6, v11;
	v12 =	vld.idx.msk [tilespmem:v10+s15+$0x0], $0xffff  }
.LBB2_64:
0x17d: {  	vm0 =	vgt.s32 v7, v4;
	v7 =	vld.idx.msk [tilespmem:v10+s21+$0x0], $0xffff;
	v10 =	vor.u32 s2, v0;
	s2 =	smov.u32 s5;
	s5 =	sadd.s32 $0x1, s5  }
0x17e: {  	p2 =	sne.s32 s31, s5  }
.Ltmp38:
0x17f: {  	v8 =	vsel vm0, v8, v9;
	(pc) =	sbr.rel @p2 .LBB2_64-.Ltmp38, $2  }
0x180: {  	_ =	sdelay $0x2  }
0x181: {  	s2 =	sshll.u32 s2, $0x4;
	v9 =	vmax.f32 v8, v12;
	v12 =	vld.idx.msk [tilespmem:v10+s15+$0x0], $0xffff  }
0x182: {  	_ =	sdelay $0x3  }
0x183: {  	v13 =	vmov v10;
	v11 =	vmov v12  }
.LBB2_66:
0x184: {  	_ =	sdelay $0x1  }
0x185: {  	v10 =	vor.u32 s2, v0;
	_ =	sdelay $0x1  }
0x186: {  	v12 =	vld.idx.msk @p0 [tilespmem:v13+s21+$0x0], $0xffff;
	_ =	sdelay $0x1  }
0x187: {  	vm0 =	vgt.s32 @p1 v7, v4  }
0x188: {  	v7 =	vsel @p1 vm0, v8, v9;
	v8 =	vld.idx.msk [tilespmem:v10+s15+$0x0], $0xffff  }
0x189: {  	v7 =	vpsel p1, v7, v6;
	v63 =	vld.idx.msk [tilespmem:v10+s21+$0x0], $0xffff  }
0x18a: {  	v10 =	vmax.f32 @p0 v7, v11;
	v11 =	vpsel p0, v12, v0  }
.Ltmp39:
0x18b: {  	v10 =	vpsel p0, v10, v0;
	vm0 =	vgt.s32 @p0 v11, v4;
	(pc) =	sbr.rel .LBB2_67-.Ltmp39, $4  }
0x18c: {  	v7 =	vsel @p0 vm0, v7, v10  }
0x18d: {  	v6 =	vpsel p0, v7, v6  }
0x18e: {  	v7 =	vmax.f32 v6, v8;
	vm15 =	vgt.s32 v63, v4  }
0x18f: {  	v6 =	vsel vm15, v6, v7  }
.LBB2_56:
.Ltmp40:
0x190: {  	(pc) =	sbr.rel .LBB2_66-.Ltmp40, $2  }
0x191: {  	_ =	sdelay $0x2  }
0x192: {  	v8 =	vimm.f32 $-Inf  }
.LBB2_29:
.Ltmp41:
0x193: {  	(pc) =	sbr.rel .LBB2_32-.Ltmp41, $2  }
0x194: {  	_ =	sdelay $0x2  }
0x195: {  	s5 =	simm.s32 $0x1  }
.LBB2_61:
.Ltmp42:
0x196: {  	(pc) =	sbr.rel .LBB2_66-.Ltmp42, $2  }
0x197: {  	_ =	sdelay $0x2  }
0x198: {  	v8 =	vimm.f32 $-Inf  }
.LBB2_63:
.Ltmp43:
0x199: {  	_ = 	snop;
	(pc) =	sbr.rel .LBB2_66-.Ltmp43, $2  }
0x19a: {  	_ =	sdelay $0x2  }
0x19b: {  	v13 =	vmov v10;
	v8 =	vimm.f32 $-Inf;
	v11 =	vmov v12  }
.LBB2_18:
0x19c: {  	v10 =	vmov v7  }
.LBB2_22:
0x19d: {  	_ =	sdelay $0x3  }
0x19e: {  	v8 =	vld.idx.msk [tilespmem:v8+s15+$0x0], $0xffff;
	_ =	sdelay $0x2  }
0x19f: {  	vm0 =	vlt.f32 @p2 v9, v6  }
0x1a0: {  	v9 =	vsel @p2 vm0, $0x1, v1  }
0x1a1: {  	v9 =	vadd.s32 @p2 v9, v10;
	vm15 =	vlt.f32 v8, v6  }
0x1a2: {  	v7 =	vpsel p2, v9, v7;
	v8 =	vsel vm15, $0x1, v1  }
0x1a3: {  	v7 =	vadd.s32 v8, v7  }
.LBB2_23:
0x1a4: {  	s6 =	sadd.s32 $0x1, s6  }
0x1a5: {  	p2 =	sne.s32 s6, s29  }
.Ltmp44:
0x1a6: {  	_ = 	snop;
	(pc) =	sbr.rel @!p2 .LBB2_24-.Ltmp44, $3  }
0x1a7: {  	_ =	sdelay $0x1  }
0x1a8: {  	vm0 =	vgt.s32 v7, v4;
	v6 =	vmax.f32 v5, v6  }
0x1a9: {  	v5 =	vsel vm0, v5, v6  }
.LBB2_6:
0x1aa: {  	s7 =	sshll.u32 s6, $0x4  }
0x1ab: {  	v6 =	vor.u32 s7, v0;
	_ =	sdelay $0x4  }
.Ltmp45:
0x1ac: {  	v6 =	vld.idx.msk [tilespmem:v6+s15+$0x0], $0xffff;
	(pc) =	sbr.rel @p0 .LBB2_16-.Ltmp45, $2  }
0x1ad: {  	_ =	sdelay $0x2  }
0x1ae: {  	v7 =	vimm.s32 $0x0  }
0x1af: {  	p4 =	sne.s32 s0, $0x1  }
.Ltmp46:
0x1b0: {  	_ = 	snop;
	(pc) =	sbr.rel @!p4 .LBB2_8-.Ltmp46, $4  }
0x1b1: {  	_ = 	snop  }
0x1b2: {  	s7 =	simm.s32 $0x30  }
0x1b3: {  	s9 =	simm.s32 $0x20;
	s14 =	simm.s32 $0x10;
	s23 =	simm.s32 $0x0  }
0x1b4: {  	s8 =	sadd.s32 $0xFFFFFFFF, s0;
	p2 =	por $0x0, $0x0;
	p3 =	por $0x0, $0x0;
	v18 =	vor.u32 s14, v0;
	v11 =	vor.u32 s9, v0;
	v8 =	vor.u32 s23, v0  }
0x1b5: {  	_ = 	snop  }
0x1b6: {  	p4 =	sne.s32 s8, $0x1  }
.Ltmp47:
0x1b7: {  	_ = 	snop;
	(pc) =	sbr.rel @!p4 .LBB2_10-.Ltmp47, $4  }
0x1b8: {  	_ = 	snop  }
0x1b9: {  	v17 =	vld.idx.msk [tilespmem:v8+s15+$0x0], $0xffff  }
0x1ba: {  	s9 =	simm.s32 $0x60;
	v9 =	vor.u32 s7, v0;
	s14 =	simm.s32 $0x50;
	s23 =	simm.s32 $0x40;
	v19 =	vld.idx.msk [tilespmem:v18+s15+$0x0], $0xffff  }
0x1bb: {  	s7 =	simm.s32 $0x70;
	s8 =	sadd.s32 $0xFFFFFFFF, s8;
	v20 =	vld.idx.msk [tilespmem:v11+s15+$0x0], $0xffff;
	p2 =	por $0x1, $0x1;
	v18 =	vor.u32 s14, v0;
	v15 =	vor.u32 s9, v0;
	v8 =	vor.u32 s23, v0  }
0x1bc: {  	_ =	sdelay $0x2  }
0x1bd: {  	p4 =	sne.s32 s8, $0x1  }
.Ltmp48:
0x1be: {  	v10 =	vld.idx.msk [tilespmem:v9+s15+$0x0], $0xffff;
	v9 =	vor.u32 s7, v0;
	(pc) =	sbr.rel @!p4 .LBB2_12-.Ltmp48, $4  }
0x1bf: {  	s9 =	simm.s32 $0xA0;
	s31 =	simm.s32 $0x90  }
0x1c0: {  	s14 =	simm.s32 $0x80;
	v13 =	vld.idx.msk [tilespmem:v8+s15+$0x0], $0xffff;
	v12 =	vor.u32 s31, v0;
	v11 =	vor.u32 s9, v0;
	vm0 =	vlt.f32 v17, v6  }
0x1c1: {  	s7 =	simm.s32 $0xB0;
	v14 =	vld.idx.msk [tilespmem:v18+s15+$0x0], $0xffff;
	v8 =	vor.u32 s14, v0;
	v17 =	vsel vm0, $0x1, v1;
	vm0 =	vlt.f32 v19, v6  }
0x1c2: {  	s8 =	sadd.s32 $0xFFFFFFFF, s8;
	v16 =	vld.idx.msk [tilespmem:v15+s15+$0x0], $0xffff;
	p3 =	por $0x1, $0x1;
	s9 =	simm.s32 $0xF;
	v21 =	vadd.s32 v17, v7;
	v22 =	vsel vm0, $0x1, v1;
	vm0 =	vlt.f32 v20, v6  }
.LBB2_13:
0x1c3: {  	s14 =	sshll.u32 s9, $0x4;
	v15 =	vadd.s32 v22, v21;
	v17 =	vsel vm0, $0x1, v1;
	vm0 =	vlt.f32 v10, v6;
	v10 =	vld.idx.msk [tilespmem:v9+s15+$0x0], $0xffff;
	p4 =	sne.s32 s8, $0x1  }
.Ltmp49:
0x1c4: {  	v9 =	vor.u32 s7, v0;
	s23 =	sadd.s32 $0xFFFFFFF0, s14;
	v15 =	vadd.s32 v17, v15;
	v17 =	vsel vm0, $0x1, v1;
	s7 =	smov.u32 s14;
	(pc) =	sbr.rel @p4 .LBB2_13-.Ltmp49, $4  }
0x1c5: {  	s8 =	sadd.s32 $0xFFFFFFFF, s8;
	s14 =	sadd.s32 $0xFFFFFFE0, s7;
	v15 =	vadd.s32 v17, v15  }
0x1c6: {  	s25 =	sadd.s32 $0xFFFFFFD0, s7;
	v18 =	vor.u32 s23, v0;
	vm0 =	vlt.f32 v13, v6;
	v17 =	vor.u32 s14, v0;
	v13 =	vld.idx.msk [tilespmem:v8+s15+$0x0], $0xffff  }
0x1c7: {  	v8 =	vor.u32 s25, v0;
	v19 =	vsel vm0, $0x1, v1;
	vm0 =	vlt.f32 v14, v6;
	v14 =	vld.idx.msk [tilespmem:v12+s15+$0x0], $0xffff;
	v12 =	vmovc v17  }
0x1c8: {  	s9 =	sadd.s32 $0x4, s9;
	v21 =	vadd.s32 v19, v15;
	v22 =	vsel vm0, $0x1, v1;
	vm0 =	vlt.f32 v16, v6;
	v16 =	vld.idx.msk [tilespmem:v11+s15+$0x0], $0xffff;
	v11 =	vmovc v18  }
0x1c9: {  	_ =	sdelay $0x3  }
0x1ca: {  	v18 =	vmovc v12;
	v15 =	vmovc v11;
	v17 =	vmov v13;
	v19 =	vmov v14;
	v20 =	vmov v16  }
.LBB2_15:
0x1cb: {  	_ =	sdelay $0x2  }
0x1cc: {  	v11 =	vadd.s32 @p3 v22, v21  }
0x1cd: {  	v12 =	vsel @p3 vm0, $0x1, v1;
	vm0 =	vlt.f32 @p3 v10, v6;
	v9 =	vld.idx.msk @p2 [tilespmem:v9+s15+$0x0], $0xffff;
	v62 =	vor.u32 s7, v0  }
0x1ce: {  	v10 =	vadd.s32 @p3 v12, v11;
	v11 =	vsel @p3 vm0, $0x1, v1;
	vm0 =	vlt.f32 @p2 v17, v6  }
0x1cf: {  	v10 =	vadd.s32 @p3 v11, v10;
	v11 =	vsel @p2 vm0, $0x1, v1;
	vm0 =	vlt.f32 @p2 v19, v6  }
0x1d0: {  	v8 =	vld.idx.msk [tilespmem:v8+s15+$0x0], $0xffff;
	v10 =	vpsel p3, v10, v7;
	v13 =	vsel @p2 vm0, $0x1, v1  }
0x1d1: {  	v63 =	vld.idx.msk [tilespmem:v18+s15+$0x0], $0xffff;
	vm0 =	vlt.f32 @p2 v20, v6;
	v10 =	vadd.s32 @p2 v11, v10;
	v13 =	vpsel p2, v13, v0  }
0x1d2: {  	v14 =	vld.idx.msk [tilespmem:v15+s15+$0x0], $0xffff;
	vm0 =	vmmov @p2 vm0;
	v10 =	vpsel p2, v10, v0;
	v9 =	vpsel p2, v9, v0  }
0x1d3: {  	v12 =	vld.idx.msk [tilespmem:v62+s15+$0x0], $0xffff;
	v10 =	vadd.s32 @p2 v13, v10;
	v13 =	vsel @p2 vm0, $0x1, v1;
	vm0 =	vlt.f32 @p2 v9, v6  }
0x1d4: {  	v9 =	vadd.s32 @p2 v13, v10;
	v10 =	vsel @p2 vm0, $0x1, v1  }
0x1d5: {  	vm12 =	vlt.f32 v8, v6;
	v9 =	vadd.s32 @p2 v10, v9  }
0x1d6: {  	vm13 =	vlt.f32 v63, v6;
	v8 =	vsel vm12, $0x1, v1;
	v7 =	vpsel p2, v9, v7  }
0x1d7: {  	vm14 =	vlt.f32 v14, v6;
	v7 =	vadd.s32 v8, v7;
	v8 =	vsel vm13, $0x1, v1  }
0x1d8: {  	vm15 =	vlt.f32 v12, v6;
	v7 =	vadd.s32 v8, v7;
	v8 =	vsel vm14, $0x1, v1  }
0x1d9: {  	v7 =	vadd.s32 v8, v7;
	v8 =	vsel vm15, $0x1, v1  }
0x1da: {  	v7 =	vadd.s32 v8, v7  }
.LBB2_16:
.Ltmp50:
0x1db: {  	(pc) =	sbr.rel @p1 .LBB2_23-.Ltmp50, $1  }
0x1dc: {  	_ =	sdelay $0x3  }
0x1dd: {  	p3 =	sne.s32 s5, $0x1  }
.Ltmp51:
0x1de: {  	_ = 	snop;
	(pc) =	sbr.rel @!p3 .LBB2_18-.Ltmp51, $3  }
0x1df: {  	_ =	sdelay $0x1  }
0x1e0: {  	s8 =	sshll.u32 s2, $0x4  }
0x1e1: {  	s7 =	sadd.s32 $0xFFFFFFFF, s5;
	p2 =	por $0x0, $0x0;
	v8 =	vor.u32 s8, v0;
	s8 =	sadd.s32 $0x1, s2  }
0x1e2: {  	_ =	sdelay $0x2  }
0x1e3: {  	s9 =	sshll.u32 s8, $0x4;
	p3 =	sne.s32 s7, $0x1  }
.Ltmp52:
0x1e4: {  	v9 =	vld.idx.msk [tilespmem:v8+s15+$0x0], $0xffff;
	v8 =	vor.u32 s9, v0;
	(pc) =	sbr.rel @!p3 .LBB2_20-.Ltmp52, $2  }
0x1e5: {  	_ =	sdelay $0x2  }
0x1e6: {  	s7 =	sadd.s32 $0xFFFFFFFF, s7;
	s8 =	sadd.s32 $0x1, s8;
	p2 =	por $0x1, $0x1;
	v10 =	vmov v7  }
.LBB2_21:
0x1e7: {  	s9 =	sshll.u32 s8, $0x4;
	p3 =	sne.s32 s7, $0x1;
	s7 =	sadd.s32 $0xFFFFFFFF, s7;
	vm0 =	vlt.f32 v9, v6;
	v9 =	vld.idx.msk [tilespmem:v8+s15+$0x0], $0xffff  }
.Ltmp53:
0x1e8: {  	v8 =	vor.u32 s9, v0;
	v11 =	vsel vm0, $0x1, v1;
	(pc) =	sbr.rel @p3 .LBB2_21-.Ltmp53, $2  }
0x1e9: {  	v10 =	vadd.s32 v11, v10;
	_ =	sdelay $0x2  }
0x1ea: {  	s8 =	sadd.s32 $0x1, s8  }
.Ltmp54:
0x1eb: {  	_ = 	snop;
	(pc) =	sbr.rel .LBB2_22-.Ltmp54, $1  }
0x1ec: {  	_ =	sdelay $0x3  }
.LBB2_8:
.Ltmp55:
0x1ed: {  	(pc) =	sbr.rel .LBB2_15-.Ltmp55, $2  }
0x1ee: {  	_ =	sdelay $0x2  }
0x1ef: {  	s7 =	simm.s32 $0x30;
	v15 =	vmov v11  }
.LBB2_10:
.Ltmp56:
0x1f0: {  	(pc) =	sbr.rel .LBB2_15-.Ltmp56, $2  }
0x1f1: {  	_ =	sdelay $0x2  }
0x1f2: {  	_ = 	snop  }
.LBB2_20:
.Ltmp57:
0x1f3: {  	(pc) =	sbr.rel .LBB2_22-.Ltmp57, $2  }
0x1f4: {  	_ =	sdelay $0x2  }
0x1f5: {  	v10 =	vmov v7  }
.LBB2_12:
.Ltmp58:
0x1f6: {  	_ = 	snop;
	(pc) =	sbr.rel .LBB2_15-.Ltmp58, $2  }
0x1f7: {  	_ =	sdelay $0x2  }
0x1f8: {  	s7 =	simm.s32 $0xB0;
	v18 =	vmovc v12;
	v15 =	vmovc v11;
	v17 =	vmov v13;
	v19 =	vmov v14;
	v20 =	vmov v16  }
.LBB2_70:
0x1f9: {  	_ =	sfence.sel $0x180000  }
0x1fa: {  	[bflag:$0x0] =	sbarrier.arrive $0xFFFF  }
0x1fb: {  	_ =	strace $0x90000047  }
0x1fc: {  	s0 =	stileid.u32;
	[bflag:$0x2] =	sbarrier.arrive $0xFFFF  }
0x1fd: {  	p0 =	sne.s32 s0, $0x0;
	s0 =	rddreg [dreg:$0x5]  }
0x1fe: {  	s0 =	sadd.s32 @!p0 $0x100000, s0  }
0x1ff: {  	[sflag:s0] =	ssyncadd.tile.s32 @!p0 $0x1;
	_ =	shalt  }
.Lfunc_end2:
_tile_overlayer_lowered:
.L_overlay_start_2:
0x200: {  	(tag) =	ssettag $0x2  }
0x201: {  	s0 =	rddreg [dreg:$0x0];
	s2 =	stileid.u32  }
0x202: {  	s1 =	rddreg [dreg:$0x1];
	p0 =	sne.s32 s2, $0x0  }
0x203: {  	s3 =	rddreg [dreg:$0x2];
	[bflag:$0x3] =	sbarrier.arrive $0xFFFF;
	s2 =	simm.s32 @!p0 $0x1C04  }
0x204: {  	[timem:s3], [sflag:s2] =	dma.local @!p0 [hbm:s0], s1  }
0x205: {  	s0 =	simm.s32 @!p0 $0x4  }
0x206: {  	_ =	swait.ge @!p0 [sflag:s0], s1  }
0x207: {  	s1 =	ssub.s32 @!p0 $0x0, s1;
	[sflag:s0] =	ssyncset.done @!p0 $0x0  }
0x208: {  	[sflag:s0] =	ssyncadd.s32 @!p0 s1  }
0x209: {  	[bflag:$0x3] =	sbarrier.arrive $0xFFFF  }
0x20a: {  	_ =	shalt  }

</sc_bundles>
